<compile_context>
chip_gen: v7x
topology: tpu7x:2x2x1
jax: 0.10.2.dev20260603
libtpu: 0.0.44.dev20260713+nightly
codegen_flags: <defaults>
</compile_context>

<pallas_src>
import functools

import jax
import jax.numpy as jnp
from jax import lax
from jax.experimental import pallas as pl
from jax.experimental.pallas import tpu as pltpu
from jax.experimental.pallas import tpu_sc as plsc

_B = 16
_L = 49
_BL = _B * _L
_T = 8
_D = 64
_POS = 8
_DIN = _D + _POS
_H = 8
_DK = 64
_USERS = 100000
_STEP = 5
_NEG = -(2.0 ** 32) + 1.0

_ROWS = _T * _BL
_NW = 32
_CHUNK = 104
_PER_W = 208
_ROWS_PAD = _NW * _PER_W


_UPW = 32
_UPAD = _NW * _UPW


def _sc_gather3(table3d, idx):
    mesh = plsc.VectorSubcoreMesh(core_axis_name="c", subcore_axis_name="s")

    @functools.partial(
        pl.kernel,
        mesh=mesh,
        out_type=jax.ShapeDtypeStruct((_T, _UPAD, _D), jnp.float32),
        compiler_params=pltpu.CompilerParams(use_tc_tiling_on_sc=False),
        scratch_types=[
            pltpu.VMEM((_UPW,), jnp.int32),
            pltpu.VMEM((_UPW, _D), jnp.float32),
            pltpu.SemaphoreType.DMA,
        ],
    )
    def gk(table_hbm, idx_hbm, out_hbm, idx_v, rows_v, sem):
        wid = lax.axis_index("s") * 2 + lax.axis_index("c")
        base = wid * _UPW
        pltpu.sync_copy(idx_hbm.at[pl.ds(base, _UPW)], idx_v)
        for t in range(_T):
            pltpu.async_copy(table_hbm.at[t].at[idx_v], rows_v, sem).wait()
            pltpu.sync_copy(rows_v, out_hbm.at[t].at[pl.ds(base, _UPW)])

    return gk(table3d, idx)


def _attn_body(ts_ref, times_ref, dyu_ref, temb_ref, pos_ref, seqr_ref,
               wq_ref, wk_ref, wv_ref, wo_ref,
               l1w_ref, l1b_ref, l2w_ref, l2b_ref,
               s1_ref, b1_ref, s2_ref, b2_ref, out_ref):
    f32 = jnp.float32
    ts = ts_ref[...]
    times = times_ref[...]
    col = lax.broadcasted_iota(jnp.int32, (_B, _L), 1)
    valid = ts >= 0
    sentinel = jnp.int32(-2 ** 31)
    cur = jnp.max(times)
    oh_rows = []
    n_chunks = (_L + _STEP - 1) // _STEP
    for c in range(n_chunks):
        lo, hi = _STEP * c, min(_STEP * c + _STEP, _L)
        sel = (col >= lo) & (col < hi) & valid
        has_valid = jnp.any(sel)
        cmax = jnp.max(jnp.where(sel, ts, sentinel))
        cur = jnp.where(has_valid, cmax, cur)
        cnt = jnp.sum((times <= cur).astype(jnp.int32))
        val = jnp.where(cnt > 0, cnt - 1, jnp.int32(_T - 1))
        oh_rows.append(
            (lax.broadcasted_iota(jnp.int32, (1, _T), 1) == val).astype(f32))
    oh10 = jnp.concatenate(oh_rows, axis=0)
    r_iota = lax.broadcasted_iota(jnp.int32, (_BL, n_chunks), 0)
    c_iota = lax.broadcasted_iota(jnp.int32, (_BL, n_chunks), 1)
    exp_c = ((r_iota % _L) // _STEP == c_iota).astype(f32)
    t_sel = jnp.dot(oh10, temb_ref[...], preferred_element_type=f32)
    t_bl = jnp.dot(exp_c, t_sel, preferred_element_type=f32)

    dyu = dyu_ref[...]
    scale_t = 1.0 / (_D ** 0.5)
    affs = [jnp.sum(t_bl * dyu[t], axis=-1, keepdims=True) * scale_t
            for t in range(_T)]
    aff = jnp.concatenate(affs, axis=1)
    aff = aff - jnp.max(aff, axis=1, keepdims=True)
    ea = jnp.exp(aff)
    alpha = ea / jnp.sum(ea, axis=1, keepdims=True)
    dyemb = alpha[:, 0:1] * dyu[0]
    for t in range(1, _T):
        dyemb = dyemb + alpha[:, t:t + 1] * dyu[t]

    x = jnp.concatenate([dyemb, pos_ref[...]], axis=-1)

    seqr = seqr_ref[...]
    ri = lax.broadcasted_iota(jnp.int32, (_BL, _BL), 0)
    ci = lax.broadcasted_iota(jnp.int32, (_BL, _BL), 1)
    same_b = (ri // _L) == (ci // _L)
    inb_mask = ((ci % _L) > (ri % _L)) | (seqr == 0)
    neg_inf = f32(-jnp.inf)
    scale = 1.0 / (_DK ** 0.5 + 1e-6)
    vatt = jnp.zeros((_BL, _DIN), f32)
    for h in range(_H):
        qh = jnp.dot(x, wq_ref[h], preferred_element_type=f32)
        kh = jnp.dot(x, wk_ref[h], preferred_element_type=f32)
        vh = jnp.dot(x, wv_ref[h], preferred_element_type=f32)
        sc = lax.dot_general(qh, kh, (((1,), (1,)), ((), ())),
                             preferred_element_type=f32) * scale
        sc = jnp.where(same_b, jnp.where(inb_mask, f32(_NEG), sc), neg_inf)
        sc = sc - jnp.max(sc, axis=-1, keepdims=True)
        es = jnp.exp(sc)
        attn = es / jnp.sum(es, axis=-1, keepdims=True)
        ctx = jnp.dot(attn, vh, preferred_element_type=f32)
        vatt = vatt + jnp.dot(ctx, wo_ref[h], preferred_element_type=f32)

    def ln(v, s, b):
        mu = jnp.mean(v, axis=-1, keepdims=True)
        var = jnp.mean((v - mu) ** 2, axis=-1, keepdims=True)
        return (v - mu) / jnp.sqrt(var + 1e-5) * s + b

    x1 = ln(x + vatt, s1_ref[...], b1_ref[...])
    ffn = lax.dot_general(x1, l1w_ref[...], (((1,), (1,)), ((), ())),
                          preferred_element_type=f32) + l1b_ref[...]
    ffn = jnp.maximum(ffn, 0.0)
    ffn = lax.dot_general(ffn, l2w_ref[...], (((1,), (1,)), ((), ())),
                          preferred_element_type=f32) + l2b_ref[...]
    res = ln(x1 + ffn, s2_ref[...], b2_ref[...])
    out_ref[...] = res.astype(jnp.bfloat16)


_VT = 8192
_NV = (_USERS + _VT - 1) // _VT
_RB = 392
_NR = _BL // _RB
_BPR = _RB // _L


def _proj_body(att_ref, w_ref, b_ref, seq_ref, out_ref):
    f32 = jnp.float32
    bf16 = jnp.bfloat16
    vt = pl.program_id(0)
    qi = lax.broadcasted_iota(jnp.int32, (_L, _L), 0)
    ki = lax.broadcasted_iota(jnp.int32, (_L, _L), 1)
    tril = (ki <= qi).astype(bf16)
    colv = lax.broadcasted_iota(jnp.int32, (_L, _VT), 1) + vt * _VT
    for i in range(_BPR):
        att = att_ref[pl.ds(i * _L, _L)]
        logits = jnp.dot(att, w_ref[...].astype(bf16),
                         preferred_element_type=f32) + b_ref[...]
        eq = (colv == seq_ref[pl.ds(i * _L, _L)]).astype(bf16)
        pref = jnp.dot(tril, eq, preferred_element_type=f32)
        masked = (pref > 0.5) | (colv == 0)
        out_ref[pl.ds(i * _L, _L)] = logits + jnp.where(
            masked, f32(-1000.0), f32(0.0))


def kernel(input_seq, input_timestamp, tgt_idx, dyn_times, dyn_node_emb,
           time_emb, pos_emb, W_q, W_k, W_v, W_o, lin1_w, lin1_b, lin2_w,
           lin2_b, ln1_s, ln1_b, ln2_s, ln2_b, out_w, out_b):
    f32 = jnp.float32
    seq = input_seq[:, :-1].astype(jnp.int32)
    ts = input_timestamp[:, :-1].astype(jnp.int32)

    seq_flat = seq.reshape(-1)
    idx = jnp.concatenate(
        [seq_flat, jnp.zeros((_UPAD - _BL,), jnp.int32)])
    rows = _sc_gather3(dyn_node_emb, idx)
    dyu = rows[:, :_BL, :]

    wq_h = W_q.reshape(_DIN, _H, _DK).transpose(1, 0, 2)
    wk_h = W_k.reshape(_DIN, _H, _DK).transpose(1, 0, 2)
    wv_h = W_v.reshape(_DIN, _H, _DK).transpose(1, 0, 2)
    wo_h = W_o.reshape(_H, _DK, _DIN)
    pos_bl = jnp.broadcast_to(pos_emb[None, :_L], (_B, _L, _POS)
                              ).reshape(_BL, _POS)
    att_out = pl.pallas_call(
        _attn_body,
        out_shape=jax.ShapeDtypeStruct((_BL, _DIN), jnp.bfloat16),
    )(ts, dyn_times.reshape(1, _T).astype(jnp.int32), dyu, time_emb,
      pos_bl, seq_flat.reshape(1, _BL),
      wq_h, wk_h, wv_h, wo_h,
      lin1_w, lin1_b.reshape(1, _DIN), lin2_w, lin2_b.reshape(1, _DIN),
      ln1_s.reshape(1, _DIN), ln1_b.reshape(1, _DIN),
      ln2_s.reshape(1, _DIN), ln2_b.reshape(1, _DIN))

    seq_col = seq_flat.reshape(_BL, 1)
    out3 = pl.pallas_call(
        _proj_body,
        grid=(_NV, _NR),
        compiler_params=pltpu.CompilerParams(
            dimension_semantics=("parallel", "parallel")),
        in_specs=[
            pl.BlockSpec((_RB, _DIN), lambda v, r: (r, 0)),
            pl.BlockSpec((_DIN, _VT), lambda v, r: (0, v)),
            pl.BlockSpec((1, _VT), lambda v, r: (0, v)),
            pl.BlockSpec((_RB, 1), lambda v, r: (r, 0)),
        ],
        out_specs=pl.BlockSpec((_RB, _VT), lambda v, r: (r, v)),
        out_shape=jax.ShapeDtypeStruct((_BL, _USERS), f32),
    )(att_out, out_w.T, out_b.reshape(1, _USERS), seq_col)

    return out3

# --- scband reference (transcript-rebuilt; emitter-appended) ---
"""Pipeline reference for scband-dy-hgcn-67774583930932 (READ-ONLY COPY).

The authoritative reference and input builder live on the scoring server;
editing this copy changes nothing except your own understanding.
"""

import jax, jax.numpy as jnp
import numpy as np

B = 16
SEQ = 50
USER_NUM = 100000
D_MODEL = 64
POS_DIM = 8
N_HEADS = 8
D_K = 64
T_STEPS = 8
CAS_NUM = 500
PAD = 0
D_IN = D_MODEL + POS_DIM
STEP_LEN = 5


def _dyemb_timestamp(ts, times, Bv, Lv, Tv):
    # Faithful port of the chunked timestamp -> snapshot-index assignment loop.
    out = jnp.zeros((Bv, Lv), dtype=jnp.int32)
    cur = times[-1].astype(jnp.int32)
    sentinel = jnp.iinfo(jnp.int32).min
    for t in range(0, Lv, STEP_LEN):
        chunk = ts[:, t:t + STEP_LEN].astype(jnp.int32)
        valid_mask = chunk >= 0
        has_valid = jnp.any(valid_mask)
        chunk_max = jnp.max(jnp.where(valid_mask, chunk, sentinel))
        cur = jnp.where(has_valid, chunk_max, cur)
        cnt = jnp.sum(times.astype(jnp.int32) <= cur).astype(jnp.int32)
        val = jnp.where(cnt > 0, cnt - 1, jnp.int32(Tv - 1))
        out = out.at[:, t:t + STEP_LEN].set(val)
    return out


def _layer_norm(x, s, b, eps=1e-5):
    mu = jnp.mean(x, axis=-1, keepdims=True)
    var = jnp.mean((x - mu) ** 2, axis=-1, keepdims=True)
    return (x - mu) / jnp.sqrt(var + eps) * s + b


def _prev_user_mask(seq, user_size):
    # get_previous_user_mask: scatter -1000 into [B, L, user_num] at previously seen users.
    Bv, Lv = seq.shape
    seqs = jnp.broadcast_to(seq[:, None, :], (Bv, Lv, Lv)).astype(jnp.float32)
    tril = jnp.tril(jnp.ones((Lv, Lv), jnp.float32))
    m = tril[None, :, :] * seqs
    m = jnp.concatenate([m, jnp.zeros((Bv, Lv, 1), jnp.float32)], axis=2).astype(jnp.int32)
    ans = jnp.zeros((Bv, Lv, user_size), jnp.float32)
    bi = jnp.arange(Bv)[:, None, None]
    qi = jnp.arange(Lv)[None, :, None]
    return ans.at[bi, qi, m].set(-1000.0)


def _forward(seq, mask, dyts, dyn_node_emb, time_emb, pos_emb, W_q, W_k, W_v, W_o, lin1_w, lin1_b, lin2_w, lin2_b, ln1_s, ln1_b, ln2_s, ln2_b, out_w, out_b):
    Bv, Lv = seq.shape
    d = dyn_node_emb.shape[-1]
    batch_t = jnp.broadcast_to(jnp.arange(Lv), (Bv, Lv))
    order_embed = jnp.take(pos_emb, batch_t, axis=0)
    # gather per-snapshot user embeddings: [T, B, L, d] -> [B, L, T, d]
    dyuser = jnp.transpose(jnp.take(dyn_node_emb, seq, axis=1), (1, 2, 0, 3))
    # TimeAttention over the T snapshots
    T_embed = jnp.take(time_emb, dyts, axis=0)
    affine = jnp.einsum('bqd,bqld->bql', T_embed, dyuser) / (d ** 0.5)
    alpha = jax.nn.softmax(affine, axis=-1)
    dyemb = jnp.sum(alpha[..., None] * dyuser, axis=2)
    x = jnp.concatenate([dyemb, order_embed], axis=-1)
    # TransformerBlock (decoder self-attention, pad + causal mask, eval mode: no dropout)
    Q = (x @ W_q).reshape(Bv, Lv, N_HEADS, D_K).transpose(0, 2, 1, 3)
    K = (x @ W_k).reshape(Bv, Lv, N_HEADS, D_K).transpose(0, 2, 1, 3)
    V = (x @ W_v).reshape(Bv, Lv, N_HEADS, D_K).transpose(0, 2, 1, 3)
    scores = jnp.einsum('bhqd,bhkd->bhqk', Q, K) / (D_K ** 0.5 + 1e-6)
    future = jnp.triu(jnp.ones((Lv, Lv), bool), k=1)
    full_mask = mask[:, None, None, :] | future[None, None, :, :]
    scores = jnp.where(full_mask, -(2.0 ** 32) + 1.0, scores)
    attn = jax.nn.softmax(scores, axis=-1)
    V_att = jnp.einsum('bhqk,bhkd->bhqd', attn, V).transpose(0, 2, 1, 3).reshape(Bv, Lv, N_HEADS * D_K)
    V_att = V_att @ W_o
    X = _layer_norm(x + V_att, ln1_s, ln1_b)
    ffn = jax.nn.relu(X @ lin1_w.T + lin1_b) @ lin2_w.T + lin2_b
    att_out = _layer_norm(X + ffn, ln2_s, ln2_b)
    output = att_out @ out_w.T + out_b
    output = output + _prev_user_mask(seq, out_w.shape[0])
    return output.reshape(-1, output.shape[-1])


def setup_inputs(seed: int = 0):
    key = jax.random.key(seed)
    ks = jax.random.split(key, 14)
    inp = {}
    inp['input_seq'] = jax.random.randint(ks[0], (B, SEQ), 0, USER_NUM)
    inp['input_timestamp'] = jnp.sort(jax.random.randint(ks[1], (B, SEQ), 0, 10000), axis=-1)
    inp['tgt_idx'] = jax.random.randint(ks[2], (B,), 0, CAS_NUM)
    inp['dyn_times'] = jnp.arange(1, T_STEPS + 1, dtype=jnp.int32) * (10000 // T_STEPS)
    inp['dyn_node_emb'] = jax.random.normal(ks[3], (T_STEPS, USER_NUM, D_MODEL), jnp.float32) * 0.02
    inp['time_emb'] = jax.random.normal(ks[4], (T_STEPS, D_MODEL), jnp.float32) * 0.02
    inp['pos_emb'] = jax.random.normal(ks[5], (CAS_NUM, POS_DIM), jnp.float32) * 0.02
    inp['W_q'] = jax.random.normal(ks[6], (D_IN, N_HEADS * D_K), jnp.float32) * 0.05
    inp['W_k'] = jax.random.normal(ks[7], (D_IN, N_HEADS * D_K), jnp.float32) * 0.05
    inp['W_v'] = jax.random.normal(ks[8], (D_IN, N_HEADS * D_K), jnp.float32) * 0.05
    inp['W_o'] = jax.random.normal(ks[9], (N_HEADS * D_K, D_IN), jnp.float32) * 0.05
    inp['lin1_w'] = jax.random.normal(ks[10], (D_IN, D_IN), jnp.float32) * 0.05
    inp['lin1_b'] = jnp.zeros((D_IN,), jnp.float32)
    inp['lin2_w'] = jax.random.normal(ks[11], (D_IN, D_IN), jnp.float32) * 0.05
    inp['lin2_b'] = jnp.zeros((D_IN,), jnp.float32)
    inp['ln1_s'] = jnp.ones((D_IN,), jnp.float32)
    inp['ln1_b'] = jnp.zeros((D_IN,), jnp.float32)
    inp['ln2_s'] = jnp.ones((D_IN,), jnp.float32)
    inp['ln2_b'] = jnp.zeros((D_IN,), jnp.float32)
    inp['out_w'] = jax.random.normal(ks[12], (USER_NUM, D_IN), jnp.float32) * 0.02
    inp['out_b'] = jnp.zeros((USER_NUM,), jnp.float32)
    return inp


def reference(input_seq, input_timestamp, tgt_idx, dyn_times, dyn_node_emb, time_emb, pos_emb, W_q, W_k, W_v, W_o, lin1_w, lin1_b, lin2_w, lin2_b, ln1_s, ln1_b, ln2_s, ln2_b, out_w, out_b):
    seq = input_seq[:, :-1]
    ts = input_timestamp[:, :-1]
    Bv, Lv = seq.shape
    Tv = dyn_node_emb.shape[0]
    dyts = _dyemb_timestamp(ts, dyn_times, Bv, Lv, Tv)
    mask = seq == PAD
    return _forward(seq, mask, dyts, dyn_node_emb, time_emb, pos_emb, W_q, W_k, W_v, W_o, lin1_w, lin1_b, lin2_w, lin2_b, ln1_s, ln1_b, ln2_s, ln2_b, out_w, out_b)

if __name__ == "__main__":
    import jax
    _d = setup_inputs()
    print(jax.jit(kernel)(*tuple(_d.values())))

</pallas_src>

<mosaic_0001>
#map = affine_map<(d0, d1) -> (0, 0, 0)>
#map1 = affine_map<(d0, d1) -> (0)>
module attributes {stable_mosaic.version = 14 : i64} {
  func.func @gk(%arg0: i32, %arg1: i32, %arg2: memref<8x100000x64xf32, #tpu.memory_space<hbm>>, %arg3: memref<1024xi32, #tpu.memory_space<hbm>>, %arg4: memref<8x1024x64xf32, #tpu.memory_space<hbm>>, %arg5: memref<32xi32, #tpu.memory_space<vmem>>, %arg6: memref<32x64xf32, #tpu.memory_space<vmem>>, %arg7: memref<!tpu.dma_semaphore, #tpu.memory_space<semaphore_mem>>) attributes {dimension_semantics = [#tpu.dimension_semantics<core_parallel>, #tpu.dimension_semantics<subcore_parallel>], iteration_bounds = array<i64: 2, 16>, scalar_prefetch = 0 : i64, scratch_operands = 3 : i64, tpu.core_type = #tpu.core_type<sc_vector_subcore>, window_params = [{transform_indices = #map}, {transform_indices = #map1}, {transform_indices = #map}]} {
    %mul3A = arith.constant 2 : i32
    %mul3A_0 = arith.muli %arg1, %mul3A : i32
    %add3A = arith.addi %mul3A_0, %arg0 : i32
    %mul3A_1 = arith.constant 32 : i32
    %mul3A_2 = arith.muli %add3A, %mul3A_1 : i32
    "tpu.region"() ({
      %run_scoped3A_136 = tpu.sem_alloc : memref<!tpu.dma_semaphore, #tpu.memory_space<semaphore_mem>>
      %dma_start3A_137 = tpu.memref_slice %arg3[%mul3A_2] : memref<1024xi32, #tpu.memory_space<hbm>> -> memref<32xi32, #tpu.memory_space<hbm>>
      %dma_start3A_138 = tpu.memref_slice %arg3[%mul3A_2] : memref<1024xi32, #tpu.memory_space<hbm>> -> memref<32xi32, #tpu.memory_space<hbm>>
      tpu.enqueue_dma source(%dma_start3A_138 : memref<32xi32, #tpu.memory_space<hbm>>) target(%arg5 : memref<32xi32, #tpu.memory_space<vmem>>) target_semaphore(%run_scoped3A_136 : memref<!tpu.dma_semaphore, #tpu.memory_space<semaphore_mem>>)
      %dma_wait3A_139 = tpu.memref_slice %arg3[%mul3A_2] : memref<1024xi32, #tpu.memory_space<hbm>> -> memref<32xi32, #tpu.memory_space<hbm>>
      %dma_wait3A_140 = tpu.memref_slice %arg3[%mul3A_2] : memref<1024xi32, #tpu.memory_space<hbm>> -> memref<32xi32, #tpu.memory_space<hbm>>
      tpu.wait_dma2 semaphore(%run_scoped3A_136 : memref<!tpu.dma_semaphore, #tpu.memory_space<semaphore_mem>>) src(%dma_wait3A_140 : memref<32xi32, #tpu.memory_space<hbm>>) dst(%arg5 : memref<32xi32, #tpu.memory_space<vmem>>)
      tpu.yield
    }) : () -> ()
    %dma_start3A = arith.constant 0 : i32
    %dma_start3A_3 = arith.constant 0 : i32
    %dma_start3A_4 = arith.constant 0 : i32
    %dma_start3A_5 = tpu.memref_slice %arg2[%dma_start3A, %dma_start3A_3, %dma_start3A_4] : memref<8x100000x64xf32, #tpu.memory_space<hbm>> -> memref<1x100000x64xf32, #tpu.memory_space<hbm>>
    %dma_start3A_6 = tpu.memref_squeeze %dma_start3A_5 : memref<1x100000x64xf32, #tpu.memory_space<hbm>> -> memref<100000x64xf32, #tpu.memory_space<hbm>>
    %dma_start3A_7 = arith.constant 0 : i32
    %dma_start3A_8 = arith.constant 0 : i32
    %dma_start3A_9 = tpu.memref_slice %dma_start3A_6[%dma_start3A_7, %dma_start3A_8] : memref<100000x64xf32, #tpu.memory_space<hbm>> -> memref<100000x64xf32, #tpu.memory_space<hbm>>
    tpu.enqueue_indirect_dma source(%dma_start3A_9 : memref<100000x64xf32, #tpu.memory_space<hbm>>) target(%arg6 : memref<32x64xf32, #tpu.memory_space<vmem>>) offsets(%arg5 : memref<32xi32, #tpu.memory_space<vmem>>) semaphore(%arg7 : memref<!tpu.dma_semaphore, #tpu.memory_space<semaphore_mem>>)
    %dma_wait3A = arith.constant 0 : i32
    %dma_wait3A_10 = arith.constant 0 : i32
    %dma_wait3A_11 = arith.constant 0 : i32
    %dma_wait3A_12 = tpu.memref_slice %arg2[%dma_wait3A, %dma_wait3A_10, %dma_wait3A_11] : memref<8x100000x64xf32, #tpu.memory_space<hbm>> -> memref<1x100000x64xf32, #tpu.memory_space<hbm>>
    %dma_wait3A_13 = tpu.memref_squeeze %dma_wait3A_12 : memref<1x100000x64xf32, #tpu.memory_space<hbm>> -> memref<100000x64xf32, #tpu.memory_space<hbm>>
    %dma_wait3A_14 = arith.constant 0 : i32
    %dma_wait3A_15 = arith.constant 0 : i32
    %dma_wait3A_16 = tpu.memref_slice %dma_wait3A_13[%dma_wait3A_14, %dma_wait3A_15] : memref<100000x64xf32, #tpu.memory_space<hbm>> -> memref<100000x64xf32, #tpu.memory_space<hbm>>
    tpu.wait_indirect_dma semaphore(%arg7 : memref<!tpu.dma_semaphore, #tpu.memory_space<semaphore_mem>>) src(%dma_wait3A_16 : memref<100000x64xf32, #tpu.memory_space<hbm>>) dst(%arg6 : memref<32x64xf32, #tpu.memory_space<vmem>>)
    %run_scoped3A = arith.constant 0 : i32
    "tpu.region"() ({
      %run_scoped3A_136 = tpu.sem_alloc : memref<!tpu.dma_semaphore, #tpu.memory_space<semaphore_mem>>
      %dma_start3A_137 = arith.constant 0 : i32
      %dma_start3A_138 = arith.constant 0 : i32
      %dma_start3A_139 = tpu.memref_slice %arg4[%run_scoped3A, %dma_start3A_137, %dma_start3A_138] : memref<8x1024x64xf32, #tpu.memory_space<hbm>> -> memref<1x1024x64xf32, #tpu.memory_space<hbm>>
      %dma_start3A_140 = tpu.memref_squeeze %dma_start3A_139 : memref<1x1024x64xf32, #tpu.memory_space<hbm>> -> memref<1024x64xf32, #tpu.memory_space<hbm>>
      %dma_start3A_141 = arith.constant 0 : i32
      %dma_start3A_142 = tpu.memref_slice %dma_start3A_140[%mul3A_2, %dma_start3A_141] : memref<1024x64xf32, #tpu.memory_space<hbm>> -> memref<32x64xf32, #tpu.memory_space<hbm>>
      %dma_start3A_143 = arith.constant 0 : i32
      %dma_start3A_144 = arith.constant 0 : i32
      %dma_start3A_145 = tpu.memref_slice %arg4[%run_scoped3A, %dma_start3A_143, %dma_start3A_144] : memref<8x1024x64xf32, #tpu.memory_space<hbm>> -> memref<1x1024x64xf32, #tpu.memory_space<hbm>>
      %dma_start3A_146 = tpu.memref_squeeze %dma_start3A_145 : memref<1x1024x64xf32, #tpu.memory_space<hbm>> -> memref<1024x64xf32, #tpu.memory_space<hbm>>
      %dma_start3A_147 = arith.constant 0 : i32
      %dma_start3A_148 = tpu.memref_slice %dma_start3A_146[%mul3A_2, %dma_start3A_147] : memref<1024x64xf32, #tpu.memory_space<hbm>> -> memref<32x64xf32, #tpu.memory_space<hbm>>
      tpu.enqueue_dma source(%arg6 : memref<32x64xf32, #tpu.memory_space<vmem>>) target(%dma_start3A_148 : memref<32x64xf32, #tpu.memory_space<hbm>>) target_semaphore(%run_scoped3A_136 : memref<!tpu.dma_semaphore, #tpu.memory_space<semaphore_mem>>)
      %dma_wait3A_149 = arith.constant 0 : i32
      %dma_wait3A_150 = arith.constant 0 : i32
      %dma_wait3A_151 = tpu.memref_slice %arg4[%run_scoped3A, %dma_wait3A_149, %dma_wait3A_150] : memref<8x1024x64xf32, #tpu.memory_space<hbm>> -> memref<1x1024x64xf32, #tpu.memory_space<hbm>>
      %dma_wait3A_152 = tpu.memref_squeeze %dma_wait3A_151 : memref<1x1024x64xf32, #tpu.memory_space<hbm>> -> memref<1024x64xf32, #tpu.memory_space<hbm>>
      %dma_wait3A_153 = arith.constant 0 : i32
      %dma_wait3A_154 = tpu.memref_slice %dma_wait3A_152[%mul3A_2, %dma_wait3A_153] : memref<1024x64xf32, #tpu.memory_space<hbm>> -> memref<32x64xf32, #tpu.memory_space<hbm>>
      %dma_wait3A_155 = arith.constant 0 : i32
      %dma_wait3A_156 = arith.constant 0 : i32
      %dma_wait3A_157 = tpu.memref_slice %arg4[%run_scoped3A, %dma_wait3A_155, %dma_wait3A_156] : memref<8x1024x64xf32, #tpu.memory_space<hbm>> -> memref<1x1024x64xf32, #tpu.memory_space<hbm>>
      %dma_wait3A_158 = tpu.memref_squeeze %dma_wait3A_157 : memref<1x1024x64xf32, #tpu.memory_space<hbm>> -> memref<1024x64xf32, #tpu.memory_space<hbm>>
      %dma_wait3A_159 = arith.constant 0 : i32
      %dma_wait3A_160 = tpu.memref_slice %dma_wait3A_158[%mul3A_2, %dma_wait3A_159] : memref<1024x64xf32, #tpu.memory_space<hbm>> -> memref<32x64xf32, #tpu.memory_space<hbm>>
      tpu.wait_dma2 semaphore(%run_scoped3A_136 : memref<!tpu.dma_semaphore, #tpu.memory_space<semaphore_mem>>) src(%arg6 : memref<32x64xf32, #tpu.memory_space<vmem>>) dst(%dma_wait3A_160 : memref<32x64xf32, #tpu.memory_space<hbm>>)
      tpu.yield
    }) : () -> ()
    %dma_start3A_17 = arith.constant 1 : i32
    %dma_start3A_18 = arith.constant 0 : i32
    %dma_start3A_19 = arith.constant 0 : i32
    %dma_start3A_20 = tpu.memref_slice %arg2[%dma_start3A_17, %dma_start3A_18, %dma_start3A_19] : memref<8x100000x64xf32, #tpu.memory_space<hbm>> -> memref<1x100000x64xf32, #tpu.memory_space<hbm>>
    %dma_start3A_21 = tpu.memref_squeeze %dma_start3A_20 : memref<1x100000x64xf32, #tpu.memory_space<hbm>> -> memref<100000x64xf32, #tpu.memory_space<hbm>>
    %dma_start3A_22 = arith.constant 0 : i32
    %dma_start3A_23 = arith.constant 0 : i32
    %dma_start3A_24 = tpu.memref_slice %dma_start3A_21[%dma_start3A_22, %dma_start3A_23] : memref<100000x64xf32, #tpu.memory_space<hbm>> -> memref<100000x64xf32, #tpu.memory_space<hbm>>
    tpu.enqueue_indirect_dma source(%dma_start3A_24 : memref<100000x64xf32, #tpu.memory_space<hbm>>) target(%arg6 : memref<32x64xf32, #tpu.memory_space<vmem>>) offsets(%arg5 : memref<32xi32, #tpu.memory_space<vmem>>) semaphore(%arg7 : memref<!tpu.dma_semaphore, #tpu.memory_space<semaphore_mem>>)
    %dma_wait3A_25 = arith.constant 1 : i32
    %dma_wait3A_26 = arith.constant 0 : i32
    %dma_wait3A_27 = arith.constant 0 : i32
    %dma_wait3A_28 = tpu.memref_slice %arg2[%dma_wait3A_25, %dma_wait3A_26, %dma_wait3A_27] : memref<8x100000x64xf32, #tpu.memory_space<hbm>> -> memref<1x100000x64xf32, #tpu.memory_space<hbm>>
    %dma_wait3A_29 = tpu.memref_squeeze %dma_wait3A_28 : memref<1x100000x64xf32, #tpu.memory_space<hbm>> -> memref<100000x64xf32, #tpu.memory_space<hbm>>
    %dma_wait3A_30 = arith.constant 0 : i32
    %dma_wait3A_31 = arith.constant 0 : i32
    %dma_wait3A_32 = tpu.memref_slice %dma_wait3A_29[%dma_wait3A_30, %dma_wait3A_31] : memref<100000x64xf32, #tpu.memory_space<hbm>> -> memref<100000x64xf32, #tpu.memory_space<hbm>>
    tpu.wait_indirect_dma semaphore(%arg7 : memref<!tpu.dma_semaphore, #tpu.memory_space<semaphore_mem>>) src(%dma_wait3A_32 : memref<100000x64xf32, #tpu.memory_space<hbm>>) dst(%arg6 : memref<32x64xf32, #tpu.memory_space<vmem>>)
    %run_scoped3A_33 = arith.constant 1 : i32
    "tpu.region"() ({
      %run_scoped3A_136 = tpu.sem_alloc : memref<!tpu.dma_semaphore, #tpu.memory_space<semaphore_mem>>
      %dma_start3A_137 = arith.constant 0 : i32
      %dma_start3A_138 = arith.constant 0 : i32
      %dma_start3A_139 = tpu.memref_slice %arg4[%run_scoped3A_33, %dma_start3A_137, %dma_start3A_138] : memref<8x1024x64xf32, #tpu.memory_space<hbm>> -> memref<1x1024x64xf32, #tpu.memory_space<hbm>>
      %dma_start3A_140 = tpu.memref_squeeze %dma_start3A_139 : memref<1x1024x64xf32, #tpu.memory_space<hbm>> -> memref<1024x64xf32, #tpu.memory_space<hbm>>
      %dma_start3A_141 = arith.constant 0 : i32
      %dma_start3A_142 = tpu.memref_slice %dma_start3A_140[%mul3A_2, %dma_start3A_141] : memref<1024x64xf32, #tpu.memory_space<hbm>> -> memref<32x64xf32, #tpu.memory_space<hbm>>
      %dma_start3A_143 = arith.constant 0 : i32
      %dma_start3A_144 = arith.constant 0 : i32
      %dma_start3A_145 = tpu.memref_slice %arg4[%run_scoped3A_33, %dma_start3A_143, %dma_start3A_144] : memref<8x1024x64xf32, #tpu.memory_space<hbm>> -> memref<1x1024x64xf32, #tpu.memory_space<hbm>>
      %dma_start3A_146 = tpu.memref_squeeze %dma_start3A_145 : memref<1x1024x64xf32, #tpu.memory_space<hbm>> -> memref<1024x64xf32, #tpu.memory_space<hbm>>
      %dma_start3A_147 = arith.constant 0 : i32
      %dma_start3A_148 = tpu.memref_slice %dma_start3A_146[%mul3A_2, %dma_start3A_147] : memref<1024x64xf32, #tpu.memory_space<hbm>> -> memref<32x64xf32, #tpu.memory_space<hbm>>
      tpu.enqueue_dma source(%arg6 : memref<32x64xf32, #tpu.memory_space<vmem>>) target(%dma_start3A_148 : memref<32x64xf32, #tpu.memory_space<hbm>>) target_semaphore(%run_scoped3A_136 : memref<!tpu.dma_semaphore, #tpu.memory_space<semaphore_mem>>)
      %dma_wait3A_149 = arith.constant 0 : i32
      %dma_wait3A_150 = arith.constant 0 : i32
      %dma_wait3A_151 = tpu.memref_slice %arg4[%run_scoped3A_33, %dma_wait3A_149, %dma_wait3A_150] : memref<8x1024x64xf32, #tpu.memory_space<hbm>> -> memref<1x1024x64xf32, #tpu.memory_space<hbm>>
      %dma_wait3A_152 = tpu.memref_squeeze %dma_wait3A_151 : memref<1x1024x64xf32, #tpu.memory_space<hbm>> -> memref<1024x64xf32, #tpu.memory_space<hbm>>
      %dma_wait3A_153 = arith.constant 0 : i32
      %dma_wait3A_154 = tpu.memref_slice %dma_wait3A_152[%mul3A_2, %dma_wait3A_153] : memref<1024x64xf32, #tpu.memory_space<hbm>> -> memref<32x64xf32, #tpu.memory_space<hbm>>
      %dma_wait3A_155 = arith.constant 0 : i32
      %dma_wait3A_156 = arith.constant 0 : i32
      %dma_wait3A_157 = tpu.memref_slice %arg4[%run_scoped3A_33, %dma_wait3A_155, %dma_wait3A_156] : memref<8x1024x64xf32, #tpu.memory_space<hbm>> -> memref<1x1024x64xf32, #tpu.memory_space<hbm>>
      %dma_wait3A_158 = tpu.memref_squeeze %dma_wait3A_157 : memref<1x1024x64xf32, #tpu.memory_space<hbm>> -> memref<1024x64xf32, #tpu.memory_space<hbm>>
      %dma_wait3A_159 = arith.constant 0 : i32
      %dma_wait3A_160 = tpu.memref_slice %dma_wait3A_158[%mul3A_2, %dma_wait3A_159] : memref<1024x64xf32, #tpu.memory_space<hbm>> -> memref<32x64xf32, #tpu.memory_space<hbm>>
      tpu.wait_dma2 semaphore(%run_scoped3A_136 : memref<!tpu.dma_semaphore, #tpu.memory_space<semaphore_mem>>) src(%arg6 : memref<32x64xf32, #tpu.memory_space<vmem>>) dst(%dma_wait3A_160 : memref<32x64xf32, #tpu.memory_space<hbm>>)
      tpu.yield
    }) : () -> ()
    %dma_start3A_34 = arith.constant 2 : i32
    %dma_start3A_35 = arith.constant 0 : i32
    %dma_start3A_36 = arith.constant 0 : i32
    %dma_start3A_37 = tpu.memref_slice %arg2[%dma_start3A_34, %dma_start3A_35, %dma_start3A_36] : memref<8x100000x64xf32, #tpu.memory_space<hbm>> -> memref<1x100000x64xf32, #tpu.memory_space<hbm>>
    %dma_start3A_38 = tpu.memref_squeeze %dma_start3A_37 : memref<1x100000x64xf32, #tpu.memory_space<hbm>> -> memref<100000x64xf32, #tpu.memory_space<hbm>>
    %dma_start3A_39 = arith.constant 0 : i32
    %dma_start3A_40 = arith.constant 0 : i32
    %dma_start3A_41 = tpu.memref_slice %dma_start3A_38[%dma_start3A_39, %dma_start3A_40] : memref<100000x64xf32, #tpu.memory_space<hbm>> -> memref<100000x64xf32, #tpu.memory_space<hbm>>
    tpu.enqueue_indirect_dma source(%dma_start3A_41 : memref<100000x64xf32, #tpu.memory_space<hbm>>) target(%arg6 : memref<32x64xf32, #tpu.memory_space<vmem>>) offsets(%arg5 : memref<32xi32, #tpu.memory_space<vmem>>) semaphore(%arg7 : memref<!tpu.dma_semaphore, #tpu.memory_space<semaphore_mem>>)
    %dma_wait3A_42 = arith.constant 2 : i32
    %dma_wait3A_43 = arith.constant 0 : i32
    %dma_wait3A_44 = arith.constant 0 : i32
    %dma_wait3A_45 = tpu.memref_slice %arg2[%dma_wait3A_42, %dma_wait3A_43, %dma_wait3A_44] : memref<8x100000x64xf32, #tpu.memory_space<hbm>> -> memref<1x100000x64xf32, #tpu.memory_space<hbm>>
    %dma_wait3A_46 = tpu.memref_squeeze %dma_wait3A_45 : memref<1x100000x64xf32, #tpu.memory_space<hbm>> -> memref<100000x64xf32, #tpu.memory_space<hbm>>
    %dma_wait3A_47 = arith.constant 0 : i32
    %dma_wait3A_48 = arith.constant 0 : i32
    %dma_wait3A_49 = tpu.memref_slice %dma_wait3A_46[%dma_wait3A_47, %dma_wait3A_48] : memref<100000x64xf32, #tpu.memory_space<hbm>> -> memref<100000x64xf32, #tpu.memory_space<hbm>>
    tpu.wait_indirect_dma semaphore(%arg7 : memref<!tpu.dma_semaphore, #tpu.memory_space<semaphore_mem>>) src(%dma_wait3A_49 : memref<100000x64xf32, #tpu.memory_space<hbm>>) dst(%arg6 : memref<32x64xf32, #tpu.memory_space<vmem>>)
    %run_scoped3A_50 = arith.constant 2 : i32
    "tpu.region"() ({
      %run_scoped3A_136 = tpu.sem_alloc : memref<!tpu.dma_semaphore, #tpu.memory_space<semaphore_mem>>
      %dma_start3A_137 = arith.constant 0 : i32
      %dma_start3A_138 = arith.constant 0 : i32
      %dma_start3A_139 = tpu.memref_slice %arg4[%run_scoped3A_50, %dma_start3A_137, %dma_start3A_138] : memref<8x1024x64xf32, #tpu.memory_space<hbm>> -> memref<1x1024x64xf32, #tpu.memory_space<hbm>>
      %dma_start3A_140 = tpu.memref_squeeze %dma_start3A_139 : memref<1x1024x64xf32, #tpu.memory_space<hbm>> -> memref<1024x64xf32, #tpu.memory_space<hbm>>
      %dma_start3A_141 = arith.constant 0 : i32
      %dma_start3A_142 = tpu.memref_slice %dma_start3A_140[%mul3A_2, %dma_start3A_141] : memref<1024x64xf32, #tpu.memory_space<hbm>> -> memref<32x64xf32, #tpu.memory_space<hbm>>
      %dma_start3A_143 = arith.constant 0 : i32
      %dma_start3A_144 = arith.constant 0 : i32
      %dma_start3A_145 = tpu.memref_slice %arg4[%run_scoped3A_50, %dma_start3A_143, %dma_start3A_144] : memref<8x1024x64xf32, #tpu.memory_space<hbm>> -> memref<1x1024x64xf32, #tpu.memory_space<hbm>>
      %dma_start3A_146 = tpu.memref_squeeze %dma_start3A_145 : memref<1x1024x64xf32, #tpu.memory_space<hbm>> -> memref<1024x64xf32, #tpu.memory_space<hbm>>
      %dma_start3A_147 = arith.constant 0 : i32
      %dma_start3A_148 = tpu.memref_slice %dma_start3A_146[%mul3A_2, %dma_start3A_147] : memref<1024x64xf32, #tpu.memory_space<hbm>> -> memref<32x64xf32, #tpu.memory_space<hbm>>
      tpu.enqueue_dma source(%arg6 : memref<32x64xf32, #tpu.memory_space<vmem>>) target(%dma_start3A_148 : memref<32x64xf32, #tpu.memory_space<hbm>>) target_semaphore(%run_scoped3A_136 : memref<!tpu.dma_semaphore, #tpu.memory_space<semaphore_mem>>)
      %dma_wait3A_149 = arith.constant 0 : i32
      %dma_wait3A_150 = arith.constant 0 : i32
      %dma_wait3A_151 = tpu.memref_slice %arg4[%run_scoped3A_50, %dma_wait3A_149, %dma_wait3A_150] : memref<8x1024x64xf32, #tpu.memory_space<hbm>> -> memref<1x1024x64xf32, #tpu.memory_space<hbm>>
      %dma_wait3A_152 = tpu.memref_squeeze %dma_wait3A_151 : memref<1x1024x64xf32, #tpu.memory_space<hbm>> -> memref<1024x64xf32, #tpu.memory_space<hbm>>
      %dma_wait3A_153 = arith.constant 0 : i32
      %dma_wait3A_154 = tpu.memref_slice %dma_wait3A_152[%mul3A_2, %dma_wait3A_153] : memref<1024x64xf32, #tpu.memory_space<hbm>> -> memref<32x64xf32, #tpu.memory_space<hbm>>
      %dma_wait3A_155 = arith.constant 0 : i32
      %dma_wait3A_156 = arith.constant 0 : i32
      %dma_wait3A_157 = tpu.memref_slice %arg4[%run_scoped3A_50, %dma_wait3A_155, %dma_wait3A_156] : memref<8x1024x64xf32, #tpu.memory_space<hbm>> -> memref<1x1024x64xf32, #tpu.memory_space<hbm>>
      %dma_wait3A_158 = tpu.memref_squeeze %dma_wait3A_157 : memref<1x1024x64xf32, #tpu.memory_space<hbm>> -> memref<1024x64xf32, #tpu.memory_space<hbm>>
      %dma_wait3A_159 = arith.constant 0 : i32
      %dma_wait3A_160 = tpu.memref_slice %dma_wait3A_158[%mul3A_2, %dma_wait3A_159] : memref<1024x64xf32, #tpu.memory_space<hbm>> -> memref<32x64xf32, #tpu.memory_space<hbm>>
      tpu.wait_dma2 semaphore(%run_scoped3A_136 : memref<!tpu.dma_semaphore, #tpu.memory_space<semaphore_mem>>) src(%arg6 : memref<32x64xf32, #tpu.memory_space<vmem>>) dst(%dma_wait3A_160 : memref<32x64xf32, #tpu.memory_space<hbm>>)
      tpu.yield
    }) : () -> ()
    %dma_start3A_51 = arith.constant 3 : i32
    %dma_start3A_52 = arith.constant 0 : i32
    %dma_start3A_53 = arith.constant 0 : i32
    %dma_start3A_54 = tpu.memref_slice %arg2[%dma_start3A_51, %dma_start3A_52, %dma_start3A_53] : memref<8x100000x64xf32, #tpu.memory_space<hbm>> -> memref<1x100000x64xf32, #tpu.memory_space<hbm>>
    %dma_start3A_55 = tpu.memref_squeeze %dma_start3A_54 : memref<1x100000x64xf32, #tpu.memory_space<hbm>> -> memref<100000x64xf32, #tpu.memory_space<hbm>>
    %dma_start3A_56 = arith.constant 0 : i32
    %dma_start3A_57 = arith.constant 0 : i32
    %dma_start3A_58 = tpu.memref_slice %dma_start3A_55[%dma_start3A_56, %dma_start3A_57] : memref<100000x64xf32, #tpu.memory_space<hbm>> -> memref<100000x64xf32, #tpu.memory_space<hbm>>
    tpu.enqueue_indirect_dma source(%dma_start3A_58 : memref<100000x64xf32, #tpu.memory_space<hbm>>) target(%arg6 : memref<32x64xf32, #tpu.memory_space<vmem>>) offsets(%arg5 : memref<32xi32, #tpu.memory_space<vmem>>) semaphore(%arg7 : memref<!tpu.dma_semaphore, #tpu.memory_space<semaphore_mem>>)
    %dma_wait3A_59 = arith.constant 3 : i32
    %dma_wait3A_60 = arith.constant 0 : i32
    %dma_wait3A_61 = arith.constant 0 : i32
    %dma_wait3A_62 = tpu.memref_slice %arg2[%dma_wait3A_59, %dma_wait3A_60, %dma_wait3A_61] : memref<8x100000x64xf32, #tpu.memory_space<hbm>> -> memref<1x100000x64xf32, #tpu.memory_space<hbm>>
    %dma_wait3A_63 = tpu.memref_squeeze %dma_wait3A_62 : memref<1x100000x64xf32, #tpu.memory_space<hbm>> -> memref<100000x64xf32, #tpu.memory_space<hbm>>
    %dma_wait3A_64 = arith.constant 0 : i32
    %dma_wait3A_65 = arith.constant 0 : i32
    %dma_wait3A_66 = tpu.memref_slice %dma_wait3A_63[%dma_wait3A_64, %dma_wait3A_65] : memref<100000x64xf32, #tpu.memory_space<hbm>> -> memref<100000x64xf32, #tpu.memory_space<hbm>>
    tpu.wait_indirect_dma semaphore(%arg7 : memref<!tpu.dma_semaphore, #tpu.memory_space<semaphore_mem>>) src(%dma_wait3A_66 : memref<100000x64xf32, #tpu.memory_space<hbm>>) dst(%arg6 : memref<32x64xf32, #tpu.memory_space<vmem>>)
    %run_scoped3A_67 = arith.constant 3 : i32
    "tpu.region"() ({
      %run_scoped3A_136 = tpu.sem_alloc : memref<!tpu.dma_semaphore, #tpu.memory_space<semaphore_mem>>
      %dma_start3A_137 = arith.constant 0 : i32
      %dma_start3A_138 = arith.constant 0 : i32
      %dma_start3A_139 = tpu.memref_slice %arg4[%run_scoped3A_67, %dma_start3A_137, %dma_start3A_138] : memref<8x1024x64xf32, #tpu.memory_space<hbm>> -> memref<1x1024x64xf32, #tpu.memory_space<hbm>>
      %dma_start3A_140 = tpu.memref_squeeze %dma_start3A_139 : memref<1x1024x64xf32, #tpu.memory_space<hbm>> -> memref<1024x64xf32, #tpu.memory_space<hbm>>
      %dma_start3A_141 = arith.constant 0 : i32
      %dma_start3A_142 = tpu.memref_slice %dma_start3A_140[%mul3A_2, %dma_start3A_141] : memref<1024x64xf32, #tpu.memory_space<hbm>> -> memref<32x64xf32, #tpu.memory_space<hbm>>
      %dma_start3A_143 = arith.constant 0 : i32
      %dma_start3A_144 = arith.constant 0 : i32
      %dma_start3A_145 = tpu.memref_slice %arg4[%run_scoped3A_67, %dma_start3A_143, %dma_start3A_144] : memref<8x1024x64xf32, #tpu.memory_space<hbm>> -> memref<1x1024x64xf32, #tpu.memory_space<hbm>>
      %dma_start3A_146 = tpu.memref_squeeze %dma_start3A_145 : memref<1x1024x64xf32, #tpu.memory_space<hbm>> -> memref<1024x64xf32, #tpu.memory_space<hbm>>
      %dma_start3A_147 = arith.constant 0 : i32
      %dma_start3A_148 = tpu.memref_slice %dma_start3A_146[%mul3A_2, %dma_start3A_147] : memref<1024x64xf32, #tpu.memory_space<hbm>> -> memref<32x64xf32, #tpu.memory_space<hbm>>
      tpu.enqueue_dma source(%arg6 : memref<32x64xf32, #tpu.memory_space<vmem>>) target(%dma_start3A_148 : memref<32x64xf32, #tpu.memory_space<hbm>>) target_semaphore(%run_scoped3A_136 : memref<!tpu.dma_semaphore, #tpu.memory_space<semaphore_mem>>)
      %dma_wait3A_149 = arith.constant 0 : i32
      %dma_wait3A_150 = arith.constant 0 : i32
      %dma_wait3A_151 = tpu.memref_slice %arg4[%run_scoped3A_67, %dma_wait3A_149, %dma_wait3A_150] : memref<8x1024x64xf32, #tpu.memory_space<hbm>> -> memref<1x1024x64xf32, #tpu.memory_space<hbm>>
      %dma_wait3A_152 = tpu.memref_squeeze %dma_wait3A_151 : memref<1x1024x64xf32, #tpu.memory_space<hbm>> -> memref<1024x64xf32, #tpu.memory_space<hbm>>
      %dma_wait3A_153 = arith.constant 0 : i32
      %dma_wait3A_154 = tpu.memref_slice %dma_wait3A_152[%mul3A_2, %dma_wait3A_153] : memref<1024x64xf32, #tpu.memory_space<hbm>> -> memref<32x64xf32, #tpu.memory_space<hbm>>
      %dma_wait3A_155 = arith.constant 0 : i32
      %dma_wait3A_156 = arith.constant 0 : i32
      %dma_wait3A_157 = tpu.memref_slice %arg4[%run_scoped3A_67, %dma_wait3A_155, %dma_wait3A_156] : memref<8x1024x64xf32, #tpu.memory_space<hbm>> -> memref<1x1024x64xf32, #tpu.memory_space<hbm>>
      %dma_wait3A_158 = tpu.memref_squeeze %dma_wait3A_157 : memref<1x1024x64xf32, #tpu.memory_space<hbm>> -> memref<1024x64xf32, #tpu.memory_space<hbm>>
      %dma_wait3A_159 = arith.constant 0 : i32
      %dma_wait3A_160 = tpu.memref_slice %dma_wait3A_158[%mul3A_2, %dma_wait3A_159] : memref<1024x64xf32, #tpu.memory_space<hbm>> -> memref<32x64xf32, #tpu.memory_space<hbm>>
      tpu.wait_dma2 semaphore(%run_scoped3A_136 : memref<!tpu.dma_semaphore, #tpu.memory_space<semaphore_mem>>) src(%arg6 : memref<32x64xf32, #tpu.memory_space<vmem>>) dst(%dma_wait3A_160 : memref<32x64xf32, #tpu.memory_space<hbm>>)
      tpu.yield
    }) : () -> ()
    %dma_start3A_68 = arith.constant 4 : i32
    %dma_start3A_69 = arith.constant 0 : i32
    %dma_start3A_70 = arith.constant 0 : i32
    %dma_start3A_71 = tpu.memref_slice %arg2[%dma_start3A_68, %dma_start3A_69, %dma_start3A_70] : memref<8x100000x64xf32, #tpu.memory_space<hbm>> -> memref<1x100000x64xf32, #tpu.memory_space<hbm>>
    %dma_start3A_72 = tpu.memref_squeeze %dma_start3A_71 : memref<1x100000x64xf32, #tpu.memory_space<hbm>> -> memref<100000x64xf32, #tpu.memory_space<hbm>>
    %dma_start3A_73 = arith.constant 0 : i32
    %dma_start3A_74 = arith.constant 0 : i32
    %dma_start3A_75 = tpu.memref_slice %dma_start3A_72[%dma_start3A_73, %dma_start3A_74] : memref<100000x64xf32, #tpu.memory_space<hbm>> -> memref<100000x64xf32, #tpu.memory_space<hbm>>
    tpu.enqueue_indirect_dma source(%dma_start3A_75 : memref<100000x64xf32, #tpu.memory_space<hbm>>) target(%arg6 : memref<32x64xf32, #tpu.memory_space<vmem>>) offsets(%arg5 : memref<32xi32, #tpu.memory_space<vmem>>) semaphore(%arg7 : memref<!tpu.dma_semaphore, #tpu.memory_space<semaphore_mem>>)
    %dma_wait3A_76 = arith.constant 4 : i32
    %dma_wait3A_77 = arith.constant 0 : i32
    %dma_wait3A_78 = arith.constant 0 : i32
    %dma_wait3A_79 = tpu.memref_slice %arg2[%dma_wait3A_76, %dma_wait3A_77, %dma_wait3A_78] : memref<8x100000x64xf32, #tpu.memory_space<hbm>> -> memref<1x100000x64xf32, #tpu.memory_space<hbm>>
    %dma_wait3A_80 = tpu.memref_squeeze %dma_wait3A_79 : memref<1x100000x64xf32, #tpu.memory_space<hbm>> -> memref<100000x64xf32, #tpu.memory_space<hbm>>
    %dma_wait3A_81 = arith.constant 0 : i32
    %dma_wait3A_82 = arith.constant 0 : i32
    %dma_wait3A_83 = tpu.memref_slice %dma_wait3A_80[%dma_wait3A_81, %dma_wait3A_82] : memref<100000x64xf32, #tpu.memory_space<hbm>> -> memref<100000x64xf32, #tpu.memory_space<hbm>>
    tpu.wait_indirect_dma semaphore(%arg7 : memref<!tpu.dma_semaphore, #tpu.memory_space<semaphore_mem>>) src(%dma_wait3A_83 : memref<100000x64xf32, #tpu.memory_space<hbm>>) dst(%arg6 : memref<32x64xf32, #tpu.memory_space<vmem>>)
    %run_scoped3A_84 = arith.constant 4 : i32
    "tpu.region"() ({
      %run_scoped3A_136 = tpu.sem_alloc : memref<!tpu.dma_semaphore, #tpu.memory_space<semaphore_mem>>
      %dma_start3A_137 = arith.constant 0 : i32
      %dma_start3A_138 = arith.constant 0 : i32
      %dma_start3A_139 = tpu.memref_slice %arg4[%run_scoped3A_84, %dma_start3A_137, %dma_start3A_138] : memref<8x1024x64xf32, #tpu.memory_space<hbm>> -> memref<1x1024x64xf32, #tpu.memory_space<hbm>>
      %dma_start3A_140 = tpu.memref_squeeze %dma_start3A_139 : memref<1x1024x64xf32, #tpu.memory_space<hbm>> -> memref<1024x64xf32, #tpu.memory_space<hbm>>
      %dma_start3A_141 = arith.constant 0 : i32
      %dma_start3A_142 = tpu.memref_slice %dma_start3A_140[%mul3A_2, %dma_start3A_141] : memref<1024x64xf32, #tpu.memory_space<hbm>> -> memref<32x64xf32, #tpu.memory_space<hbm>>
      %dma_start3A_143 = arith.constant 0 : i32
      %dma_start3A_144 = arith.constant 0 : i32
      %dma_start3A_145 = tpu.memref_slice %arg4[%run_scoped3A_84, %dma_start3A_143, %dma_start3A_144] : memref<8x1024x64xf32, #tpu.memory_space<hbm>> -> memref<1x1024x64xf32, #tpu.memory_space<hbm>>
      %dma_start3A_146 = tpu.memref_squeeze %dma_start3A_145 : memref<1x1024x64xf32, #tpu.memory_space<hbm>> -> memref<1024x64xf32, #tpu.memory_space<hbm>>
      %dma_start3A_147 = arith.constant 0 : i32
      %dma_start3A_148 = tpu.memref_slice %dma_start3A_146[%mul3A_2, %dma_start3A_147] : memref<1024x64xf32, #tpu.memory_space<hbm>> -> memref<32x64xf32, #tpu.memory_space<hbm>>
      tpu.enqueue_dma source(%arg6 : memref<32x64xf32, #tpu.memory_space<vmem>>) target(%dma_start3A_148 : memref<32x64xf32, #tpu.memory_space<hbm>>) target_semaphore(%run_scoped3A_136 : memref<!tpu.dma_semaphore, #tpu.memory_space<semaphore_mem>>)
      %dma_wait3A_149 = arith.constant 0 : i32
      %dma_wait3A_150 = arith.constant 0 : i32
      %dma_wait3A_151 = tpu.memref_slice %arg4[%run_scoped3A_84, %dma_wait3A_149, %dma_wait3A_150] : memref<8x1024x64xf32, #tpu.memory_space<hbm>> -> memref<1x1024x64xf32, #tpu.memory_space<hbm>>
      %dma_wait3A_152 = tpu.memref_squeeze %dma_wait3A_151 : memref<1x1024x64xf32, #tpu.memory_space<hbm>> -> memref<1024x64xf32, #tpu.memory_space<hbm>>
      %dma_wait3A_153 = arith.constant 0 : i32
      %dma_wait3A_154 = tpu.memref_slice %dma_wait3A_152[%mul3A_2, %dma_wait3A_153] : memref<1024x64xf32, #tpu.memory_space<hbm>> -> memref<32x64xf32, #tpu.memory_space<hbm>>
      %dma_wait3A_155 = arith.constant 0 : i32
      %dma_wait3A_156 = arith.constant 0 : i32
      %dma_wait3A_157 = tpu.memref_slice %arg4[%run_scoped3A_84, %dma_wait3A_155, %dma_wait3A_156] : memref<8x1024x64xf32, #tpu.memory_space<hbm>> -> memref<1x1024x64xf32, #tpu.memory_space<hbm>>
      %dma_wait3A_158 = tpu.memref_squeeze %dma_wait3A_157 : memref<1x1024x64xf32, #tpu.memory_space<hbm>> -> memref<1024x64xf32, #tpu.memory_space<hbm>>
      %dma_wait3A_159 = arith.constant 0 : i32
      %dma_wait3A_160 = tpu.memref_slice %dma_wait3A_158[%mul3A_2, %dma_wait3A_159] : memref<1024x64xf32, #tpu.memory_space<hbm>> -> memref<32x64xf32, #tpu.memory_space<hbm>>
      tpu.wait_dma2 semaphore(%run_scoped3A_136 : memref<!tpu.dma_semaphore, #tpu.memory_space<semaphore_mem>>) src(%arg6 : memref<32x64xf32, #tpu.memory_space<vmem>>) dst(%dma_wait3A_160 : memref<32x64xf32, #tpu.memory_space<hbm>>)
      tpu.yield
    }) : () -> ()
    %dma_start3A_85 = arith.constant 5 : i32
    %dma_start3A_86 = arith.constant 0 : i32
    %dma_start3A_87 = arith.constant 0 : i32
    %dma_start3A_88 = tpu.memref_slice %arg2[%dma_start3A_85, %dma_start3A_86, %dma_start3A_87] : memref<8x100000x64xf32, #tpu.memory_space<hbm>> -> memref<1x100000x64xf32, #tpu.memory_space<hbm>>
    %dma_start3A_89 = tpu.memref_squeeze %dma_start3A_88 : memref<1x100000x64xf32, #tpu.memory_space<hbm>> -> memref<100000x64xf32, #tpu.memory_space<hbm>>
    %dma_start3A_90 = arith.constant 0 : i32
    %dma_start3A_91 = arith.constant 0 : i32
    %dma_start3A_92 = tpu.memref_slice %dma_start3A_89[%dma_start3A_90, %dma_start3A_91] : memref<100000x64xf32, #tpu.memory_space<hbm>> -> memref<100000x64xf32, #tpu.memory_space<hbm>>
    tpu.enqueue_indirect_dma source(%dma_start3A_92 : memref<100000x64xf32, #tpu.memory_space<hbm>>) target(%arg6 : memref<32x64xf32, #tpu.memory_space<vmem>>) offsets(%arg5 : memref<32xi32, #tpu.memory_space<vmem>>) semaphore(%arg7 : memref<!tpu.dma_semaphore, #tpu.memory_space<semaphore_mem>>)
    %dma_wait3A_93 = arith.constant 5 : i32
    %dma_wait3A_94 = arith.constant 0 : i32
    %dma_wait3A_95 = arith.constant 0 : i32
    %dma_wait3A_96 = tpu.memref_slice %arg2[%dma_wait3A_93, %dma_wait3A_94, %dma_wait3A_95] : memref<8x100000x64xf32, #tpu.memory_space<hbm>> -> memref<1x100000x64xf32, #tpu.memory_space<hbm>>
    %dma_wait3A_97 = tpu.memref_squeeze %dma_wait3A_96 : memref<1x100000x64xf32, #tpu.memory_space<hbm>> -> memref<100000x64xf32, #tpu.memory_space<hbm>>
    %dma_wait3A_98 = arith.constant 0 : i32
    %dma_wait3A_99 = arith.constant 0 : i32
    %dma_wait3A_100 = tpu.memref_slice %dma_wait3A_97[%dma_wait3A_98, %dma_wait3A_99] : memref<100000x64xf32, #tpu.memory_space<hbm>> -> memref<100000x64xf32, #tpu.memory_space<hbm>>
    tpu.wait_indirect_dma semaphore(%arg7 : memref<!tpu.dma_semaphore, #tpu.memory_space<semaphore_mem>>) src(%dma_wait3A_100 : memref<100000x64xf32, #tpu.memory_space<hbm>>) dst(%arg6 : memref<32x64xf32, #tpu.memory_space<vmem>>)
    %run_scoped3A_101 = arith.constant 5 : i32
    "tpu.region"() ({
      %run_scoped3A_136 = tpu.sem_alloc : memref<!tpu.dma_semaphore, #tpu.memory_space<semaphore_mem>>
      %dma_start3A_137 = arith.constant 0 : i32
      %dma_start3A_138 = arith.constant 0 : i32
      %dma_start3A_139 = tpu.memref_slice %arg4[%run_scoped3A_101, %dma_start3A_137, %dma_start3A_138] : memref<8x1024x64xf32, #tpu.memory_space<hbm>> -> memref<1x1024x64xf32, #tpu.memory_space<hbm>>
      %dma_start3A_140 = tpu.memref_squeeze %dma_start3A_139 : memref<1x1024x64xf32, #tpu.memory_space<hbm>> -> memref<1024x64xf32, #tpu.memory_space<hbm>>
      %dma_start3A_141 = arith.constant 0 : i32
      %dma_start3A_142 = tpu.memref_slice %dma_start3A_140[%mul3A_2, %dma_start3A_141] : memref<1024x64xf32, #tpu.memory_space<hbm>> -> memref<32x64xf32, #tpu.memory_space<hbm>>
      %dma_start3A_143 = arith.constant 0 : i32
      %dma_start3A_144 = arith.constant 0 : i32
      %dma_start3A_145 = tpu.memref_slice %arg4[%run_scoped3A_101, %dma_start3A_143, %dma_start3A_144] : memref<8x1024x64xf32, #tpu.memory_space<hbm>> -> memref<1x1024x64xf32, #tpu.memory_space<hbm>>
      %dma_start3A_146 = tpu.memref_squeeze %dma_start3A_145 : memref<1x1024x64xf32, #tpu.memory_space<hbm>> -> memref<1024x64xf32, #tpu.memory_space<hbm>>
      %dma_start3A_147 = arith.constant 0 : i32
      %dma_start3A_148 = tpu.memref_slice %dma_start3A_146[%mul3A_2, %dma_start3A_147] : memref<1024x64xf32, #tpu.memory_space<hbm>> -> memref<32x64xf32, #tpu.memory_space<hbm>>
      tpu.enqueue_dma source(%arg6 : memref<32x64xf32, #tpu.memory_space<vmem>>) target(%dma_start3A_148 : memref<32x64xf32, #tpu.memory_space<hbm>>) target_semaphore(%run_scoped3A_136 : memref<!tpu.dma_semaphore, #tpu.memory_space<semaphore_mem>>)
      %dma_wait3A_149 = arith.constant 0 : i32
      %dma_wait3A_150 = arith.constant 0 : i32
      %dma_wait3A_151 = tpu.memref_slice %arg4[%run_scoped3A_101, %dma_wait3A_149, %dma_wait3A_150] : memref<8x1024x64xf32, #tpu.memory_space<hbm>> -> memref<1x1024x64xf32, #tpu.memory_space<hbm>>
      %dma_wait3A_152 = tpu.memref_squeeze %dma_wait3A_151 : memref<1x1024x64xf32, #tpu.memory_space<hbm>> -> memref<1024x64xf32, #tpu.memory_space<hbm>>
      %dma_wait3A_153 = arith.constant 0 : i32
      %dma_wait3A_154 = tpu.memref_slice %dma_wait3A_152[%mul3A_2, %dma_wait3A_153] : memref<1024x64xf32, #tpu.memory_space<hbm>> -> memref<32x64xf32, #tpu.memory_space<hbm>>
      %dma_wait3A_155 = arith.constant 0 : i32
      %dma_wait3A_156 = arith.constant 0 : i32
      %dma_wait3A_157 = tpu.memref_slice %arg4[%run_scoped3A_101, %dma_wait3A_155, %dma_wait3A_156] : memref<8x1024x64xf32, #tpu.memory_space<hbm>> -> memref<1x1024x64xf32, #tpu.memory_space<hbm>>
      %dma_wait3A_158 = tpu.memref_squeeze %dma_wait3A_157 : memref<1x1024x64xf32, #tpu.memory_space<hbm>> -> memref<1024x64xf32, #tpu.memory_space<hbm>>
      %dma_wait3A_159 = arith.constant 0 : i32
      %dma_wait3A_160 = tpu.memref_slice %dma_wait3A_158[%mul3A_2, %dma_wait3A_159] : memref<1024x64xf32, #tpu.memory_space<hbm>> -> memref<32x64xf32, #tpu.memory_space<hbm>>
      tpu.wait_dma2 semaphore(%run_scoped3A_136 : memref<!tpu.dma_semaphore, #tpu.memory_space<semaphore_mem>>) src(%arg6 : memref<32x64xf32, #tpu.memory_space<vmem>>) dst(%dma_wait3A_160 : memref<32x64xf32, #tpu.memory_space<hbm>>)
      tpu.yield
    }) : () -> ()
    %dma_start3A_102 = arith.constant 6 : i32
    %dma_start3A_103 = arith.constant 0 : i32
    %dma_start3A_104 = arith.constant 0 : i32
    %dma_start3A_105 = tpu.memref_slice %arg2[%dma_start3A_102, %dma_start3A_103, %dma_start3A_104] : memref<8x100000x64xf32, #tpu.memory_space<hbm>> -> memref<1x100000x64xf32, #tpu.memory_space<hbm>>
    %dma_start3A_106 = tpu.memref_squeeze %dma_start3A_105 : memref<1x100000x64xf32, #tpu.memory_space<hbm>> -> memref<100000x64xf32, #tpu.memory_space<hbm>>
    %dma_start3A_107 = arith.constant 0 : i32
    %dma_start3A_108 = arith.constant 0 : i32
    %dma_start3A_109 = tpu.memref_slice %dma_start3A_106[%dma_start3A_107, %dma_start3A_108] : memref<100000x64xf32, #tpu.memory_space<hbm>> -> memref<100000x64xf32, #tpu.memory_space<hbm>>
    tpu.enqueue_indirect_dma source(%dma_start3A_109 : memref<100000x64xf32, #tpu.memory_space<hbm>>) target(%arg6 : memref<32x64xf32, #tpu.memory_space<vmem>>) offsets(%arg5 : memref<32xi32, #tpu.memory_space<vmem>>) semaphore(%arg7 : memref<!tpu.dma_semaphore, #tpu.memory_space<semaphore_mem>>)
    %dma_wait3A_110 = arith.constant 6 : i32
    %dma_wait3A_111 = arith.constant 0 : i32
    %dma_wait3A_112 = arith.constant 0 : i32
    %dma_wait3A_113 = tpu.memref_slice %arg2[%dma_wait3A_110, %dma_wait3A_111, %dma_wait3A_112] : memref<8x100000x64xf32, #tpu.memory_space<hbm>> -> memref<1x100000x64xf32, #tpu.memory_space<hbm>>
    %dma_wait3A_114 = tpu.memref_squeeze %dma_wait3A_113 : memref<1x100000x64xf32, #tpu.memory_space<hbm>> -> memref<100000x64xf32, #tpu.memory_space<hbm>>
    %dma_wait3A_115 = arith.constant 0 : i32
    %dma_wait3A_116 = arith.constant 0 : i32
    %dma_wait3A_117 = tpu.memref_slice %dma_wait3A_114[%dma_wait3A_115, %dma_wait3A_116] : memref<100000x64xf32, #tpu.memory_space<hbm>> -> memref<100000x64xf32, #tpu.memory_space<hbm>>
    tpu.wait_indirect_dma semaphore(%arg7 : memref<!tpu.dma_semaphore, #tpu.memory_space<semaphore_mem>>) src(%dma_wait3A_117 : memref<100000x64xf32, #tpu.memory_space<hbm>>) dst(%arg6 : memref<32x64xf32, #tpu.memory_space<vmem>>)
    %run_scoped3A_118 = arith.constant 6 : i32
    "tpu.region"() ({
      %run_scoped3A_136 = tpu.sem_alloc : memref<!tpu.dma_semaphore, #tpu.memory_space<semaphore_mem>>
      %dma_start3A_137 = arith.constant 0 : i32
      %dma_start3A_138 = arith.constant 0 : i32
      %dma_start3A_139 = tpu.memref_slice %arg4[%run_scoped3A_118, %dma_start3A_137, %dma_start3A_138] : memref<8x1024x64xf32, #tpu.memory_space<hbm>> -> memref<1x1024x64xf32, #tpu.memory_space<hbm>>
      %dma_start3A_140 = tpu.memref_squeeze %dma_start3A_139 : memref<1x1024x64xf32, #tpu.memory_space<hbm>> -> memref<1024x64xf32, #tpu.memory_space<hbm>>
      %dma_start3A_141 = arith.constant 0 : i32
      %dma_start3A_142 = tpu.memref_slice %dma_start3A_140[%mul3A_2, %dma_start3A_141] : memref<1024x64xf32, #tpu.memory_space<hbm>> -> memref<32x64xf32, #tpu.memory_space<hbm>>
      %dma_start3A_143 = arith.constant 0 : i32
      %dma_start3A_144 = arith.constant 0 : i32
      %dma_start3A_145 = tpu.memref_slice %arg4[%run_scoped3A_118, %dma_start3A_143, %dma_start3A_144] : memref<8x1024x64xf32, #tpu.memory_space<hbm>> -> memref<1x1024x64xf32, #tpu.memory_space<hbm>>
      %dma_start3A_146 = tpu.memref_squeeze %dma_start3A_145 : memref<1x1024x64xf32, #tpu.memory_space<hbm>> -> memref<1024x64xf32, #tpu.memory_space<hbm>>
      %dma_start3A_147 = arith.constant 0 : i32
      %dma_start3A_148 = tpu.memref_slice %dma_start3A_146[%mul3A_2, %dma_start3A_147] : memref<1024x64xf32, #tpu.memory_space<hbm>> -> memref<32x64xf32, #tpu.memory_space<hbm>>
      tpu.enqueue_dma source(%arg6 : memref<32x64xf32, #tpu.memory_space<vmem>>) target(%dma_start3A_148 : memref<32x64xf32, #tpu.memory_space<hbm>>) target_semaphore(%run_scoped3A_136 : memref<!tpu.dma_semaphore, #tpu.memory_space<semaphore_mem>>)
      %dma_wait3A_149 = arith.constant 0 : i32
      %dma_wait3A_150 = arith.constant 0 : i32
      %dma_wait3A_151 = tpu.memref_slice %arg4[%run_scoped3A_118, %dma_wait3A_149, %dma_wait3A_150] : memref<8x1024x64xf32, #tpu.memory_space<hbm>> -> memref<1x1024x64xf32, #tpu.memory_space<hbm>>
      %dma_wait3A_152 = tpu.memref_squeeze %dma_wait3A_151 : memref<1x1024x64xf32, #tpu.memory_space<hbm>> -> memref<1024x64xf32, #tpu.memory_space<hbm>>
      %dma_wait3A_153 = arith.constant 0 : i32
      %dma_wait3A_154 = tpu.memref_slice %dma_wait3A_152[%mul3A_2, %dma_wait3A_153] : memref<1024x64xf32, #tpu.memory_space<hbm>> -> memref<32x64xf32, #tpu.memory_space<hbm>>
      %dma_wait3A_155 = arith.constant 0 : i32
      %dma_wait3A_156 = arith.constant 0 : i32
      %dma_wait3A_157 = tpu.memref_slice %arg4[%run_scoped3A_118, %dma_wait3A_155, %dma_wait3A_156] : memref<8x1024x64xf32, #tpu.memory_space<hbm>> -> memref<1x1024x64xf32, #tpu.memory_space<hbm>>
      %dma_wait3A_158 = tpu.memref_squeeze %dma_wait3A_157 : memref<1x1024x64xf32, #tpu.memory_space<hbm>> -> memref<1024x64xf32, #tpu.memory_space<hbm>>
      %dma_wait3A_159 = arith.constant 0 : i32
      %dma_wait3A_160 = tpu.memref_slice %dma_wait3A_158[%mul3A_2, %dma_wait3A_159] : memref<1024x64xf32, #tpu.memory_space<hbm>> -> memref<32x64xf32, #tpu.memory_space<hbm>>
      tpu.wait_dma2 semaphore(%run_scoped3A_136 : memref<!tpu.dma_semaphore, #tpu.memory_space<semaphore_mem>>) src(%arg6 : memref<32x64xf32, #tpu.memory_space<vmem>>) dst(%dma_wait3A_160 : memref<32x64xf32, #tpu.memory_space<hbm>>)
      tpu.yield
    }) : () -> ()
    %dma_start3A_119 = arith.constant 7 : i32
    %dma_start3A_120 = arith.constant 0 : i32
    %dma_start3A_121 = arith.constant 0 : i32
    %dma_start3A_122 = tpu.memref_slice %arg2[%dma_start3A_119, %dma_start3A_120, %dma_start3A_121] : memref<8x100000x64xf32, #tpu.memory_space<hbm>> -> memref<1x100000x64xf32, #tpu.memory_space<hbm>>
    %dma_start3A_123 = tpu.memref_squeeze %dma_start3A_122 : memref<1x100000x64xf32, #tpu.memory_space<hbm>> -> memref<100000x64xf32, #tpu.memory_space<hbm>>
    %dma_start3A_124 = arith.constant 0 : i32
    %dma_start3A_125 = arith.constant 0 : i32
    %dma_start3A_126 = tpu.memref_slice %dma_start3A_123[%dma_start3A_124, %dma_start3A_125] : memref<100000x64xf32, #tpu.memory_space<hbm>> -> memref<100000x64xf32, #tpu.memory_space<hbm>>
    tpu.enqueue_indirect_dma source(%dma_start3A_126 : memref<100000x64xf32, #tpu.memory_space<hbm>>) target(%arg6 : memref<32x64xf32, #tpu.memory_space<vmem>>) offsets(%arg5 : memref<32xi32, #tpu.memory_space<vmem>>) semaphore(%arg7 : memref<!tpu.dma_semaphore, #tpu.memory_space<semaphore_mem>>)
    %dma_wait3A_127 = arith.constant 7 : i32
    %dma_wait3A_128 = arith.constant 0 : i32
    %dma_wait3A_129 = arith.constant 0 : i32
    %dma_wait3A_130 = tpu.memref_slice %arg2[%dma_wait3A_127, %dma_wait3A_128, %dma_wait3A_129] : memref<8x100000x64xf32, #tpu.memory_space<hbm>> -> memref<1x100000x64xf32, #tpu.memory_space<hbm>>
    %dma_wait3A_131 = tpu.memref_squeeze %dma_wait3A_130 : memref<1x100000x64xf32, #tpu.memory_space<hbm>> -> memref<100000x64xf32, #tpu.memory_space<hbm>>
    %dma_wait3A_132 = arith.constant 0 : i32
    %dma_wait3A_133 = arith.constant 0 : i32
    %dma_wait3A_134 = tpu.memref_slice %dma_wait3A_131[%dma_wait3A_132, %dma_wait3A_133] : memref<100000x64xf32, #tpu.memory_space<hbm>> -> memref<100000x64xf32, #tpu.memory_space<hbm>>
    tpu.wait_indirect_dma semaphore(%arg7 : memref<!tpu.dma_semaphore, #tpu.memory_space<semaphore_mem>>) src(%dma_wait3A_134 : memref<100000x64xf32, #tpu.memory_space<hbm>>) dst(%arg6 : memref<32x64xf32, #tpu.memory_space<vmem>>)
    %run_scoped3A_135 = arith.constant 7 : i32
    "tpu.region"() ({
      %run_scoped3A_136 = tpu.sem_alloc : memref<!tpu.dma_semaphore, #tpu.memory_space<semaphore_mem>>
      %dma_start3A_137 = arith.constant 0 : i32
      %dma_start3A_138 = arith.constant 0 : i32
      %dma_start3A_139 = tpu.memref_slice %arg4[%run_scoped3A_135, %dma_start3A_137, %dma_start3A_138] : memref<8x1024x64xf32, #tpu.memory_space<hbm>> -> memref<1x1024x64xf32, #tpu.memory_space<hbm>>
      %dma_start3A_140 = tpu.memref_squeeze %dma_start3A_139 : memref<1x1024x64xf32, #tpu.memory_space<hbm>> -> memref<1024x64xf32, #tpu.memory_space<hbm>>
      %dma_start3A_141 = arith.constant 0 : i32
      %dma_start3A_142 = tpu.memref_slice %dma_start3A_140[%mul3A_2, %dma_start3A_141] : memref<1024x64xf32, #tpu.memory_space<hbm>> -> memref<32x64xf32, #tpu.memory_space<hbm>>
      %dma_start3A_143 = arith.constant 0 : i32
      %dma_start3A_144 = arith.constant 0 : i32
      %dma_start3A_145 = tpu.memref_slice %arg4[%run_scoped3A_135, %dma_start3A_143, %dma_start3A_144] : memref<8x1024x64xf32, #tpu.memory_space<hbm>> -> memref<1x1024x64xf32, #tpu.memory_space<hbm>>
      %dma_start3A_146 = tpu.memref_squeeze %dma_start3A_145 : memref<1x1024x64xf32, #tpu.memory_space<hbm>> -> memref<1024x64xf32, #tpu.memory_space<hbm>>
      %dma_start3A_147 = arith.constant 0 : i32
      %dma_start3A_148 = tpu.memref_slice %dma_start3A_146[%mul3A_2, %dma_start3A_147] : memref<1024x64xf32, #tpu.memory_space<hbm>> -> memref<32x64xf32, #tpu.memory_space<hbm>>
      tpu.enqueue_dma source(%arg6 : memref<32x64xf32, #tpu.memory_space<vmem>>) target(%dma_start3A_148 : memref<32x64xf32, #tpu.memory_space<hbm>>) target_semaphore(%run_scoped3A_136 : memref<!tpu.dma_semaphore, #tpu.memory_space<semaphore_mem>>)
      %dma_wait3A_149 = arith.constant 0 : i32
      %dma_wait3A_150 = arith.constant 0 : i32
      %dma_wait3A_151 = tpu.memref_slice %arg4[%run_scoped3A_135, %dma_wait3A_149, %dma_wait3A_150] : memref<8x1024x64xf32, #tpu.memory_space<hbm>> -> memref<1x1024x64xf32, #tpu.memory_space<hbm>>
      %dma_wait3A_152 = tpu.memref_squeeze %dma_wait3A_151 : memref<1x1024x64xf32, #tpu.memory_space<hbm>> -> memref<1024x64xf32, #tpu.memory_space<hbm>>
      %dma_wait3A_153 = arith.constant 0 : i32
      %dma_wait3A_154 = tpu.memref_slice %dma_wait3A_152[%mul3A_2, %dma_wait3A_153] : memref<1024x64xf32, #tpu.memory_space<hbm>> -> memref<32x64xf32, #tpu.memory_space<hbm>>
      %dma_wait3A_155 = arith.constant 0 : i32
      %dma_wait3A_156 = arith.constant 0 : i32
      %dma_wait3A_157 = tpu.memref_slice %arg4[%run_scoped3A_135, %dma_wait3A_155, %dma_wait3A_156] : memref<8x1024x64xf32, #tpu.memory_space<hbm>> -> memref<1x1024x64xf32, #tpu.memory_space<hbm>>
      %dma_wait3A_158 = tpu.memref_squeeze %dma_wait3A_157 : memref<1x1024x64xf32, #tpu.memory_space<hbm>> -> memref<1024x64xf32, #tpu.memory_space<hbm>>
      %dma_wait3A_159 = arith.constant 0 : i32
      %dma_wait3A_160 = tpu.memref_slice %dma_wait3A_158[%mul3A_2, %dma_wait3A_159] : memref<1024x64xf32, #tpu.memory_space<hbm>> -> memref<32x64xf32, #tpu.memory_space<hbm>>
      tpu.wait_dma2 semaphore(%run_scoped3A_136 : memref<!tpu.dma_semaphore, #tpu.memory_space<semaphore_mem>>) src(%arg6 : memref<32x64xf32, #tpu.memory_space<vmem>>) dst(%dma_wait3A_160 : memref<32x64xf32, #tpu.memory_space<hbm>>)
      tpu.yield
    }) : () -> ()
    return
  }
}

module attributes {stable_mosaic.version = 14 : i64} {
  func.func @_attn_body(%arg0: memref<16x49xi32, #tpu.memory_space<vmem>>, %arg1: memref<1x8xi32, #tpu.memory_space<vmem>>, %arg2: memref<8x784x64xf32, #tpu.memory_space<vmem>>, %arg3: memref<8x64xf32, #tpu.memory_space<vmem>>, %arg4: memref<784x8xf32, #tpu.memory_space<vmem>>, %arg5: memref<1x784xi32, #tpu.memory_space<vmem>>, %arg6: memref<8x72x64xf32, #tpu.memory_space<vmem>>, %arg7: memref<8x72x64xf32, #tpu.memory_space<vmem>>, %arg8: memref<8x72x64xf32, #tpu.memory_space<vmem>>, %arg9: memref<8x64x72xf32, #tpu.memory_space<vmem>>, %arg10: memref<72x72xf32, #tpu.memory_space<vmem>>, %arg11: memref<1x72xf32, #tpu.memory_space<vmem>>, %arg12: memref<72x72xf32, #tpu.memory_space<vmem>>, %arg13: memref<1x72xf32, #tpu.memory_space<vmem>>, %arg14: memref<1x72xf32, #tpu.memory_space<vmem>>, %arg15: memref<1x72xf32, #tpu.memory_space<vmem>>, %arg16: memref<1x72xf32, #tpu.memory_space<vmem>>, %arg17: memref<1x72xf32, #tpu.memory_space<vmem>>, %arg18: memref<784x72xbf16, #tpu.memory_space<vmem>>) attributes {dimension_semantics = [], scalar_prefetch = 0 : i64, scratch_operands = 0 : i64, tpu.core_type = #tpu.core_type<tc>} {
    %get3A = arith.constant 0 : index
    %get3A_0 = arith.constant 0 : index
    %get3A_1 = vector.load %arg0[%get3A, %get3A_0] : memref<16x49xi32, #tpu.memory_space<vmem>>, vector<16x49xi32>
    %get3A_2 = arith.constant 0 : index
    %get3A_3 = arith.constant 0 : index
    %get3A_4 = vector.load %arg1[%get3A_2, %get3A_3] : memref<1x8xi32, #tpu.memory_space<vmem>>, vector<1x8xi32>
    %iota3A = tpu.iota {dimensions = array<i32: 1>} : vector<16x49xi32>
    %ge3A = arith.constant 0 : i32
    %ge3A_5 = vector.broadcast %ge3A : i32 to vector<16x49xi32>
    %ge3A_6 = arith.cmpi sge, %get3A_1, %ge3A_5 : vector<16x49xi32>
    %reduce_max3A = vector.shape_cast %get3A_4 : vector<1x8xi32> to vector<1x1x8xi32>
    %reduce_max3A_7 = arith.constant dense<-2147483648> : vector<1xi32>
    %reduce_max3A_8 = vector.multi_reduction <maxsi>, %reduce_max3A, %reduce_max3A_7 [1, 2] : vector<1x1x8xi32> to vector<1xi32>
    %reduce_max3A_9 = vector.shape_cast %reduce_max3A_8 : vector<1xi32> to vector<1x1x1xi32>
    %reduce_max3A_10 = vector.extract %reduce_max3A_9[0, 0, 0] : i32 from vector<1x1x1xi32>
    %ge3A_11 = arith.constant 0 : i32
    %ge3A_12 = vector.broadcast %ge3A_11 : i32 to vector<16x49xi32>
    %ge3A_13 = arith.cmpi sge, %iota3A, %ge3A_12 : vector<16x49xi32>
    %lt3A = arith.constant 5 : i32
    %lt3A_14 = vector.broadcast %lt3A : i32 to vector<16x49xi32>
    %lt3A_15 = arith.cmpi slt, %iota3A, %lt3A_14 : vector<16x49xi32>
    %and3A = arith.andi %ge3A_13, %lt3A_15 : vector<16x49xi1>
    %and3A_16 = arith.andi %and3A, %ge3A_6 : vector<16x49xi1>
    %reduce_or3A = arith.constant 1.000000e+00 : f32
    %reduce_or3A_17 = arith.constant 0.000000e+00 : f32
    %reduce_or3A_18 = vector.broadcast %reduce_or3A : f32 to vector<16x49xf32>
    %reduce_or3A_19 = vector.broadcast %reduce_or3A_17 : f32 to vector<16x49xf32>
    %reduce_or3A_20 = arith.select %and3A_16, %reduce_or3A_18, %reduce_or3A_19 : vector<16x49xi1>, vector<16x49xf32>
    %reduce_or3A_21 = vector.shape_cast %reduce_or3A_20 : vector<16x49xf32> to vector<1x16x49xf32>
    %reduce_or3A_22 = arith.constant dense<0xFF800000> : vector<1xf32>
    %reduce_or3A_23 = vector.multi_reduction <maximumf>, %reduce_or3A_21, %reduce_or3A_22 [1, 2] : vector<1x16x49xf32> to vector<1xf32>
    %reduce_or3A_24 = vector.shape_cast %reduce_or3A_23 : vector<1xf32> to vector<1x1x1xf32>
    %reduce_or3A_25 = vector.extract %reduce_or3A_24[0, 0, 0] : f32 from vector<1x1x1xf32>
    %reduce_or3A_26 = arith.constant 0.000000e+00 : f32
    %reduce_or3A_27 = arith.cmpf ogt, %reduce_or3A_25, %reduce_or3A_26 : f32
    %jit3A = arith.constant -2147483648 : i32
    %broadcast_in_dim3A = vector.broadcast %jit3A : i32 to vector<16x49xi32>
    %select_n3A = arith.select %and3A_16, %get3A_1, %broadcast_in_dim3A : vector<16x49xi1>, vector<16x49xi32>
    %reduce_max3A_28 = vector.shape_cast %select_n3A : vector<16x49xi32> to vector<1x16x49xi32>
    %reduce_max3A_29 = arith.constant dense<-2147483648> : vector<1xi32>
    %reduce_max3A_30 = vector.multi_reduction <maxsi>, %reduce_max3A_28, %reduce_max3A_29 [1, 2] : vector<1x16x49xi32> to vector<1xi32>
    %reduce_max3A_31 = vector.shape_cast %reduce_max3A_30 : vector<1xi32> to vector<1x1x1xi32>
    %reduce_max3A_32 = vector.extract %reduce_max3A_31[0, 0, 0] : i32 from vector<1x1x1xi32>
    %select_n3A_33 = arith.select %reduce_or3A_27, %reduce_max3A_32, %reduce_max3A_10 : i32
    %le3A = vector.broadcast %select_n3A_33 : i32 to vector<1x8xi32>
    %le3A_34 = arith.cmpi sle, %get3A_4, %le3A : vector<1x8xi32>
    %convert_element_type3A = arith.extui %le3A_34 : vector<1x8xi1> to vector<1x8xi32>
    %reduce_sum3A = vector.shape_cast %convert_element_type3A : vector<1x8xi32> to vector<1x1x8xi32>
    %reduce_sum3A_35 = arith.constant dense<0> : vector<1xi32>
    %reduce_sum3A_36 = vector.multi_reduction <add>, %reduce_sum3A, %reduce_sum3A_35 [1, 2] : vector<1x1x8xi32> to vector<1xi32>
    %reduce_sum3A_37 = vector.shape_cast %reduce_sum3A_36 : vector<1xi32> to vector<1x1x1xi32>
    %reduce_sum3A_38 = vector.extract %reduce_sum3A_37[0, 0, 0] : i32 from vector<1x1x1xi32>
    %gt3A = arith.constant 0 : i32
    %gt3A_39 = arith.cmpi sgt, %reduce_sum3A_38, %gt3A : i32
    %sub3A = arith.constant 1 : i32
    %sub3A_40 = arith.subi %reduce_sum3A_38, %sub3A : i32
    %jit3A_41 = arith.constant 7 : i32
    %select_n3A_42 = arith.select %gt3A_39, %sub3A_40, %jit3A_41 : i32
    %iota3A_43 = tpu.iota {dimensions = array<i32: 1>} : vector<1x8xi32>
    %eq3A = vector.broadcast %select_n3A_42 : i32 to vector<1x8xi32>
    %eq3A_44 = arith.cmpi eq, %iota3A_43, %eq3A : vector<1x8xi32>
    %convert_element_type3A_45 = arith.extui %eq3A_44 : vector<1x8xi1> to vector<1x8xi32>
    %convert_element_type3A_46 = arith.sitofp %convert_element_type3A_45 : vector<1x8xi32> to vector<1x8xf32>
    %ge3A_47 = arith.constant 5 : i32
    %ge3A_48 = vector.broadcast %ge3A_47 : i32 to vector<16x49xi32>
    %ge3A_49 = arith.cmpi sge, %iota3A, %ge3A_48 : vector<16x49xi32>
    %lt3A_50 = arith.constant 10 : i32
    %lt3A_51 = vector.broadcast %lt3A_50 : i32 to vector<16x49xi32>
    %lt3A_52 = arith.cmpi slt, %iota3A, %lt3A_51 : vector<16x49xi32>
    %and3A_53 = arith.andi %ge3A_49, %lt3A_52 : vector<16x49xi1>
    %and3A_54 = arith.andi %and3A_53, %ge3A_6 : vector<16x49xi1>
    %reduce_or3A_55 = arith.constant 1.000000e+00 : f32
    %reduce_or3A_56 = arith.constant 0.000000e+00 : f32
    %reduce_or3A_57 = vector.broadcast %reduce_or3A_55 : f32 to vector<16x49xf32>
    %reduce_or3A_58 = vector.broadcast %reduce_or3A_56 : f32 to vector<16x49xf32>
    %reduce_or3A_59 = arith.select %and3A_54, %reduce_or3A_57, %reduce_or3A_58 : vector<16x49xi1>, vector<16x49xf32>
    %reduce_or3A_60 = vector.shape_cast %reduce_or3A_59 : vector<16x49xf32> to vector<1x16x49xf32>
    %reduce_or3A_61 = arith.constant dense<0xFF800000> : vector<1xf32>
    %reduce_or3A_62 = vector.multi_reduction <maximumf>, %reduce_or3A_60, %reduce_or3A_61 [1, 2] : vector<1x16x49xf32> to vector<1xf32>
    %reduce_or3A_63 = vector.shape_cast %reduce_or3A_62 : vector<1xf32> to vector<1x1x1xf32>
    %reduce_or3A_64 = vector.extract %reduce_or3A_63[0, 0, 0] : f32 from vector<1x1x1xf32>
    %reduce_or3A_65 = arith.constant 0.000000e+00 : f32
    %reduce_or3A_66 = arith.cmpf ogt, %reduce_or3A_64, %reduce_or3A_65 : f32
    %jit3A_67 = arith.constant -2147483648 : i32
    %broadcast_in_dim3A_68 = vector.broadcast %jit3A_67 : i32 to vector<16x49xi32>
    %select_n3A_69 = arith.select %and3A_54, %get3A_1, %broadcast_in_dim3A_68 : vector<16x49xi1>, vector<16x49xi32>
    %reduce_max3A_70 = vector.shape_cast %select_n3A_69 : vector<16x49xi32> to vector<1x16x49xi32>
    %reduce_max3A_71 = arith.constant dense<-2147483648> : vector<1xi32>
    %reduce_max3A_72 = vector.multi_reduction <maxsi>, %reduce_max3A_70, %reduce_max3A_71 [1, 2] : vector<1x16x49xi32> to vector<1xi32>
    %reduce_max3A_73 = vector.shape_cast %reduce_max3A_72 : vector<1xi32> to vector<1x1x1xi32>
    %reduce_max3A_74 = vector.extract %reduce_max3A_73[0, 0, 0] : i32 from vector<1x1x1xi32>
    %select_n3A_75 = arith.select %reduce_or3A_66, %reduce_max3A_74, %select_n3A_33 : i32
    %le3A_76 = vector.broadcast %select_n3A_75 : i32 to vector<1x8xi32>
    %le3A_77 = arith.cmpi sle, %get3A_4, %le3A_76 : vector<1x8xi32>
    %convert_element_type3A_78 = arith.extui %le3A_77 : vector<1x8xi1> to vector<1x8xi32>
    %reduce_sum3A_79 = vector.shape_cast %convert_element_type3A_78 : vector<1x8xi32> to vector<1x1x8xi32>
    %reduce_sum3A_80 = arith.constant dense<0> : vector<1xi32>
    %reduce_sum3A_81 = vector.multi_reduction <add>, %reduce_sum3A_79, %reduce_sum3A_80 [1, 2] : vector<1x1x8xi32> to vector<1xi32>
    %reduce_sum3A_82 = vector.shape_cast %reduce_sum3A_81 : vector<1xi32> to vector<1x1x1xi32>
    %reduce_sum3A_83 = vector.extract %reduce_sum3A_82[0, 0, 0] : i32 from vector<1x1x1xi32>
    %gt3A_84 = arith.constant 0 : i32
    %gt3A_85 = arith.cmpi sgt, %reduce_sum3A_83, %gt3A_84 : i32
    %sub3A_86 = arith.constant 1 : i32
    %sub3A_87 = arith.subi %reduce_sum3A_83, %sub3A_86 : i32
    %jit3A_88 = arith.constant 7 : i32
    %select_n3A_89 = arith.select %gt3A_85, %sub3A_87, %jit3A_88 : i32
    %iota3A_90 = tpu.iota {dimensions = array<i32: 1>} : vector<1x8xi32>
    %eq3A_91 = vector.broadcast %select_n3A_89 : i32 to vector<1x8xi32>
    %eq3A_92 = arith.cmpi eq, %iota3A_90, %eq3A_91 : vector<1x8xi32>
    %convert_element_type3A_93 = arith.extui %eq3A_92 : vector<1x8xi1> to vector<1x8xi32>
    %convert_element_type3A_94 = arith.sitofp %convert_element_type3A_93 : vector<1x8xi32> to vector<1x8xf32>
    %ge3A_95 = arith.constant 10 : i32
    %ge3A_96 = vector.broadcast %ge3A_95 : i32 to vector<16x49xi32>
    %ge3A_97 = arith.cmpi sge, %iota3A, %ge3A_96 : vector<16x49xi32>
    %lt3A_98 = arith.constant 15 : i32
    %lt3A_99 = vector.broadcast %lt3A_98 : i32 to vector<16x49xi32>
    %lt3A_100 = arith.cmpi slt, %iota3A, %lt3A_99 : vector<16x49xi32>
    %and3A_101 = arith.andi %ge3A_97, %lt3A_100 : vector<16x49xi1>
    %and3A_102 = arith.andi %and3A_101, %ge3A_6 : vector<16x49xi1>
    %reduce_or3A_103 = arith.constant 1.000000e+00 : f32
    %reduce_or3A_104 = arith.constant 0.000000e+00 : f32
    %reduce_or3A_105 = vector.broadcast %reduce_or3A_103 : f32 to vector<16x49xf32>
    %reduce_or3A_106 = vector.broadcast %reduce_or3A_104 : f32 to vector<16x49xf32>
    %reduce_or3A_107 = arith.select %and3A_102, %reduce_or3A_105, %reduce_or3A_106 : vector<16x49xi1>, vector<16x49xf32>
    %reduce_or3A_108 = vector.shape_cast %reduce_or3A_107 : vector<16x49xf32> to vector<1x16x49xf32>
    %reduce_or3A_109 = arith.constant dense<0xFF800000> : vector<1xf32>
    %reduce_or3A_110 = vector.multi_reduction <maximumf>, %reduce_or3A_108, %reduce_or3A_109 [1, 2] : vector<1x16x49xf32> to vector<1xf32>
    %reduce_or3A_111 = vector.shape_cast %reduce_or3A_110 : vector<1xf32> to vector<1x1x1xf32>
    %reduce_or3A_112 = vector.extract %reduce_or3A_111[0, 0, 0] : f32 from vector<1x1x1xf32>
    %reduce_or3A_113 = arith.constant 0.000000e+00 : f32
    %reduce_or3A_114 = arith.cmpf ogt, %reduce_or3A_112, %reduce_or3A_113 : f32
    %jit3A_115 = arith.constant -2147483648 : i32
    %broadcast_in_dim3A_116 = vector.broadcast %jit3A_115 : i32 to vector<16x49xi32>
    %select_n3A_117 = arith.select %and3A_102, %get3A_1, %broadcast_in_dim3A_116 : vector<16x49xi1>, vector<16x49xi32>
    %reduce_max3A_118 = vector.shape_cast %select_n3A_117 : vector<16x49xi32> to vector<1x16x49xi32>
    %reduce_max3A_119 = arith.constant dense<-2147483648> : vector<1xi32>
    %reduce_max3A_120 = vector.multi_reduction <maxsi>, %reduce_max3A_118, %reduce_max3A_119 [1, 2] : vector<1x16x49xi32> to vector<1xi32>
    %reduce_max3A_121 = vector.shape_cast %reduce_max3A_120 : vector<1xi32> to vector<1x1x1xi32>
    %reduce_max3A_122 = vector.extract %reduce_max3A_121[0, 0, 0] : i32 from vector<1x1x1xi32>
    %select_n3A_123 = arith.select %reduce_or3A_114, %reduce_max3A_122, %select_n3A_75 : i32
    %le3A_124 = vector.broadcast %select_n3A_123 : i32 to vector<1x8xi32>
    %le3A_125 = arith.cmpi sle, %get3A_4, %le3A_124 : vector<1x8xi32>
    %convert_element_type3A_126 = arith.extui %le3A_125 : vector<1x8xi1> to vector<1x8xi32>
    %reduce_sum3A_127 = vector.shape_cast %convert_element_type3A_126 : vector<1x8xi32> to vector<1x1x8xi32>
    %reduce_sum3A_128 = arith.constant dense<0> : vector<1xi32>
    %reduce_sum3A_129 = vector.multi_reduction <add>, %reduce_sum3A_127, %reduce_sum3A_128 [1, 2] : vector<1x1x8xi32> to vector<1xi32>
    %reduce_sum3A_130 = vector.shape_cast %reduce_sum3A_129 : vector<1xi32> to vector<1x1x1xi32>
    %reduce_sum3A_131 = vector.extract %reduce_sum3A_130[0, 0, 0] : i32 from vector<1x1x1xi32>
    %gt3A_132 = arith.constant 0 : i32
    %gt3A_133 = arith.cmpi sgt, %reduce_sum3A_131, %gt3A_132 : i32
    %sub3A_134 = arith.constant 1 : i32
    %sub3A_135 = arith.subi %reduce_sum3A_131, %sub3A_134 : i32
    %jit3A_136 = arith.constant 7 : i32
    %select_n3A_137 = arith.select %gt3A_133, %sub3A_135, %jit3A_136 : i32
    %iota3A_138 = tpu.iota {dimensions = array<i32: 1>} : vector<1x8xi32>
    %eq3A_139 = vector.broadcast %select_n3A_137 : i32 to vector<1x8xi32>
    %eq3A_140 = arith.cmpi eq, %iota3A_138, %eq3A_139 : vector<1x8xi32>
    %convert_element_type3A_141 = arith.extui %eq3A_140 : vector<1x8xi1> to vector<1x8xi32>
    %convert_element_type3A_142 = arith.sitofp %convert_element_type3A_141 : vector<1x8xi32> to vector<1x8xf32>
    %ge3A_143 = arith.constant 15 : i32
    %ge3A_144 = vector.broadcast %ge3A_143 : i32 to vector<16x49xi32>
    %ge3A_145 = arith.cmpi sge, %iota3A, %ge3A_144 : vector<16x49xi32>
    %lt3A_146 = arith.constant 20 : i32
    %lt3A_147 = vector.broadcast %lt3A_146 : i32 to vector<16x49xi32>
    %lt3A_148 = arith.cmpi slt, %iota3A, %lt3A_147 : vector<16x49xi32>
    %and3A_149 = arith.andi %ge3A_145, %lt3A_148 : vector<16x49xi1>
    %and3A_150 = arith.andi %and3A_149, %ge3A_6 : vector<16x49xi1>
    %reduce_or3A_151 = arith.constant 1.000000e+00 : f32
    %reduce_or3A_152 = arith.constant 0.000000e+00 : f32
    %reduce_or3A_153 = vector.broadcast %reduce_or3A_151 : f32 to vector<16x49xf32>
    %reduce_or3A_154 = vector.broadcast %reduce_or3A_152 : f32 to vector<16x49xf32>
    %reduce_or3A_155 = arith.select %and3A_150, %reduce_or3A_153, %reduce_or3A_154 : vector<16x49xi1>, vector<16x49xf32>
    %reduce_or3A_156 = vector.shape_cast %reduce_or3A_155 : vector<16x49xf32> to vector<1x16x49xf32>
    %reduce_or3A_157 = arith.constant dense<0xFF800000> : vector<1xf32>
    %reduce_or3A_158 = vector.multi_reduction <maximumf>, %reduce_or3A_156, %reduce_or3A_157 [1, 2] : vector<1x16x49xf32> to vector<1xf32>
    %reduce_or3A_159 = vector.shape_cast %reduce_or3A_158 : vector<1xf32> to vector<1x1x1xf32>
    %reduce_or3A_160 = vector.extract %reduce_or3A_159[0, 0, 0] : f32 from vector<1x1x1xf32>
    %reduce_or3A_161 = arith.constant 0.000000e+00 : f32
    %reduce_or3A_162 = arith.cmpf ogt, %reduce_or3A_160, %reduce_or3A_161 : f32
    %jit3A_163 = arith.constant -2147483648 : i32
    %broadcast_in_dim3A_164 = vector.broadcast %jit3A_163 : i32 to vector<16x49xi32>
    %select_n3A_165 = arith.select %and3A_150, %get3A_1, %broadcast_in_dim3A_164 : vector<16x49xi1>, vector<16x49xi32>
    %reduce_max3A_166 = vector.shape_cast %select_n3A_165 : vector<16x49xi32> to vector<1x16x49xi32>
    %reduce_max3A_167 = arith.constant dense<-2147483648> : vector<1xi32>
    %reduce_max3A_168 = vector.multi_reduction <maxsi>, %reduce_max3A_166, %reduce_max3A_167 [1, 2] : vector<1x16x49xi32> to vector<1xi32>
    %reduce_max3A_169 = vector.shape_cast %reduce_max3A_168 : vector<1xi32> to vector<1x1x1xi32>
    %reduce_max3A_170 = vector.extract %reduce_max3A_169[0, 0, 0] : i32 from vector<1x1x1xi32>
    %select_n3A_171 = arith.select %reduce_or3A_162, %reduce_max3A_170, %select_n3A_123 : i32
    %le3A_172 = vector.broadcast %select_n3A_171 : i32 to vector<1x8xi32>
    %le3A_173 = arith.cmpi sle, %get3A_4, %le3A_172 : vector<1x8xi32>
    %convert_element_type3A_174 = arith.extui %le3A_173 : vector<1x8xi1> to vector<1x8xi32>
    %reduce_sum3A_175 = vector.shape_cast %convert_element_type3A_174 : vector<1x8xi32> to vector<1x1x8xi32>
    %reduce_sum3A_176 = arith.constant dense<0> : vector<1xi32>
    %reduce_sum3A_177 = vector.multi_reduction <add>, %reduce_sum3A_175, %reduce_sum3A_176 [1, 2] : vector<1x1x8xi32> to vector<1xi32>
    %reduce_sum3A_178 = vector.shape_cast %reduce_sum3A_177 : vector<1xi32> to vector<1x1x1xi32>
    %reduce_sum3A_179 = vector.extract %reduce_sum3A_178[0, 0, 0] : i32 from vector<1x1x1xi32>
    %gt3A_180 = arith.constant 0 : i32
    %gt3A_181 = arith.cmpi sgt, %reduce_sum3A_179, %gt3A_180 : i32
    %sub3A_182 = arith.constant 1 : i32
    %sub3A_183 = arith.subi %reduce_sum3A_179, %sub3A_182 : i32
    %jit3A_184 = arith.constant 7 : i32
    %select_n3A_185 = arith.select %gt3A_181, %sub3A_183, %jit3A_184 : i32
    %iota3A_186 = tpu.iota {dimensions = array<i32: 1>} : vector<1x8xi32>
    %eq3A_187 = vector.broadcast %select_n3A_185 : i32 to vector<1x8xi32>
    %eq3A_188 = arith.cmpi eq, %iota3A_186, %eq3A_187 : vector<1x8xi32>
    %convert_element_type3A_189 = arith.extui %eq3A_188 : vector<1x8xi1> to vector<1x8xi32>
    %convert_element_type3A_190 = arith.sitofp %convert_element_type3A_189 : vector<1x8xi32> to vector<1x8xf32>
    %ge3A_191 = arith.constant 20 : i32
    %ge3A_192 = vector.broadcast %ge3A_191 : i32 to vector<16x49xi32>
    %ge3A_193 = arith.cmpi sge, %iota3A, %ge3A_192 : vector<16x49xi32>
    %lt3A_194 = arith.constant 25 : i32
    %lt3A_195 = vector.broadcast %lt3A_194 : i32 to vector<16x49xi32>
    %lt3A_196 = arith.cmpi slt, %iota3A, %lt3A_195 : vector<16x49xi32>
    %and3A_197 = arith.andi %ge3A_193, %lt3A_196 : vector<16x49xi1>
    %and3A_198 = arith.andi %and3A_197, %ge3A_6 : vector<16x49xi1>
    %reduce_or3A_199 = arith.constant 1.000000e+00 : f32
    %reduce_or3A_200 = arith.constant 0.000000e+00 : f32
    %reduce_or3A_201 = vector.broadcast %reduce_or3A_199 : f32 to vector<16x49xf32>
    %reduce_or3A_202 = vector.broadcast %reduce_or3A_200 : f32 to vector<16x49xf32>
    %reduce_or3A_203 = arith.select %and3A_198, %reduce_or3A_201, %reduce_or3A_202 : vector<16x49xi1>, vector<16x49xf32>
    %reduce_or3A_204 = vector.shape_cast %reduce_or3A_203 : vector<16x49xf32> to vector<1x16x49xf32>
    %reduce_or3A_205 = arith.constant dense<0xFF800000> : vector<1xf32>
    %reduce_or3A_206 = vector.multi_reduction <maximumf>, %reduce_or3A_204, %reduce_or3A_205 [1, 2] : vector<1x16x49xf32> to vector<1xf32>
    %reduce_or3A_207 = vector.shape_cast %reduce_or3A_206 : vector<1xf32> to vector<1x1x1xf32>
    %reduce_or3A_208 = vector.extract %reduce_or3A_207[0, 0, 0] : f32 from vector<1x1x1xf32>
    %reduce_or3A_209 = arith.constant 0.000000e+00 : f32
    %reduce_or3A_210 = arith.cmpf ogt, %reduce_or3A_208, %reduce_or3A_209 : f32
    %jit3A_211 = arith.constant -2147483648 : i32
    %broadcast_in_dim3A_212 = vector.broadcast %jit3A_211 : i32 to vector<16x49xi32>
    %select_n3A_213 = arith.select %and3A_198, %get3A_1, %broadcast_in_dim3A_212 : vector<16x49xi1>, vector<16x49xi32>
    %reduce_max3A_214 = vector.shape_cast %select_n3A_213 : vector<16x49xi32> to vector<1x16x49xi32>
    %reduce_max3A_215 = arith.constant dense<-2147483648> : vector<1xi32>
    %reduce_max3A_216 = vector.multi_reduction <maxsi>, %reduce_max3A_214, %reduce_max3A_215 [1, 2] : vector<1x16x49xi32> to vector<1xi32>
    %reduce_max3A_217 = vector.shape_cast %reduce_max3A_216 : vector<1xi32> to vector<1x1x1xi32>
    %reduce_max3A_218 = vector.extract %reduce_max3A_217[0, 0, 0] : i32 from vector<1x1x1xi32>
    %select_n3A_219 = arith.select %reduce_or3A_210, %reduce_max3A_218, %select_n3A_171 : i32
    %le3A_220 = vector.broadcast %select_n3A_219 : i32 to vector<1x8xi32>
    %le3A_221 = arith.cmpi sle, %get3A_4, %le3A_220 : vector<1x8xi32>
    %convert_element_type3A_222 = arith.extui %le3A_221 : vector<1x8xi1> to vector<1x8xi32>
    %reduce_sum3A_223 = vector.shape_cast %convert_element_type3A_222 : vector<1x8xi32> to vector<1x1x8xi32>
    %reduce_sum3A_224 = arith.constant dense<0> : vector<1xi32>
    %reduce_sum3A_225 = vector.multi_reduction <add>, %reduce_sum3A_223, %reduce_sum3A_224 [1, 2] : vector<1x1x8xi32> to vector<1xi32>
    %reduce_sum3A_226 = vector.shape_cast %reduce_sum3A_225 : vector<1xi32> to vector<1x1x1xi32>
    %reduce_sum3A_227 = vector.extract %reduce_sum3A_226[0, 0, 0] : i32 from vector<1x1x1xi32>
    %gt3A_228 = arith.constant 0 : i32
    %gt3A_229 = arith.cmpi sgt, %reduce_sum3A_227, %gt3A_228 : i32
    %sub3A_230 = arith.constant 1 : i32
    %sub3A_231 = arith.subi %reduce_sum3A_227, %sub3A_230 : i32
    %jit3A_232 = arith.constant 7 : i32
    %select_n3A_233 = arith.select %gt3A_229, %sub3A_231, %jit3A_232 : i32
    %iota3A_234 = tpu.iota {dimensions = array<i32: 1>} : vector<1x8xi32>
    %eq3A_235 = vector.broadcast %select_n3A_233 : i32 to vector<1x8xi32>
    %eq3A_236 = arith.cmpi eq, %iota3A_234, %eq3A_235 : vector<1x8xi32>
    %convert_element_type3A_237 = arith.extui %eq3A_236 : vector<1x8xi1> to vector<1x8xi32>
    %convert_element_type3A_238 = arith.sitofp %convert_element_type3A_237 : vector<1x8xi32> to vector<1x8xf32>
    %ge3A_239 = arith.constant 25 : i32
    %ge3A_240 = vector.broadcast %ge3A_239 : i32 to vector<16x49xi32>
    %ge3A_241 = arith.cmpi sge, %iota3A, %ge3A_240 : vector<16x49xi32>
    %lt3A_242 = arith.constant 30 : i32
    %lt3A_243 = vector.broadcast %lt3A_242 : i32 to vector<16x49xi32>
    %lt3A_244 = arith.cmpi slt, %iota3A, %lt3A_243 : vector<16x49xi32>
    %and3A_245 = arith.andi %ge3A_241, %lt3A_244 : vector<16x49xi1>
    %and3A_246 = arith.andi %and3A_245, %ge3A_6 : vector<16x49xi1>
    %reduce_or3A_247 = arith.constant 1.000000e+00 : f32
    %reduce_or3A_248 = arith.constant 0.000000e+00 : f32
    %reduce_or3A_249 = vector.broadcast %reduce_or3A_247 : f32 to vector<16x49xf32>
    %reduce_or3A_250 = vector.broadcast %reduce_or3A_248 : f32 to vector<16x49xf32>
    %reduce_or3A_251 = arith.select %and3A_246, %reduce_or3A_249, %reduce_or3A_250 : vector<16x49xi1>, vector<16x49xf32>
    %reduce_or3A_252 = vector.shape_cast %reduce_or3A_251 : vector<16x49xf32> to vector<1x16x49xf32>
    %reduce_or3A_253 = arith.constant dense<0xFF800000> : vector<1xf32>
    %reduce_or3A_254 = vector.multi_reduction <maximumf>, %reduce_or3A_252, %reduce_or3A_253 [1, 2] : vector<1x16x49xf32> to vector<1xf32>
    %reduce_or3A_255 = vector.shape_cast %reduce_or3A_254 : vector<1xf32> to vector<1x1x1xf32>
    %reduce_or3A_256 = vector.extract %reduce_or3A_255[0, 0, 0] : f32 from vector<1x1x1xf32>
    %reduce_or3A_257 = arith.constant 0.000000e+00 : f32
    %reduce_or3A_258 = arith.cmpf ogt, %reduce_or3A_256, %reduce_or3A_257 : f32
    %jit3A_259 = arith.constant -2147483648 : i32
    %broadcast_in_dim3A_260 = vector.broadcast %jit3A_259 : i32 to vector<16x49xi32>
    %select_n3A_261 = arith.select %and3A_246, %get3A_1, %broadcast_in_dim3A_260 : vector<16x49xi1>, vector<16x49xi32>
    %reduce_max3A_262 = vector.shape_cast %select_n3A_261 : vector<16x49xi32> to vector<1x16x49xi32>
    %reduce_max3A_263 = arith.constant dense<-2147483648> : vector<1xi32>
    %reduce_max3A_264 = vector.multi_reduction <maxsi>, %reduce_max3A_262, %reduce_max3A_263 [1, 2] : vector<1x16x49xi32> to vector<1xi32>
    %reduce_max3A_265 = vector.shape_cast %reduce_max3A_264 : vector<1xi32> to vector<1x1x1xi32>
    %reduce_max3A_266 = vector.extract %reduce_max3A_265[0, 0, 0] : i32 from vector<1x1x1xi32>
    %select_n3A_267 = arith.select %reduce_or3A_258, %reduce_max3A_266, %select_n3A_219 : i32
    %le3A_268 = vector.broadcast %select_n3A_267 : i32 to vector<1x8xi32>
    %le3A_269 = arith.cmpi sle, %get3A_4, %le3A_268 : vector<1x8xi32>
    %convert_element_type3A_270 = arith.extui %le3A_269 : vector<1x8xi1> to vector<1x8xi32>
    %reduce_sum3A_271 = vector.shape_cast %convert_element_type3A_270 : vector<1x8xi32> to vector<1x1x8xi32>
    %reduce_sum3A_272 = arith.constant dense<0> : vector<1xi32>
    %reduce_sum3A_273 = vector.multi_reduction <add>, %reduce_sum3A_271, %reduce_sum3A_272 [1, 2] : vector<1x1x8xi32> to vector<1xi32>
    %reduce_sum3A_274 = vector.shape_cast %reduce_sum3A_273 : vector<1xi32> to vector<1x1x1xi32>
    %reduce_sum3A_275 = vector.extract %reduce_sum3A_274[0, 0, 0] : i32 from vector<1x1x1xi32>
    %gt3A_276 = arith.constant 0 : i32
    %gt3A_277 = arith.cmpi sgt, %reduce_sum3A_275, %gt3A_276 : i32
    %sub3A_278 = arith.constant 1 : i32
    %sub3A_279 = arith.subi %reduce_sum3A_275, %sub3A_278 : i32
    %jit3A_280 = arith.constant 7 : i32
    %select_n3A_281 = arith.select %gt3A_277, %sub3A_279, %jit3A_280 : i32
    %iota3A_282 = tpu.iota {dimensions = array<i32: 1>} : vector<1x8xi32>
    %eq3A_283 = vector.broadcast %select_n3A_281 : i32 to vector<1x8xi32>
    %eq3A_284 = arith.cmpi eq, %iota3A_282, %eq3A_283 : vector<1x8xi32>
    %convert_element_type3A_285 = arith.extui %eq3A_284 : vector<1x8xi1> to vector<1x8xi32>
    %convert_element_type3A_286 = arith.sitofp %convert_element_type3A_285 : vector<1x8xi32> to vector<1x8xf32>
    %ge3A_287 = arith.constant 30 : i32
    %ge3A_288 = vector.broadcast %ge3A_287 : i32 to vector<16x49xi32>
    %ge3A_289 = arith.cmpi sge, %iota3A, %ge3A_288 : vector<16x49xi32>
    %lt3A_290 = arith.constant 35 : i32
    %lt3A_291 = vector.broadcast %lt3A_290 : i32 to vector<16x49xi32>
    %lt3A_292 = arith.cmpi slt, %iota3A, %lt3A_291 : vector<16x49xi32>
    %and3A_293 = arith.andi %ge3A_289, %lt3A_292 : vector<16x49xi1>
    %and3A_294 = arith.andi %and3A_293, %ge3A_6 : vector<16x49xi1>
    %reduce_or3A_295 = arith.constant 1.000000e+00 : f32
    %reduce_or3A_296 = arith.constant 0.000000e+00 : f32
    %reduce_or3A_297 = vector.broadcast %reduce_or3A_295 : f32 to vector<16x49xf32>
    %reduce_or3A_298 = vector.broadcast %reduce_or3A_296 : f32 to vector<16x49xf32>
    %reduce_or3A_299 = arith.select %and3A_294, %reduce_or3A_297, %reduce_or3A_298 : vector<16x49xi1>, vector<16x49xf32>
    %reduce_or3A_300 = vector.shape_cast %reduce_or3A_299 : vector<16x49xf32> to vector<1x16x49xf32>
    %reduce_or3A_301 = arith.constant dense<0xFF800000> : vector<1xf32>
    %reduce_or3A_302 = vector.multi_reduction <maximumf>, %reduce_or3A_300, %reduce_or3A_301 [1, 2] : vector<1x16x49xf32> to vector<1xf32>
    %reduce_or3A_303 = vector.shape_cast %reduce_or3A_302 : vector<1xf32> to vector<1x1x1xf32>
    %reduce_or3A_304 = vector.extract %reduce_or3A_303[0, 0, 0] : f32 from vector<1x1x1xf32>
    %reduce_or3A_305 = arith.constant 0.000000e+00 : f32
    %reduce_or3A_306 = arith.cmpf ogt, %reduce_or3A_304, %reduce_or3A_305 : f32
    %jit3A_307 = arith.constant -2147483648 : i32
    %broadcast_in_dim3A_308 = vector.broadcast %jit3A_307 : i32 to vector<16x49xi32>
    %select_n3A_309 = arith.select %and3A_294, %get3A_1, %broadcast_in_dim3A_308 : vector<16x49xi1>, vector<16x49xi32>
    %reduce_max3A_310 = vector.shape_cast %select_n3A_309 : vector<16x49xi32> to vector<1x16x49xi32>
    %reduce_max3A_311 = arith.constant dense<-2147483648> : vector<1xi32>
    %reduce_max3A_312 = vector.multi_reduction <maxsi>, %reduce_max3A_310, %reduce_max3A_311 [1, 2] : vector<1x16x49xi32> to vector<1xi32>
    %reduce_max3A_313 = vector.shape_cast %reduce_max3A_312 : vector<1xi32> to vector<1x1x1xi32>
    %reduce_max3A_314 = vector.extract %reduce_max3A_313[0, 0, 0] : i32 from vector<1x1x1xi32>
    %select_n3A_315 = arith.select %reduce_or3A_306, %reduce_max3A_314, %select_n3A_267 : i32
    %le3A_316 = vector.broadcast %select_n3A_315 : i32 to vector<1x8xi32>
    %le3A_317 = arith.cmpi sle, %get3A_4, %le3A_316 : vector<1x8xi32>
    %convert_element_type3A_318 = arith.extui %le3A_317 : vector<1x8xi1> to vector<1x8xi32>
    %reduce_sum3A_319 = vector.shape_cast %convert_element_type3A_318 : vector<1x8xi32> to vector<1x1x8xi32>
    %reduce_sum3A_320 = arith.constant dense<0> : vector<1xi32>
    %reduce_sum3A_321 = vector.multi_reduction <add>, %reduce_sum3A_319, %reduce_sum3A_320 [1, 2] : vector<1x1x8xi32> to vector<1xi32>
    %reduce_sum3A_322 = vector.shape_cast %reduce_sum3A_321 : vector<1xi32> to vector<1x1x1xi32>
    %reduce_sum3A_323 = vector.extract %reduce_sum3A_322[0, 0, 0] : i32 from vector<1x1x1xi32>
    %gt3A_324 = arith.constant 0 : i32
    %gt3A_325 = arith.cmpi sgt, %reduce_sum3A_323, %gt3A_324 : i32
    %sub3A_326 = arith.constant 1 : i32
    %sub3A_327 = arith.subi %reduce_sum3A_323, %sub3A_326 : i32
    %jit3A_328 = arith.constant 7 : i32
    %select_n3A_329 = arith.select %gt3A_325, %sub3A_327, %jit3A_328 : i32
    %iota3A_330 = tpu.iota {dimensions = array<i32: 1>} : vector<1x8xi32>
    %eq3A_331 = vector.broadcast %select_n3A_329 : i32 to vector<1x8xi32>
    %eq3A_332 = arith.cmpi eq, %iota3A_330, %eq3A_331 : vector<1x8xi32>
    %convert_element_type3A_333 = arith.extui %eq3A_332 : vector<1x8xi1> to vector<1x8xi32>
    %convert_element_type3A_334 = arith.sitofp %convert_element_type3A_333 : vector<1x8xi32> to vector<1x8xf32>
    %ge3A_335 = arith.constant 35 : i32
    %ge3A_336 = vector.broadcast %ge3A_335 : i32 to vector<16x49xi32>
    %ge3A_337 = arith.cmpi sge, %iota3A, %ge3A_336 : vector<16x49xi32>
    %lt3A_338 = arith.constant 40 : i32
    %lt3A_339 = vector.broadcast %lt3A_338 : i32 to vector<16x49xi32>
    %lt3A_340 = arith.cmpi slt, %iota3A, %lt3A_339 : vector<16x49xi32>
    %and3A_341 = arith.andi %ge3A_337, %lt3A_340 : vector<16x49xi1>
    %and3A_342 = arith.andi %and3A_341, %ge3A_6 : vector<16x49xi1>
    %reduce_or3A_343 = arith.constant 1.000000e+00 : f32
    %reduce_or3A_344 = arith.constant 0.000000e+00 : f32
    %reduce_or3A_345 = vector.broadcast %reduce_or3A_343 : f32 to vector<16x49xf32>
    %reduce_or3A_346 = vector.broadcast %reduce_or3A_344 : f32 to vector<16x49xf32>
    %reduce_or3A_347 = arith.select %and3A_342, %reduce_or3A_345, %reduce_or3A_346 : vector<16x49xi1>, vector<16x49xf32>
    %reduce_or3A_348 = vector.shape_cast %reduce_or3A_347 : vector<16x49xf32> to vector<1x16x49xf32>
    %reduce_or3A_349 = arith.constant dense<0xFF800000> : vector<1xf32>
    %reduce_or3A_350 = vector.multi_reduction <maximumf>, %reduce_or3A_348, %reduce_or3A_349 [1, 2] : vector<1x16x49xf32> to vector<1xf32>
    %reduce_or3A_351 = vector.shape_cast %reduce_or3A_350 : vector<1xf32> to vector<1x1x1xf32>
    %reduce_or3A_352 = vector.extract %reduce_or3A_351[0, 0, 0] : f32 from vector<1x1x1xf32>
    %reduce_or3A_353 = arith.constant 0.000000e+00 : f32
    %reduce_or3A_354 = arith.cmpf ogt, %reduce_or3A_352, %reduce_or3A_353 : f32
    %jit3A_355 = arith.constant -2147483648 : i32
    %broadcast_in_dim3A_356 = vector.broadcast %jit3A_355 : i32 to vector<16x49xi32>
    %select_n3A_357 = arith.select %and3A_342, %get3A_1, %broadcast_in_dim3A_356 : vector<16x49xi1>, vector<16x49xi32>
    %reduce_max3A_358 = vector.shape_cast %select_n3A_357 : vector<16x49xi32> to vector<1x16x49xi32>
    %reduce_max3A_359 = arith.constant dense<-2147483648> : vector<1xi32>
    %reduce_max3A_360 = vector.multi_reduction <maxsi>, %reduce_max3A_358, %reduce_max3A_359 [1, 2] : vector<1x16x49xi32> to vector<1xi32>
    %reduce_max3A_361 = vector.shape_cast %reduce_max3A_360 : vector<1xi32> to vector<1x1x1xi32>
    %reduce_max3A_362 = vector.extract %reduce_max3A_361[0, 0, 0] : i32 from vector<1x1x1xi32>
    %select_n3A_363 = arith.select %reduce_or3A_354, %reduce_max3A_362, %select_n3A_315 : i32
    %le3A_364 = vector.broadcast %select_n3A_363 : i32 to vector<1x8xi32>
    %le3A_365 = arith.cmpi sle, %get3A_4, %le3A_364 : vector<1x8xi32>
    %convert_element_type3A_366 = arith.extui %le3A_365 : vector<1x8xi1> to vector<1x8xi32>
    %reduce_sum3A_367 = vector.shape_cast %convert_element_type3A_366 : vector<1x8xi32> to vector<1x1x8xi32>
    %reduce_sum3A_368 = arith.constant dense<0> : vector<1xi32>
    %reduce_sum3A_369 = vector.multi_reduction <add>, %reduce_sum3A_367, %reduce_sum3A_368 [1, 2] : vector<1x1x8xi32> to vector<1xi32>
    %reduce_sum3A_370 = vector.shape_cast %reduce_sum3A_369 : vector<1xi32> to vector<1x1x1xi32>
    %reduce_sum3A_371 = vector.extract %reduce_sum3A_370[0, 0, 0] : i32 from vector<1x1x1xi32>
    %gt3A_372 = arith.constant 0 : i32
    %gt3A_373 = arith.cmpi sgt, %reduce_sum3A_371, %gt3A_372 : i32
    %sub3A_374 = arith.constant 1 : i32
    %sub3A_375 = arith.subi %reduce_sum3A_371, %sub3A_374 : i32
    %jit3A_376 = arith.constant 7 : i32
    %select_n3A_377 = arith.select %gt3A_373, %sub3A_375, %jit3A_376 : i32
    %iota3A_378 = tpu.iota {dimensions = array<i32: 1>} : vector<1x8xi32>
    %eq3A_379 = vector.broadcast %select_n3A_377 : i32 to vector<1x8xi32>
    %eq3A_380 = arith.cmpi eq, %iota3A_378, %eq3A_379 : vector<1x8xi32>
    %convert_element_type3A_381 = arith.extui %eq3A_380 : vector<1x8xi1> to vector<1x8xi32>
    %convert_element_type3A_382 = arith.sitofp %convert_element_type3A_381 : vector<1x8xi32> to vector<1x8xf32>
    %ge3A_383 = arith.constant 40 : i32
    %ge3A_384 = vector.broadcast %ge3A_383 : i32 to vector<16x49xi32>
    %ge3A_385 = arith.cmpi sge, %iota3A, %ge3A_384 : vector<16x49xi32>
    %lt3A_386 = arith.constant 45 : i32
    %lt3A_387 = vector.broadcast %lt3A_386 : i32 to vector<16x49xi32>
    %lt3A_388 = arith.cmpi slt, %iota3A, %lt3A_387 : vector<16x49xi32>
    %and3A_389 = arith.andi %ge3A_385, %lt3A_388 : vector<16x49xi1>
    %and3A_390 = arith.andi %and3A_389, %ge3A_6 : vector<16x49xi1>
    %reduce_or3A_391 = arith.constant 1.000000e+00 : f32
    %reduce_or3A_392 = arith.constant 0.000000e+00 : f32
    %reduce_or3A_393 = vector.broadcast %reduce_or3A_391 : f32 to vector<16x49xf32>
    %reduce_or3A_394 = vector.broadcast %reduce_or3A_392 : f32 to vector<16x49xf32>
    %reduce_or3A_395 = arith.select %and3A_390, %reduce_or3A_393, %reduce_or3A_394 : vector<16x49xi1>, vector<16x49xf32>
    %reduce_or3A_396 = vector.shape_cast %reduce_or3A_395 : vector<16x49xf32> to vector<1x16x49xf32>
    %reduce_or3A_397 = arith.constant dense<0xFF800000> : vector<1xf32>
    %reduce_or3A_398 = vector.multi_reduction <maximumf>, %reduce_or3A_396, %reduce_or3A_397 [1, 2] : vector<1x16x49xf32> to vector<1xf32>
    %reduce_or3A_399 = vector.shape_cast %reduce_or3A_398 : vector<1xf32> to vector<1x1x1xf32>
    %reduce_or3A_400 = vector.extract %reduce_or3A_399[0, 0, 0] : f32 from vector<1x1x1xf32>
    %reduce_or3A_401 = arith.constant 0.000000e+00 : f32
    %reduce_or3A_402 = arith.cmpf ogt, %reduce_or3A_400, %reduce_or3A_401 : f32
    %jit3A_403 = arith.constant -2147483648 : i32
    %broadcast_in_dim3A_404 = vector.broadcast %jit3A_403 : i32 to vector<16x49xi32>
    %select_n3A_405 = arith.select %and3A_390, %get3A_1, %broadcast_in_dim3A_404 : vector<16x49xi1>, vector<16x49xi32>
    %reduce_max3A_406 = vector.shape_cast %select_n3A_405 : vector<16x49xi32> to vector<1x16x49xi32>
    %reduce_max3A_407 = arith.constant dense<-2147483648> : vector<1xi32>
    %reduce_max3A_408 = vector.multi_reduction <maxsi>, %reduce_max3A_406, %reduce_max3A_407 [1, 2] : vector<1x16x49xi32> to vector<1xi32>
    %reduce_max3A_409 = vector.shape_cast %reduce_max3A_408 : vector<1xi32> to vector<1x1x1xi32>
    %reduce_max3A_410 = vector.extract %reduce_max3A_409[0, 0, 0] : i32 from vector<1x1x1xi32>
    %select_n3A_411 = arith.select %reduce_or3A_402, %reduce_max3A_410, %select_n3A_363 : i32
    %le3A_412 = vector.broadcast %select_n3A_411 : i32 to vector<1x8xi32>
    %le3A_413 = arith.cmpi sle, %get3A_4, %le3A_412 : vector<1x8xi32>
    %convert_element_type3A_414 = arith.extui %le3A_413 : vector<1x8xi1> to vector<1x8xi32>
    %reduce_sum3A_415 = vector.shape_cast %convert_element_type3A_414 : vector<1x8xi32> to vector<1x1x8xi32>
    %reduce_sum3A_416 = arith.constant dense<0> : vector<1xi32>
    %reduce_sum3A_417 = vector.multi_reduction <add>, %reduce_sum3A_415, %reduce_sum3A_416 [1, 2] : vector<1x1x8xi32> to vector<1xi32>
    %reduce_sum3A_418 = vector.shape_cast %reduce_sum3A_417 : vector<1xi32> to vector<1x1x1xi32>
    %reduce_sum3A_419 = vector.extract %reduce_sum3A_418[0, 0, 0] : i32 from vector<1x1x1xi32>
    %gt3A_420 = arith.constant 0 : i32
    %gt3A_421 = arith.cmpi sgt, %reduce_sum3A_419, %gt3A_420 : i32
    %sub3A_422 = arith.constant 1 : i32
    %sub3A_423 = arith.subi %reduce_sum3A_419, %sub3A_422 : i32
    %jit3A_424 = arith.constant 7 : i32
    %select_n3A_425 = arith.select %gt3A_421, %sub3A_423, %jit3A_424 : i32
    %iota3A_426 = tpu.iota {dimensions = array<i32: 1>} : vector<1x8xi32>
    %eq3A_427 = vector.broadcast %select_n3A_425 : i32 to vector<1x8xi32>
    %eq3A_428 = arith.cmpi eq, %iota3A_426, %eq3A_427 : vector<1x8xi32>
    %convert_element_type3A_429 = arith.extui %eq3A_428 : vector<1x8xi1> to vector<1x8xi32>
    %convert_element_type3A_430 = arith.sitofp %convert_element_type3A_429 : vector<1x8xi32> to vector<1x8xf32>
    %ge3A_431 = arith.constant 45 : i32
    %ge3A_432 = vector.broadcast %ge3A_431 : i32 to vector<16x49xi32>
    %ge3A_433 = arith.cmpi sge, %iota3A, %ge3A_432 : vector<16x49xi32>
    %lt3A_434 = arith.constant 49 : i32
    %lt3A_435 = vector.broadcast %lt3A_434 : i32 to vector<16x49xi32>
    %lt3A_436 = arith.cmpi slt, %iota3A, %lt3A_435 : vector<16x49xi32>
    %and3A_437 = arith.andi %ge3A_433, %lt3A_436 : vector<16x49xi1>
    %and3A_438 = arith.andi %and3A_437, %ge3A_6 : vector<16x49xi1>
    %reduce_or3A_439 = arith.constant 1.000000e+00 : f32
    %reduce_or3A_440 = arith.constant 0.000000e+00 : f32
    %reduce_or3A_441 = vector.broadcast %reduce_or3A_439 : f32 to vector<16x49xf32>
    %reduce_or3A_442 = vector.broadcast %reduce_or3A_440 : f32 to vector<16x49xf32>
    %reduce_or3A_443 = arith.select %and3A_438, %reduce_or3A_441, %reduce_or3A_442 : vector<16x49xi1>, vector<16x49xf32>
    %reduce_or3A_444 = vector.shape_cast %reduce_or3A_443 : vector<16x49xf32> to vector<1x16x49xf32>
    %reduce_or3A_445 = arith.constant dense<0xFF800000> : vector<1xf32>
    %reduce_or3A_446 = vector.multi_reduction <maximumf>, %reduce_or3A_444, %reduce_or3A_445 [1, 2] : vector<1x16x49xf32> to vector<1xf32>
    %reduce_or3A_447 = vector.shape_cast %reduce_or3A_446 : vector<1xf32> to vector<1x1x1xf32>
    %reduce_or3A_448 = vector.extract %reduce_or3A_447[0, 0, 0] : f32 from vector<1x1x1xf32>
    %reduce_or3A_449 = arith.constant 0.000000e+00 : f32
    %reduce_or3A_450 = arith.cmpf ogt, %reduce_or3A_448, %reduce_or3A_449 : f32
    %jit3A_451 = arith.constant -2147483648 : i32
    %broadcast_in_dim3A_452 = vector.broadcast %jit3A_451 : i32 to vector<16x49xi32>
    %select_n3A_453 = arith.select %and3A_438, %get3A_1, %broadcast_in_dim3A_452 : vector<16x49xi1>, vector<16x49xi32>
    %reduce_max3A_454 = vector.shape_cast %select_n3A_453 : vector<16x49xi32> to vector<1x16x49xi32>
    %reduce_max3A_455 = arith.constant dense<-2147483648> : vector<1xi32>
    %reduce_max3A_456 = vector.multi_reduction <maxsi>, %reduce_max3A_454, %reduce_max3A_455 [1, 2] : vector<1x16x49xi32> to vector<1xi32>
    %reduce_max3A_457 = vector.shape_cast %reduce_max3A_456 : vector<1xi32> to vector<1x1x1xi32>
    %reduce_max3A_458 = vector.extract %reduce_max3A_457[0, 0, 0] : i32 from vector<1x1x1xi32>
    %select_n3A_459 = arith.select %reduce_or3A_450, %reduce_max3A_458, %select_n3A_411 : i32
    %le3A_460 = vector.broadcast %select_n3A_459 : i32 to vector<1x8xi32>
    %le3A_461 = arith.cmpi sle, %get3A_4, %le3A_460 : vector<1x8xi32>
    %convert_element_type3A_462 = arith.extui %le3A_461 : vector<1x8xi1> to vector<1x8xi32>
    %reduce_sum3A_463 = vector.shape_cast %convert_element_type3A_462 : vector<1x8xi32> to vector<1x1x8xi32>
    %reduce_sum3A_464 = arith.constant dense<0> : vector<1xi32>
    %reduce_sum3A_465 = vector.multi_reduction <add>, %reduce_sum3A_463, %reduce_sum3A_464 [1, 2] : vector<1x1x8xi32> to vector<1xi32>
    %reduce_sum3A_466 = vector.shape_cast %reduce_sum3A_465 : vector<1xi32> to vector<1x1x1xi32>
    %reduce_sum3A_467 = vector.extract %reduce_sum3A_466[0, 0, 0] : i32 from vector<1x1x1xi32>
    %gt3A_468 = arith.constant 0 : i32
    %gt3A_469 = arith.cmpi sgt, %reduce_sum3A_467, %gt3A_468 : i32
    %sub3A_470 = arith.constant 1 : i32
    %sub3A_471 = arith.subi %reduce_sum3A_467, %sub3A_470 : i32
    %jit3A_472 = arith.constant 7 : i32
    %select_n3A_473 = arith.select %gt3A_469, %sub3A_471, %jit3A_472 : i32
    %iota3A_474 = tpu.iota {dimensions = array<i32: 1>} : vector<1x8xi32>
    %eq3A_475 = vector.broadcast %select_n3A_473 : i32 to vector<1x8xi32>
    %eq3A_476 = arith.cmpi eq, %iota3A_474, %eq3A_475 : vector<1x8xi32>
    %convert_element_type3A_477 = arith.extui %eq3A_476 : vector<1x8xi1> to vector<1x8xi32>
    %convert_element_type3A_478 = arith.sitofp %convert_element_type3A_477 : vector<1x8xi32> to vector<1x8xf32>
    %concatenate3A = tpu.concatenate %convert_element_type3A_46, %convert_element_type3A_94, %convert_element_type3A_142, %convert_element_type3A_190, %convert_element_type3A_238, %convert_element_type3A_286, %convert_element_type3A_334, %convert_element_type3A_382, %convert_element_type3A_430, %convert_element_type3A_478 in 0 : vector<1x8xf32>, vector<1x8xf32>, vector<1x8xf32>, vector<1x8xf32>, vector<1x8xf32>, vector<1x8xf32>, vector<1x8xf32>, vector<1x8xf32>, vector<1x8xf32>, vector<1x8xf32> -> vector<10x8xf32>
    %iota3A_479 = tpu.iota {dimensions = array<i32: 0>} : vector<784x10xi32>
    %iota3A_480 = tpu.iota {dimensions = array<i32: 1>} : vector<784x10xi32>
    %jit3A_481 = arith.constant 49 : i32
    %eq3A_482 = arith.constant 0 : i32
    %eq3A_483 = arith.cmpi eq, %jit3A_481, %eq3A_482 : i32
    %jit3A_484 = arith.constant 1 : i32
    %select_n3A_485 = arith.select %eq3A_483, %jit3A_484, %jit3A_481 : i32
    %rem3A = vector.broadcast %select_n3A_485 : i32 to vector<784x10xi32>
    %rem3A_486 = arith.remsi %iota3A_479, %rem3A : vector<784x10xi32>
    %ne3A = arith.constant 0 : i32
    %ne3A_487 = vector.broadcast %ne3A : i32 to vector<784x10xi32>
    %ne3A_488 = arith.cmpi ne, %rem3A_486, %ne3A_487 : vector<784x10xi32>
    %lt3A_489 = arith.constant 0 : i32
    %lt3A_490 = vector.broadcast %lt3A_489 : i32 to vector<784x10xi32>
    %lt3A_491 = arith.cmpi slt, %rem3A_486, %lt3A_490 : vector<784x10xi32>
    %lt3A_492 = arith.constant 0 : i32
    %lt3A_493 = arith.cmpi slt, %select_n3A_485, %lt3A_492 : i32
    %ne3A_494 = vector.broadcast %lt3A_493 : i1 to vector<784x10xi1>
    %ne3A_495 = vector.broadcast %ne3A_494 : vector<784x10xi1> to vector<784x10xi1>
    %ne3A_496 = arith.xori %lt3A_491, %ne3A_495 : vector<784x10xi1>
    %and3A_497 = arith.andi %ne3A_496, %ne3A_488 : vector<784x10xi1>
    %add3A = vector.broadcast %select_n3A_485 : i32 to vector<784x10xi32>
    %add3A_498 = arith.addi %rem3A_486, %add3A : vector<784x10xi32>
    %select_n3A_499 = arith.select %and3A_497, %add3A_498, %rem3A_486 : vector<784x10xi1>, vector<784x10xi32>
    %jit3A_500 = arith.constant 5 : i32
    %div3A = vector.broadcast %jit3A_500 : i32 to vector<784x10xi32>
    %div3A_501 = arith.divsi %select_n3A_499, %div3A : vector<784x10xi32>
    %sign3A = arith.constant 0 : i32
    %sign3A_502 = vector.broadcast %sign3A : i32 to vector<784x10xi32>
    %sign3A_503 = arith.cmpi sgt, %select_n3A_499, %sign3A_502 : vector<784x10xi32>
    %sign3A_504 = arith.extui %sign3A_503 : vector<784x10xi1> to vector<784x10xi32>
    %sign3A_505 = arith.constant 0 : i32
    %sign3A_506 = vector.broadcast %sign3A_505 : i32 to vector<784x10xi32>
    %sign3A_507 = arith.cmpi slt, %select_n3A_499, %sign3A_506 : vector<784x10xi32>
    %sign3A_508 = arith.extui %sign3A_507 : vector<784x10xi1> to vector<784x10xi32>
    %sign3A_509 = arith.subi %sign3A_504, %sign3A_508 : vector<784x10xi32>
    %sign3A_510 = arith.constant 0 : i32
    %sign3A_511 = arith.cmpi sgt, %jit3A_500, %sign3A_510 : i32
    %sign3A_512 = arith.extui %sign3A_511 : i1 to i32
    %sign3A_513 = arith.constant 0 : i32
    %sign3A_514 = arith.cmpi slt, %jit3A_500, %sign3A_513 : i32
    %sign3A_515 = arith.extui %sign3A_514 : i1 to i32
    %sign3A_516 = arith.subi %sign3A_512, %sign3A_515 : i32
    %ne3A_517 = vector.broadcast %sign3A_516 : i32 to vector<784x10xi32>
    %ne3A_518 = arith.cmpi ne, %sign3A_509, %ne3A_517 : vector<784x10xi32>
    %rem3A_519 = vector.broadcast %jit3A_500 : i32 to vector<784x10xi32>
    %rem3A_520 = arith.remsi %select_n3A_499, %rem3A_519 : vector<784x10xi32>
    %ne3A_521 = arith.constant 0 : i32
    %ne3A_522 = vector.broadcast %ne3A_521 : i32 to vector<784x10xi32>
    %ne3A_523 = arith.cmpi ne, %rem3A_520, %ne3A_522 : vector<784x10xi32>
    %and3A_524 = arith.andi %ne3A_518, %ne3A_523 : vector<784x10xi1>
    %sub3A_525 = arith.constant 1 : i32
    %sub3A_526 = vector.broadcast %sub3A_525 : i32 to vector<784x10xi32>
    %sub3A_527 = arith.subi %div3A_501, %sub3A_526 : vector<784x10xi32>
    %select_n3A_528 = arith.select %and3A_524, %sub3A_527, %div3A_501 : vector<784x10xi1>, vector<784x10xi32>
    %eq3A_529 = arith.cmpi eq, %select_n3A_528, %iota3A_480 : vector<784x10xi32>
    %convert_element_type3A_530 = arith.extui %eq3A_529 : vector<784x10xi1> to vector<784x10xi32>
    %convert_element_type3A_531 = arith.sitofp %convert_element_type3A_530 : vector<784x10xi32> to vector<784x10xf32>
    %get3A_532 = arith.constant 0 : index
    %get3A_533 = arith.constant 0 : index
    %get3A_534 = vector.load %arg3[%get3A_532, %get3A_533] : memref<8x64xf32, #tpu.memory_space<vmem>>, vector<8x64xf32>
    %dot_general3A = arith.constant dense<0.000000e+00> : vector<10x64xf32>
    %dot_general3A_535 = tpu.matmul %concatenate3A, %get3A_534, %dot_general3A {dimension_numbers = #tpu.dot_dimension_numbers<[1], [0], [0], [1], [0, 0, 1, 1], [], []>, transpose_lhs_hint = false} : vector<10x8xf32>, vector<8x64xf32>, vector<10x64xf32> -> vector<10x64xf32>
    %dot_general3A_536 = arith.constant dense<0.000000e+00> : vector<784x64xf32>
    %dot_general3A_537 = tpu.matmul %convert_element_type3A_531, %dot_general3A_535, %dot_general3A_536 {dimension_numbers = #tpu.dot_dimension_numbers<[1], [0], [0], [1], [0, 0, 1, 1], [], []>, transpose_lhs_hint = false} : vector<784x10xf32>, vector<10x64xf32>, vector<784x64xf32> -> vector<784x64xf32>
    %get3A_538 = arith.constant 0 : index
    %get3A_539 = arith.constant 0 : index
    %get3A_540 = arith.constant 0 : index
    %get3A_541 = vector.load %arg2[%get3A_538, %get3A_539, %get3A_540] : memref<8x784x64xf32, #tpu.memory_space<vmem>>, vector<8x784x64xf32>
    %slice3A = vector.extract_strided_slice %get3A_541 {offsets = [0, 0, 0], sizes = [1, 784, 64], strides = [1, 1, 1]} : vector<8x784x64xf32> to vector<1x784x64xf32>
    %squeeze3A = vector.shape_cast %slice3A : vector<1x784x64xf32> to vector<784x64xf32>
    %mul3A = arith.mulf %dot_general3A_537, %squeeze3A : vector<784x64xf32>
    %reduce_sum3A_542 = arith.constant dense<0.000000e+00> : vector<784xf32>
    %reduce_sum3A_543 = vector.multi_reduction <add>, %mul3A, %reduce_sum3A_542 [1] : vector<784x64xf32> to vector<784xf32>
    %broadcast_in_dim3A_544 = vector.shape_cast %reduce_sum3A_543 : vector<784xf32> to vector<784x1xf32>
    %mul3A_545 = arith.constant 1.250000e-01 : f32
    %mul3A_546 = vector.broadcast %mul3A_545 : f32 to vector<784x1xf32>
    %mul3A_547 = arith.mulf %broadcast_in_dim3A_544, %mul3A_546 : vector<784x1xf32>
    %slice3A_548 = vector.extract_strided_slice %get3A_541 {offsets = [1, 0, 0], sizes = [1, 784, 64], strides = [1, 1, 1]} : vector<8x784x64xf32> to vector<1x784x64xf32>
    %squeeze3A_549 = vector.shape_cast %slice3A_548 : vector<1x784x64xf32> to vector<784x64xf32>
    %mul3A_550 = arith.mulf %dot_general3A_537, %squeeze3A_549 : vector<784x64xf32>
    %reduce_sum3A_551 = arith.constant dense<0.000000e+00> : vector<784xf32>
    %reduce_sum3A_552 = vector.multi_reduction <add>, %mul3A_550, %reduce_sum3A_551 [1] : vector<784x64xf32> to vector<784xf32>
    %broadcast_in_dim3A_553 = vector.shape_cast %reduce_sum3A_552 : vector<784xf32> to vector<784x1xf32>
    %mul3A_554 = arith.constant 1.250000e-01 : f32
    %mul3A_555 = vector.broadcast %mul3A_554 : f32 to vector<784x1xf32>
    %mul3A_556 = arith.mulf %broadcast_in_dim3A_553, %mul3A_555 : vector<784x1xf32>
    %slice3A_557 = vector.extract_strided_slice %get3A_541 {offsets = [2, 0, 0], sizes = [1, 784, 64], strides = [1, 1, 1]} : vector<8x784x64xf32> to vector<1x784x64xf32>
    %squeeze3A_558 = vector.shape_cast %slice3A_557 : vector<1x784x64xf32> to vector<784x64xf32>
    %mul3A_559 = arith.mulf %dot_general3A_537, %squeeze3A_558 : vector<784x64xf32>
    %reduce_sum3A_560 = arith.constant dense<0.000000e+00> : vector<784xf32>
    %reduce_sum3A_561 = vector.multi_reduction <add>, %mul3A_559, %reduce_sum3A_560 [1] : vector<784x64xf32> to vector<784xf32>
    %broadcast_in_dim3A_562 = vector.shape_cast %reduce_sum3A_561 : vector<784xf32> to vector<784x1xf32>
    %mul3A_563 = arith.constant 1.250000e-01 : f32
    %mul3A_564 = vector.broadcast %mul3A_563 : f32 to vector<784x1xf32>
    %mul3A_565 = arith.mulf %broadcast_in_dim3A_562, %mul3A_564 : vector<784x1xf32>
    %slice3A_566 = vector.extract_strided_slice %get3A_541 {offsets = [3, 0, 0], sizes = [1, 784, 64], strides = [1, 1, 1]} : vector<8x784x64xf32> to vector<1x784x64xf32>
    %squeeze3A_567 = vector.shape_cast %slice3A_566 : vector<1x784x64xf32> to vector<784x64xf32>
    %mul3A_568 = arith.mulf %dot_general3A_537, %squeeze3A_567 : vector<784x64xf32>
    %reduce_sum3A_569 = arith.constant dense<0.000000e+00> : vector<784xf32>
    %reduce_sum3A_570 = vector.multi_reduction <add>, %mul3A_568, %reduce_sum3A_569 [1] : vector<784x64xf32> to vector<784xf32>
    %broadcast_in_dim3A_571 = vector.shape_cast %reduce_sum3A_570 : vector<784xf32> to vector<784x1xf32>
    %mul3A_572 = arith.constant 1.250000e-01 : f32
    %mul3A_573 = vector.broadcast %mul3A_572 : f32 to vector<784x1xf32>
    %mul3A_574 = arith.mulf %broadcast_in_dim3A_571, %mul3A_573 : vector<784x1xf32>
    %slice3A_575 = vector.extract_strided_slice %get3A_541 {offsets = [4, 0, 0], sizes = [1, 784, 64], strides = [1, 1, 1]} : vector<8x784x64xf32> to vector<1x784x64xf32>
    %squeeze3A_576 = vector.shape_cast %slice3A_575 : vector<1x784x64xf32> to vector<784x64xf32>
    %mul3A_577 = arith.mulf %dot_general3A_537, %squeeze3A_576 : vector<784x64xf32>
    %reduce_sum3A_578 = arith.constant dense<0.000000e+00> : vector<784xf32>
    %reduce_sum3A_579 = vector.multi_reduction <add>, %mul3A_577, %reduce_sum3A_578 [1] : vector<784x64xf32> to vector<784xf32>
    %broadcast_in_dim3A_580 = vector.shape_cast %reduce_sum3A_579 : vector<784xf32> to vector<784x1xf32>
    %mul3A_581 = arith.constant 1.250000e-01 : f32
    %mul3A_582 = vector.broadcast %mul3A_581 : f32 to vector<784x1xf32>
    %mul3A_583 = arith.mulf %broadcast_in_dim3A_580, %mul3A_582 : vector<784x1xf32>
    %slice3A_584 = vector.extract_strided_slice %get3A_541 {offsets = [5, 0, 0], sizes = [1, 784, 64], strides = [1, 1, 1]} : vector<8x784x64xf32> to vector<1x784x64xf32>
    %squeeze3A_585 = vector.shape_cast %slice3A_584 : vector<1x784x64xf32> to vector<784x64xf32>
    %mul3A_586 = arith.mulf %dot_general3A_537, %squeeze3A_585 : vector<784x64xf32>
    %reduce_sum3A_587 = arith.constant dense<0.000000e+00> : vector<784xf32>
    %reduce_sum3A_588 = vector.multi_reduction <add>, %mul3A_586, %reduce_sum3A_587 [1] : vector<784x64xf32> to vector<784xf32>
    %broadcast_in_dim3A_589 = vector.shape_cast %reduce_sum3A_588 : vector<784xf32> to vector<784x1xf32>
    %mul3A_590 = arith.constant 1.250000e-01 : f32
    %mul3A_591 = vector.broadcast %mul3A_590 : f32 to vector<784x1xf32>
    %mul3A_592 = arith.mulf %broadcast_in_dim3A_589, %mul3A_591 : vector<784x1xf32>
    %slice3A_593 = vector.extract_strided_slice %get3A_541 {offsets = [6, 0, 0], sizes = [1, 784, 64], strides = [1, 1, 1]} : vector<8x784x64xf32> to vector<1x784x64xf32>
    %squeeze3A_594 = vector.shape_cast %slice3A_593 : vector<1x784x64xf32> to vector<784x64xf32>
    %mul3A_595 = arith.mulf %dot_general3A_537, %squeeze3A_594 : vector<784x64xf32>
    %reduce_sum3A_596 = arith.constant dense<0.000000e+00> : vector<784xf32>
    %reduce_sum3A_597 = vector.multi_reduction <add>, %mul3A_595, %reduce_sum3A_596 [1] : vector<784x64xf32> to vector<784xf32>
    %broadcast_in_dim3A_598 = vector.shape_cast %reduce_sum3A_597 : vector<784xf32> to vector<784x1xf32>
    %mul3A_599 = arith.constant 1.250000e-01 : f32
    %mul3A_600 = vector.broadcast %mul3A_599 : f32 to vector<784x1xf32>
    %mul3A_601 = arith.mulf %broadcast_in_dim3A_598, %mul3A_600 : vector<784x1xf32>
    %slice3A_602 = vector.extract_strided_slice %get3A_541 {offsets = [7, 0, 0], sizes = [1, 784, 64], strides = [1, 1, 1]} : vector<8x784x64xf32> to vector<1x784x64xf32>
    %squeeze3A_603 = vector.shape_cast %slice3A_602 : vector<1x784x64xf32> to vector<784x64xf32>
    %mul3A_604 = arith.mulf %dot_general3A_537, %squeeze3A_603 : vector<784x64xf32>
    %reduce_sum3A_605 = arith.constant dense<0.000000e+00> : vector<784xf32>
    %reduce_sum3A_606 = vector.multi_reduction <add>, %mul3A_604, %reduce_sum3A_605 [1] : vector<784x64xf32> to vector<784xf32>
    %broadcast_in_dim3A_607 = vector.shape_cast %reduce_sum3A_606 : vector<784xf32> to vector<784x1xf32>
    %mul3A_608 = arith.constant 1.250000e-01 : f32
    %mul3A_609 = vector.broadcast %mul3A_608 : f32 to vector<784x1xf32>
    %mul3A_610 = arith.mulf %broadcast_in_dim3A_607, %mul3A_609 : vector<784x1xf32>
    %concatenate3A_611 = tpu.concatenate %mul3A_547, %mul3A_556, %mul3A_565, %mul3A_574, %mul3A_583, %mul3A_592, %mul3A_601, %mul3A_610 in 1 : vector<784x1xf32>, vector<784x1xf32>, vector<784x1xf32>, vector<784x1xf32>, vector<784x1xf32>, vector<784x1xf32>, vector<784x1xf32>, vector<784x1xf32> -> vector<784x8xf32>
    %reduce_max3A_612 = arith.constant dense<0xFF800000> : vector<784xf32>
    %reduce_max3A_613 = vector.multi_reduction <maximumf>, %concatenate3A_611, %reduce_max3A_612 [1] : vector<784x8xf32> to vector<784xf32>
    %broadcast_in_dim3A_614 = vector.shape_cast %reduce_max3A_613 : vector<784xf32> to vector<784x1xf32>
    %sub3A_615 = vector.broadcast %broadcast_in_dim3A_614 : vector<784x1xf32> to vector<784x8xf32>
    %sub3A_616 = arith.subf %concatenate3A_611, %sub3A_615 : vector<784x8xf32>
    %exp3A = math.exp %sub3A_616 : vector<784x8xf32>
    %reduce_sum3A_617 = arith.constant dense<0.000000e+00> : vector<784xf32>
    %reduce_sum3A_618 = vector.multi_reduction <add>, %exp3A, %reduce_sum3A_617 [1] : vector<784x8xf32> to vector<784xf32>
    %broadcast_in_dim3A_619 = vector.shape_cast %reduce_sum3A_618 : vector<784xf32> to vector<784x1xf32>
    %div3A_620 = vector.broadcast %broadcast_in_dim3A_619 : vector<784x1xf32> to vector<784x8xf32>
    %div3A_621 = arith.divf %exp3A, %div3A_620 : vector<784x8xf32>
    %slice3A_622 = vector.extract_strided_slice %div3A_621 {offsets = [0, 0], sizes = [784, 1], strides = [1, 1]} : vector<784x8xf32> to vector<784x1xf32>
    %slice3A_623 = vector.extract_strided_slice %get3A_541 {offsets = [0, 0, 0], sizes = [1, 784, 64], strides = [1, 1, 1]} : vector<8x784x64xf32> to vector<1x784x64xf32>
    %squeeze3A_624 = vector.shape_cast %slice3A_623 : vector<1x784x64xf32> to vector<784x64xf32>
    %mul3A_625 = vector.broadcast %slice3A_622 : vector<784x1xf32> to vector<784x64xf32>
    %mul3A_626 = arith.mulf %mul3A_625, %squeeze3A_624 : vector<784x64xf32>
    %slice3A_627 = vector.extract_strided_slice %div3A_621 {offsets = [0, 1], sizes = [784, 1], strides = [1, 1]} : vector<784x8xf32> to vector<784x1xf32>
    %slice3A_628 = vector.extract_strided_slice %get3A_541 {offsets = [1, 0, 0], sizes = [1, 784, 64], strides = [1, 1, 1]} : vector<8x784x64xf32> to vector<1x784x64xf32>
    %squeeze3A_629 = vector.shape_cast %slice3A_628 : vector<1x784x64xf32> to vector<784x64xf32>
    %mul3A_630 = vector.broadcast %slice3A_627 : vector<784x1xf32> to vector<784x64xf32>
    %mul3A_631 = arith.mulf %mul3A_630, %squeeze3A_629 : vector<784x64xf32>
    %add3A_632 = arith.addf %mul3A_626, %mul3A_631 : vector<784x64xf32>
    %slice3A_633 = vector.extract_strided_slice %div3A_621 {offsets = [0, 2], sizes = [784, 1], strides = [1, 1]} : vector<784x8xf32> to vector<784x1xf32>
    %slice3A_634 = vector.extract_strided_slice %get3A_541 {offsets = [2, 0, 0], sizes = [1, 784, 64], strides = [1, 1, 1]} : vector<8x784x64xf32> to vector<1x784x64xf32>
    %squeeze3A_635 = vector.shape_cast %slice3A_634 : vector<1x784x64xf32> to vector<784x64xf32>
    %mul3A_636 = vector.broadcast %slice3A_633 : vector<784x1xf32> to vector<784x64xf32>
    %mul3A_637 = arith.mulf %mul3A_636, %squeeze3A_635 : vector<784x64xf32>
    %add3A_638 = arith.addf %add3A_632, %mul3A_637 : vector<784x64xf32>
    %slice3A_639 = vector.extract_strided_slice %div3A_621 {offsets = [0, 3], sizes = [784, 1], strides = [1, 1]} : vector<784x8xf32> to vector<784x1xf32>
    %slice3A_640 = vector.extract_strided_slice %get3A_541 {offsets = [3, 0, 0], sizes = [1, 784, 64], strides = [1, 1, 1]} : vector<8x784x64xf32> to vector<1x784x64xf32>
    %squeeze3A_641 = vector.shape_cast %slice3A_640 : vector<1x784x64xf32> to vector<784x64xf32>
    %mul3A_642 = vector.broadcast %slice3A_639 : vector<784x1xf32> to vector<784x64xf32>
    %mul3A_643 = arith.mulf %mul3A_642, %squeeze3A_641 : vector<784x64xf32>
    %add3A_644 = arith.addf %add3A_638, %mul3A_643 : vector<784x64xf32>
    %slice3A_645 = vector.extract_strided_slice %div3A_621 {offsets = [0, 4], sizes = [784, 1], strides = [1, 1]} : vector<784x8xf32> to vector<784x1xf32>
    %slice3A_646 = vector.extract_strided_slice %get3A_541 {offsets = [4, 0, 0], sizes = [1, 784, 64], strides = [1, 1, 1]} : vector<8x784x64xf32> to vector<1x784x64xf32>
    %squeeze3A_647 = vector.shape_cast %slice3A_646 : vector<1x784x64xf32> to vector<784x64xf32>
    %mul3A_648 = vector.broadcast %slice3A_645 : vector<784x1xf32> to vector<784x64xf32>
    %mul3A_649 = arith.mulf %mul3A_648, %squeeze3A_647 : vector<784x64xf32>
    %add3A_650 = arith.addf %add3A_644, %mul3A_649 : vector<784x64xf32>
    %slice3A_651 = vector.extract_strided_slice %div3A_621 {offsets = [0, 5], sizes = [784, 1], strides = [1, 1]} : vector<784x8xf32> to vector<784x1xf32>
    %slice3A_652 = vector.extract_strided_slice %get3A_541 {offsets = [5, 0, 0], sizes = [1, 784, 64], strides = [1, 1, 1]} : vector<8x784x64xf32> to vector<1x784x64xf32>
    %squeeze3A_653 = vector.shape_cast %slice3A_652 : vector<1x784x64xf32> to vector<784x64xf32>
    %mul3A_654 = vector.broadcast %slice3A_651 : vector<784x1xf32> to vector<784x64xf32>
    %mul3A_655 = arith.mulf %mul3A_654, %squeeze3A_653 : vector<784x64xf32>
    %add3A_656 = arith.addf %add3A_650, %mul3A_655 : vector<784x64xf32>
    %slice3A_657 = vector.extract_strided_slice %div3A_621 {offsets = [0, 6], sizes = [784, 1], strides = [1, 1]} : vector<784x8xf32> to vector<784x1xf32>
    %slice3A_658 = vector.extract_strided_slice %get3A_541 {offsets = [6, 0, 0], sizes = [1, 784, 64], strides = [1, 1, 1]} : vector<8x784x64xf32> to vector<1x784x64xf32>
    %squeeze3A_659 = vector.shape_cast %slice3A_658 : vector<1x784x64xf32> to vector<784x64xf32>
    %mul3A_660 = vector.broadcast %slice3A_657 : vector<784x1xf32> to vector<784x64xf32>
    %mul3A_661 = arith.mulf %mul3A_660, %squeeze3A_659 : vector<784x64xf32>
    %add3A_662 = arith.addf %add3A_656, %mul3A_661 : vector<784x64xf32>
    %slice3A_663 = vector.extract_strided_slice %div3A_621 {offsets = [0, 7], sizes = [784, 1], strides = [1, 1]} : vector<784x8xf32> to vector<784x1xf32>
    %slice3A_664 = vector.extract_strided_slice %get3A_541 {offsets = [7, 0, 0], sizes = [1, 784, 64], strides = [1, 1, 1]} : vector<8x784x64xf32> to vector<1x784x64xf32>
    %squeeze3A_665 = vector.shape_cast %slice3A_664 : vector<1x784x64xf32> to vector<784x64xf32>
    %mul3A_666 = vector.broadcast %slice3A_663 : vector<784x1xf32> to vector<784x64xf32>
    %mul3A_667 = arith.mulf %mul3A_666, %squeeze3A_665 : vector<784x64xf32>
    %add3A_668 = arith.addf %add3A_662, %mul3A_667 : vector<784x64xf32>
    %get3A_669 = arith.constant 0 : index
    %get3A_670 = arith.constant 0 : index
    %get3A_671 = vector.load %arg4[%get3A_669, %get3A_670] : memref<784x8xf32, #tpu.memory_space<vmem>>, vector<784x8xf32>
    %concatenate3A_672 = tpu.concatenate %add3A_668, %get3A_671 in 1 : vector<784x64xf32>, vector<784x8xf32> -> vector<784x72xf32>
    %get3A_673 = arith.constant 0 : index
    %get3A_674 = arith.constant 0 : index
    %get3A_675 = vector.load %arg5[%get3A_673, %get3A_674] : memref<1x784xi32, #tpu.memory_space<vmem>>, vector<1x784xi32>
    %iota3A_676 = tpu.iota {dimensions = array<i32: 0>} : vector<784x784xi32>
    %iota3A_677 = tpu.iota {dimensions = array<i32: 1>} : vector<784x784xi32>
    %jit3A_678 = arith.constant 49 : i32
    %div3A_679 = vector.broadcast %jit3A_678 : i32 to vector<784x784xi32>
    %div3A_680 = arith.divsi %iota3A_676, %div3A_679 : vector<784x784xi32>
    %sign3A_681 = arith.constant 0 : i32
    %sign3A_682 = vector.broadcast %sign3A_681 : i32 to vector<784x784xi32>
    %sign3A_683 = arith.cmpi sgt, %iota3A_676, %sign3A_682 : vector<784x784xi32>
    %sign3A_684 = arith.extui %sign3A_683 : vector<784x784xi1> to vector<784x784xi32>
    %sign3A_685 = arith.constant 0 : i32
    %sign3A_686 = vector.broadcast %sign3A_685 : i32 to vector<784x784xi32>
    %sign3A_687 = arith.cmpi slt, %iota3A_676, %sign3A_686 : vector<784x784xi32>
    %sign3A_688 = arith.extui %sign3A_687 : vector<784x784xi1> to vector<784x784xi32>
    %sign3A_689 = arith.subi %sign3A_684, %sign3A_688 : vector<784x784xi32>
    %sign3A_690 = arith.constant 0 : i32
    %sign3A_691 = arith.cmpi sgt, %jit3A_678, %sign3A_690 : i32
    %sign3A_692 = arith.extui %sign3A_691 : i1 to i32
    %sign3A_693 = arith.constant 0 : i32
    %sign3A_694 = arith.cmpi slt, %jit3A_678, %sign3A_693 : i32
    %sign3A_695 = arith.extui %sign3A_694 : i1 to i32
    %sign3A_696 = arith.subi %sign3A_692, %sign3A_695 : i32
    %ne3A_697 = vector.broadcast %sign3A_696 : i32 to vector<784x784xi32>
    %ne3A_698 = arith.cmpi ne, %sign3A_689, %ne3A_697 : vector<784x784xi32>
    %rem3A_699 = vector.broadcast %jit3A_678 : i32 to vector<784x784xi32>
    %rem3A_700 = arith.remsi %iota3A_676, %rem3A_699 : vector<784x784xi32>
    %ne3A_701 = arith.constant 0 : i32
    %ne3A_702 = vector.broadcast %ne3A_701 : i32 to vector<784x784xi32>
    %ne3A_703 = arith.cmpi ne, %rem3A_700, %ne3A_702 : vector<784x784xi32>
    %and3A_704 = arith.andi %ne3A_698, %ne3A_703 : vector<784x784xi1>
    %sub3A_705 = arith.constant 1 : i32
    %sub3A_706 = vector.broadcast %sub3A_705 : i32 to vector<784x784xi32>
    %sub3A_707 = arith.subi %div3A_680, %sub3A_706 : vector<784x784xi32>
    %select_n3A_708 = arith.select %and3A_704, %sub3A_707, %div3A_680 : vector<784x784xi1>, vector<784x784xi32>
    %jit3A_709 = arith.constant 49 : i32
    %div3A_710 = vector.broadcast %jit3A_709 : i32 to vector<784x784xi32>
    %div3A_711 = arith.divsi %iota3A_677, %div3A_710 : vector<784x784xi32>
    %sign3A_712 = arith.constant 0 : i32
    %sign3A_713 = vector.broadcast %sign3A_712 : i32 to vector<784x784xi32>
    %sign3A_714 = arith.cmpi sgt, %iota3A_677, %sign3A_713 : vector<784x784xi32>
    %sign3A_715 = arith.extui %sign3A_714 : vector<784x784xi1> to vector<784x784xi32>
    %sign3A_716 = arith.constant 0 : i32
    %sign3A_717 = vector.broadcast %sign3A_716 : i32 to vector<784x784xi32>
    %sign3A_718 = arith.cmpi slt, %iota3A_677, %sign3A_717 : vector<784x784xi32>
    %sign3A_719 = arith.extui %sign3A_718 : vector<784x784xi1> to vector<784x784xi32>
    %sign3A_720 = arith.subi %sign3A_715, %sign3A_719 : vector<784x784xi32>
    %sign3A_721 = arith.constant 0 : i32
    %sign3A_722 = arith.cmpi sgt, %jit3A_709, %sign3A_721 : i32
    %sign3A_723 = arith.extui %sign3A_722 : i1 to i32
    %sign3A_724 = arith.constant 0 : i32
    %sign3A_725 = arith.cmpi slt, %jit3A_709, %sign3A_724 : i32
    %sign3A_726 = arith.extui %sign3A_725 : i1 to i32
    %sign3A_727 = arith.subi %sign3A_723, %sign3A_726 : i32
    %ne3A_728 = vector.broadcast %sign3A_727 : i32 to vector<784x784xi32>
    %ne3A_729 = arith.cmpi ne, %sign3A_720, %ne3A_728 : vector<784x784xi32>
    %rem3A_730 = vector.broadcast %jit3A_709 : i32 to vector<784x784xi32>
    %rem3A_731 = arith.remsi %iota3A_677, %rem3A_730 : vector<784x784xi32>
    %ne3A_732 = arith.constant 0 : i32
    %ne3A_733 = vector.broadcast %ne3A_732 : i32 to vector<784x784xi32>
    %ne3A_734 = arith.cmpi ne, %rem3A_731, %ne3A_733 : vector<784x784xi32>
    %and3A_735 = arith.andi %ne3A_729, %ne3A_734 : vector<784x784xi1>
    %sub3A_736 = arith.constant 1 : i32
    %sub3A_737 = vector.broadcast %sub3A_736 : i32 to vector<784x784xi32>
    %sub3A_738 = arith.subi %div3A_711, %sub3A_737 : vector<784x784xi32>
    %select_n3A_739 = arith.select %and3A_735, %sub3A_738, %div3A_711 : vector<784x784xi1>, vector<784x784xi32>
    %eq3A_740 = arith.cmpi eq, %select_n3A_708, %select_n3A_739 : vector<784x784xi32>
    %jit3A_741 = arith.constant 49 : i32
    %eq3A_742 = arith.constant 0 : i32
    %eq3A_743 = arith.cmpi eq, %jit3A_741, %eq3A_742 : i32
    %jit3A_744 = arith.constant 1 : i32
    %select_n3A_745 = arith.select %eq3A_743, %jit3A_744, %jit3A_741 : i32
    %rem3A_746 = vector.broadcast %select_n3A_745 : i32 to vector<784x784xi32>
    %rem3A_747 = arith.remsi %iota3A_677, %rem3A_746 : vector<784x784xi32>
    %ne3A_748 = arith.constant 0 : i32
    %ne3A_749 = vector.broadcast %ne3A_748 : i32 to vector<784x784xi32>
    %ne3A_750 = arith.cmpi ne, %rem3A_747, %ne3A_749 : vector<784x784xi32>
    %lt3A_751 = arith.constant 0 : i32
    %lt3A_752 = vector.broadcast %lt3A_751 : i32 to vector<784x784xi32>
    %lt3A_753 = arith.cmpi slt, %rem3A_747, %lt3A_752 : vector<784x784xi32>
    %lt3A_754 = arith.constant 0 : i32
    %lt3A_755 = arith.cmpi slt, %select_n3A_745, %lt3A_754 : i32
    %ne3A_756 = vector.broadcast %lt3A_755 : i1 to vector<784x784xi1>
    %ne3A_757 = vector.broadcast %ne3A_756 : vector<784x784xi1> to vector<784x784xi1>
    %ne3A_758 = arith.xori %lt3A_753, %ne3A_757 : vector<784x784xi1>
    %and3A_759 = arith.andi %ne3A_758, %ne3A_750 : vector<784x784xi1>
    %add3A_760 = vector.broadcast %select_n3A_745 : i32 to vector<784x784xi32>
    %add3A_761 = arith.addi %rem3A_747, %add3A_760 : vector<784x784xi32>
    %select_n3A_762 = arith.select %and3A_759, %add3A_761, %rem3A_747 : vector<784x784xi1>, vector<784x784xi32>
    %jit3A_763 = arith.constant 49 : i32
    %eq3A_764 = arith.constant 0 : i32
    %eq3A_765 = arith.cmpi eq, %jit3A_763, %eq3A_764 : i32
    %jit3A_766 = arith.constant 1 : i32
    %select_n3A_767 = arith.select %eq3A_765, %jit3A_766, %jit3A_763 : i32
    %rem3A_768 = vector.broadcast %select_n3A_767 : i32 to vector<784x784xi32>
    %rem3A_769 = arith.remsi %iota3A_676, %rem3A_768 : vector<784x784xi32>
    %ne3A_770 = arith.constant 0 : i32
    %ne3A_771 = vector.broadcast %ne3A_770 : i32 to vector<784x784xi32>
    %ne3A_772 = arith.cmpi ne, %rem3A_769, %ne3A_771 : vector<784x784xi32>
    %lt3A_773 = arith.constant 0 : i32
    %lt3A_774 = vector.broadcast %lt3A_773 : i32 to vector<784x784xi32>
    %lt3A_775 = arith.cmpi slt, %rem3A_769, %lt3A_774 : vector<784x784xi32>
    %lt3A_776 = arith.constant 0 : i32
    %lt3A_777 = arith.cmpi slt, %select_n3A_767, %lt3A_776 : i32
    %ne3A_778 = vector.broadcast %lt3A_777 : i1 to vector<784x784xi1>
    %ne3A_779 = vector.broadcast %ne3A_778 : vector<784x784xi1> to vector<784x784xi1>
    %ne3A_780 = arith.xori %lt3A_775, %ne3A_779 : vector<784x784xi1>
    %and3A_781 = arith.andi %ne3A_780, %ne3A_772 : vector<784x784xi1>
    %add3A_782 = vector.broadcast %select_n3A_767 : i32 to vector<784x784xi32>
    %add3A_783 = arith.addi %rem3A_769, %add3A_782 : vector<784x784xi32>
    %select_n3A_784 = arith.select %and3A_781, %add3A_783, %rem3A_769 : vector<784x784xi1>, vector<784x784xi32>
    %gt3A_785 = arith.cmpi sgt, %select_n3A_762, %select_n3A_784 : vector<784x784xi32>
    %eq3A_786 = arith.constant 0 : i32
    %eq3A_787 = vector.broadcast %eq3A_786 : i32 to vector<1x784xi32>
    %eq3A_788 = arith.cmpi eq, %get3A_675, %eq3A_787 : vector<1x784xi32>
    %or3A = vector.broadcast %eq3A_788 : vector<1x784xi1> to vector<784x784xi1>
    %or3A_789 = arith.ori %gt3A_785, %or3A : vector<784x784xi1>
    %broadcast_in_dim3A_790 = arith.constant 0.000000e+00 : f32
    %broadcast_in_dim3A_791 = vector.broadcast %broadcast_in_dim3A_790 : f32 to vector<784x72xf32>
    %get3A_792 = arith.constant 0 : index
    %get3A_793 = arith.constant 0 : index
    %get3A_794 = arith.constant 0 : index
    %get3A_795 = vector.load %arg6[%get3A_792, %get3A_793, %get3A_794] : memref<8x72x64xf32, #tpu.memory_space<vmem>>, vector<1x72x64xf32>
    %get3A_796 = vector.shape_cast %get3A_795 : vector<1x72x64xf32> to vector<72x64xf32>
    %dot_general3A_797 = arith.constant dense<0.000000e+00> : vector<784x64xf32>
    %dot_general3A_798 = tpu.matmul %concatenate3A_672, %get3A_796, %dot_general3A_797 {dimension_numbers = #tpu.dot_dimension_numbers<[1], [0], [0], [1], [0, 0, 1, 1], [], []>, transpose_lhs_hint = false} : vector<784x72xf32>, vector<72x64xf32>, vector<784x64xf32> -> vector<784x64xf32>
    %get3A_799 = arith.constant 0 : index
    %get3A_800 = arith.constant 0 : index
    %get3A_801 = arith.constant 0 : index
    %get3A_802 = vector.load %arg7[%get3A_799, %get3A_800, %get3A_801] : memref<8x72x64xf32, #tpu.memory_space<vmem>>, vector<1x72x64xf32>
    %get3A_803 = vector.shape_cast %get3A_802 : vector<1x72x64xf32> to vector<72x64xf32>
    %dot_general3A_804 = arith.constant dense<0.000000e+00> : vector<784x64xf32>
    %dot_general3A_805 = tpu.matmul %concatenate3A_672, %get3A_803, %dot_general3A_804 {dimension_numbers = #tpu.dot_dimension_numbers<[1], [0], [0], [1], [0, 0, 1, 1], [], []>, transpose_lhs_hint = false} : vector<784x72xf32>, vector<72x64xf32>, vector<784x64xf32> -> vector<784x64xf32>
    %get3A_806 = arith.constant 0 : index
    %get3A_807 = arith.constant 0 : index
    %get3A_808 = arith.constant 0 : index
    %get3A_809 = vector.load %arg8[%get3A_806, %get3A_807, %get3A_808] : memref<8x72x64xf32, #tpu.memory_space<vmem>>, vector<1x72x64xf32>
    %get3A_810 = vector.shape_cast %get3A_809 : vector<1x72x64xf32> to vector<72x64xf32>
    %dot_general3A_811 = arith.constant dense<0.000000e+00> : vector<784x64xf32>
    %dot_general3A_812 = tpu.matmul %concatenate3A_672, %get3A_810, %dot_general3A_811 {dimension_numbers = #tpu.dot_dimension_numbers<[1], [0], [0], [1], [0, 0, 1, 1], [], []>, transpose_lhs_hint = false} : vector<784x72xf32>, vector<72x64xf32>, vector<784x64xf32> -> vector<784x64xf32>
    %dot_general3A_813 = arith.constant dense<0.000000e+00> : vector<784x784xf32>
    %dot_general3A_814 = tpu.matmul %dot_general3A_798, %dot_general3A_805, %dot_general3A_813 {dimension_numbers = #tpu.dot_dimension_numbers<[1], [1], [0], [0], [0, 0, 1, 0], [], []>, transpose_lhs_hint = false} : vector<784x64xf32>, vector<784x64xf32>, vector<784x784xf32> -> vector<784x784xf32>
    %mul3A_815 = arith.constant 0.124999985 : f32
    %mul3A_816 = vector.broadcast %mul3A_815 : f32 to vector<784x784xf32>
    %mul3A_817 = arith.mulf %dot_general3A_814, %mul3A_816 : vector<784x784xf32>
    %jit3A_818 = arith.constant -4.2949673E+9 : f32
    %broadcast_in_dim3A_819 = vector.broadcast %jit3A_818 : f32 to vector<784x784xf32>
    %select_n3A_820 = arith.select %or3A_789, %broadcast_in_dim3A_819, %mul3A_817 : vector<784x784xi1>, vector<784x784xf32>
    %jit3A_821 = arith.constant 0xFF800000 : f32
    %broadcast_in_dim3A_822 = vector.broadcast %jit3A_821 : f32 to vector<784x784xf32>
    %select_n3A_823 = arith.select %eq3A_740, %select_n3A_820, %broadcast_in_dim3A_822 : vector<784x784xi1>, vector<784x784xf32>
    %reduce_max3A_824 = arith.constant dense<0xFF800000> : vector<784xf32>
    %reduce_max3A_825 = vector.multi_reduction <maximumf>, %select_n3A_823, %reduce_max3A_824 [1] : vector<784x784xf32> to vector<784xf32>
    %broadcast_in_dim3A_826 = vector.shape_cast %reduce_max3A_825 : vector<784xf32> to vector<784x1xf32>
    %sub3A_827 = vector.broadcast %broadcast_in_dim3A_826 : vector<784x1xf32> to vector<784x784xf32>
    %sub3A_828 = arith.subf %select_n3A_823, %sub3A_827 : vector<784x784xf32>
    %exp3A_829 = math.exp %sub3A_828 : vector<784x784xf32>
    %reduce_sum3A_830 = arith.constant dense<0.000000e+00> : vector<784xf32>
    %reduce_sum3A_831 = vector.multi_reduction <add>, %exp3A_829, %reduce_sum3A_830 [1] : vector<784x784xf32> to vector<784xf32>
    %broadcast_in_dim3A_832 = vector.shape_cast %reduce_sum3A_831 : vector<784xf32> to vector<784x1xf32>
    %div3A_833 = vector.broadcast %broadcast_in_dim3A_832 : vector<784x1xf32> to vector<784x784xf32>
    %div3A_834 = arith.divf %exp3A_829, %div3A_833 : vector<784x784xf32>
    %dot_general3A_835 = arith.constant dense<0.000000e+00> : vector<784x64xf32>
    %dot_general3A_836 = tpu.matmul %div3A_834, %dot_general3A_812, %dot_general3A_835 {dimension_numbers = #tpu.dot_dimension_numbers<[1], [0], [0], [1], [0, 0, 1, 1], [], []>, transpose_lhs_hint = false} : vector<784x784xf32>, vector<784x64xf32>, vector<784x64xf32> -> vector<784x64xf32>
    %get3A_837 = arith.constant 0 : index
    %get3A_838 = arith.constant 0 : index
    %get3A_839 = arith.constant 0 : index
    %get3A_840 = vector.load %arg9[%get3A_837, %get3A_838, %get3A_839] : memref<8x64x72xf32, #tpu.memory_space<vmem>>, vector<1x64x72xf32>
    %get3A_841 = vector.shape_cast %get3A_840 : vector<1x64x72xf32> to vector<64x72xf32>
    %dot_general3A_842 = arith.constant dense<0.000000e+00> : vector<784x72xf32>
    %dot_general3A_843 = tpu.matmul %dot_general3A_836, %get3A_841, %dot_general3A_842 {dimension_numbers = #tpu.dot_dimension_numbers<[1], [0], [0], [1], [0, 0, 1, 1], [], []>, transpose_lhs_hint = false} : vector<784x64xf32>, vector<64x72xf32>, vector<784x72xf32> -> vector<784x72xf32>
    %add3A_844 = arith.addf %broadcast_in_dim3A_791, %dot_general3A_843 : vector<784x72xf32>
    %get3A_845 = arith.constant 1 : index
    %get3A_846 = arith.constant 0 : index
    %get3A_847 = arith.constant 0 : index
    %get3A_848 = vector.load %arg6[%get3A_845, %get3A_846, %get3A_847] : memref<8x72x64xf32, #tpu.memory_space<vmem>>, vector<1x72x64xf32>
    %get3A_849 = vector.shape_cast %get3A_848 : vector<1x72x64xf32> to vector<72x64xf32>
    %dot_general3A_850 = arith.constant dense<0.000000e+00> : vector<784x64xf32>
    %dot_general3A_851 = tpu.matmul %concatenate3A_672, %get3A_849, %dot_general3A_850 {dimension_numbers = #tpu.dot_dimension_numbers<[1], [0], [0], [1], [0, 0, 1, 1], [], []>, transpose_lhs_hint = false} : vector<784x72xf32>, vector<72x64xf32>, vector<784x64xf32> -> vector<784x64xf32>
    %get3A_852 = arith.constant 1 : index
    %get3A_853 = arith.constant 0 : index
    %get3A_854 = arith.constant 0 : index
    %get3A_855 = vector.load %arg7[%get3A_852, %get3A_853, %get3A_854] : memref<8x72x64xf32, #tpu.memory_space<vmem>>, vector<1x72x64xf32>
    %get3A_856 = vector.shape_cast %get3A_855 : vector<1x72x64xf32> to vector<72x64xf32>
    %dot_general3A_857 = arith.constant dense<0.000000e+00> : vector<784x64xf32>
    %dot_general3A_858 = tpu.matmul %concatenate3A_672, %get3A_856, %dot_general3A_857 {dimension_numbers = #tpu.dot_dimension_numbers<[1], [0], [0], [1], [0, 0, 1, 1], [], []>, transpose_lhs_hint = false} : vector<784x72xf32>, vector<72x64xf32>, vector<784x64xf32> -> vector<784x64xf32>
    %get3A_859 = arith.constant 1 : index
    %get3A_860 = arith.constant 0 : index
    %get3A_861 = arith.constant 0 : index
    %get3A_862 = vector.load %arg8[%get3A_859, %get3A_860, %get3A_861] : memref<8x72x64xf32, #tpu.memory_space<vmem>>, vector<1x72x64xf32>
    %get3A_863 = vector.shape_cast %get3A_862 : vector<1x72x64xf32> to vector<72x64xf32>
    %dot_general3A_864 = arith.constant dense<0.000000e+00> : vector<784x64xf32>
    %dot_general3A_865 = tpu.matmul %concatenate3A_672, %get3A_863, %dot_general3A_864 {dimension_numbers = #tpu.dot_dimension_numbers<[1], [0], [0], [1], [0, 0, 1, 1], [], []>, transpose_lhs_hint = false} : vector<784x72xf32>, vector<72x64xf32>, vector<784x64xf32> -> vector<784x64xf32>
    %dot_general3A_866 = arith.constant dense<0.000000e+00> : vector<784x784xf32>
    %dot_general3A_867 = tpu.matmul %dot_general3A_851, %dot_general3A_858, %dot_general3A_866 {dimension_numbers = #tpu.dot_dimension_numbers<[1], [1], [0], [0], [0, 0, 1, 0], [], []>, transpose_lhs_hint = false} : vector<784x64xf32>, vector<784x64xf32>, vector<784x784xf32> -> vector<784x784xf32>
    %mul3A_868 = arith.constant 0.124999985 : f32
    %mul3A_869 = vector.broadcast %mul3A_868 : f32 to vector<784x784xf32>
    %mul3A_870 = arith.mulf %dot_general3A_867, %mul3A_869 : vector<784x784xf32>
    %jit3A_871 = arith.constant -4.2949673E+9 : f32
    %broadcast_in_dim3A_872 = vector.broadcast %jit3A_871 : f32 to vector<784x784xf32>
    %select_n3A_873 = arith.select %or3A_789, %broadcast_in_dim3A_872, %mul3A_870 : vector<784x784xi1>, vector<784x784xf32>
    %jit3A_874 = arith.constant 0xFF800000 : f32
    %broadcast_in_dim3A_875 = vector.broadcast %jit3A_874 : f32 to vector<784x784xf32>
    %select_n3A_876 = arith.select %eq3A_740, %select_n3A_873, %broadcast_in_dim3A_875 : vector<784x784xi1>, vector<784x784xf32>
    %reduce_max3A_877 = arith.constant dense<0xFF800000> : vector<784xf32>
    %reduce_max3A_878 = vector.multi_reduction <maximumf>, %select_n3A_876, %reduce_max3A_877 [1] : vector<784x784xf32> to vector<784xf32>
    %broadcast_in_dim3A_879 = vector.shape_cast %reduce_max3A_878 : vector<784xf32> to vector<784x1xf32>
    %sub3A_880 = vector.broadcast %broadcast_in_dim3A_879 : vector<784x1xf32> to vector<784x784xf32>
    %sub3A_881 = arith.subf %select_n3A_876, %sub3A_880 : vector<784x784xf32>
    %exp3A_882 = math.exp %sub3A_881 : vector<784x784xf32>
    %reduce_sum3A_883 = arith.constant dense<0.000000e+00> : vector<784xf32>
    %reduce_sum3A_884 = vector.multi_reduction <add>, %exp3A_882, %reduce_sum3A_883 [1] : vector<784x784xf32> to vector<784xf32>
    %broadcast_in_dim3A_885 = vector.shape_cast %reduce_sum3A_884 : vector<784xf32> to vector<784x1xf32>
    %div3A_886 = vector.broadcast %broadcast_in_dim3A_885 : vector<784x1xf32> to vector<784x784xf32>
    %div3A_887 = arith.divf %exp3A_882, %div3A_886 : vector<784x784xf32>
    %dot_general3A_888 = arith.constant dense<0.000000e+00> : vector<784x64xf32>
    %dot_general3A_889 = tpu.matmul %div3A_887, %dot_general3A_865, %dot_general3A_888 {dimension_numbers = #tpu.dot_dimension_numbers<[1], [0], [0], [1], [0, 0, 1, 1], [], []>, transpose_lhs_hint = false} : vector<784x784xf32>, vector<784x64xf32>, vector<784x64xf32> -> vector<784x64xf32>
    %get3A_890 = arith.constant 1 : index
    %get3A_891 = arith.constant 0 : index
    %get3A_892 = arith.constant 0 : index
    %get3A_893 = vector.load %arg9[%get3A_890, %get3A_891, %get3A_892] : memref<8x64x72xf32, #tpu.memory_space<vmem>>, vector<1x64x72xf32>
    %get3A_894 = vector.shape_cast %get3A_893 : vector<1x64x72xf32> to vector<64x72xf32>
    %dot_general3A_895 = arith.constant dense<0.000000e+00> : vector<784x72xf32>
    %dot_general3A_896 = tpu.matmul %dot_general3A_889, %get3A_894, %dot_general3A_895 {dimension_numbers = #tpu.dot_dimension_numbers<[1], [0], [0], [1], [0, 0, 1, 1], [], []>, transpose_lhs_hint = false} : vector<784x64xf32>, vector<64x72xf32>, vector<784x72xf32> -> vector<784x72xf32>
    %add3A_897 = arith.addf %add3A_844, %dot_general3A_896 : vector<784x72xf32>
    %get3A_898 = arith.constant 2 : index
    %get3A_899 = arith.constant 0 : index
    %get3A_900 = arith.constant 0 : index
    %get3A_901 = vector.load %arg6[%get3A_898, %get3A_899, %get3A_900] : memref<8x72x64xf32, #tpu.memory_space<vmem>>, vector<1x72x64xf32>
    %get3A_902 = vector.shape_cast %get3A_901 : vector<1x72x64xf32> to vector<72x64xf32>
    %dot_general3A_903 = arith.constant dense<0.000000e+00> : vector<784x64xf32>
    %dot_general3A_904 = tpu.matmul %concatenate3A_672, %get3A_902, %dot_general3A_903 {dimension_numbers = #tpu.dot_dimension_numbers<[1], [0], [0], [1], [0, 0, 1, 1], [], []>, transpose_lhs_hint = false} : vector<784x72xf32>, vector<72x64xf32>, vector<784x64xf32> -> vector<784x64xf32>
    %get3A_905 = arith.constant 2 : index
    %get3A_906 = arith.constant 0 : index
    %get3A_907 = arith.constant 0 : index
    %get3A_908 = vector.load %arg7[%get3A_905, %get3A_906, %get3A_907] : memref<8x72x64xf32, #tpu.memory_space<vmem>>, vector<1x72x64xf32>
    %get3A_909 = vector.shape_cast %get3A_908 : vector<1x72x64xf32> to vector<72x64xf32>
    %dot_general3A_910 = arith.constant dense<0.000000e+00> : vector<784x64xf32>
    %dot_general3A_911 = tpu.matmul %concatenate3A_672, %get3A_909, %dot_general3A_910 {dimension_numbers = #tpu.dot_dimension_numbers<[1], [0], [0], [1], [0, 0, 1, 1], [], []>, transpose_lhs_hint = false} : vector<784x72xf32>, vector<72x64xf32>, vector<784x64xf32> -> vector<784x64xf32>
    %get3A_912 = arith.constant 2 : index
    %get3A_913 = arith.constant 0 : index
    %get3A_914 = arith.constant 0 : index
    %get3A_915 = vector.load %arg8[%get3A_912, %get3A_913, %get3A_914] : memref<8x72x64xf32, #tpu.memory_space<vmem>>, vector<1x72x64xf32>
    %get3A_916 = vector.shape_cast %get3A_915 : vector<1x72x64xf32> to vector<72x64xf32>
    %dot_general3A_917 = arith.constant dense<0.000000e+00> : vector<784x64xf32>
    %dot_general3A_918 = tpu.matmul %concatenate3A_672, %get3A_916, %dot_general3A_917 {dimension_numbers = #tpu.dot_dimension_numbers<[1], [0], [0], [1], [0, 0, 1, 1], [], []>, transpose_lhs_hint = false} : vector<784x72xf32>, vector<72x64xf32>, vector<784x64xf32> -> vector<784x64xf32>
    %dot_general3A_919 = arith.constant dense<0.000000e+00> : vector<784x784xf32>
    %dot_general3A_920 = tpu.matmul %dot_general3A_904, %dot_general3A_911, %dot_general3A_919 {dimension_numbers = #tpu.dot_dimension_numbers<[1], [1], [0], [0], [0, 0, 1, 0], [], []>, transpose_lhs_hint = false} : vector<784x64xf32>, vector<784x64xf32>, vector<784x784xf32> -> vector<784x784xf32>
    %mul3A_921 = arith.constant 0.124999985 : f32
    %mul3A_922 = vector.broadcast %mul3A_921 : f32 to vector<784x784xf32>
    %mul3A_923 = arith.mulf %dot_general3A_920, %mul3A_922 : vector<784x784xf32>
    %jit3A_924 = arith.constant -4.2949673E+9 : f32
    %broadcast_in_dim3A_925 = vector.broadcast %jit3A_924 : f32 to vector<784x784xf32>
    %select_n3A_926 = arith.select %or3A_789, %broadcast_in_dim3A_925, %mul3A_923 : vector<784x784xi1>, vector<784x784xf32>
    %jit3A_927 = arith.constant 0xFF800000 : f32
    %broadcast_in_dim3A_928 = vector.broadcast %jit3A_927 : f32 to vector<784x784xf32>
    %select_n3A_929 = arith.select %eq3A_740, %select_n3A_926, %broadcast_in_dim3A_928 : vector<784x784xi1>, vector<784x784xf32>
    %reduce_max3A_930 = arith.constant dense<0xFF800000> : vector<784xf32>
    %reduce_max3A_931 = vector.multi_reduction <maximumf>, %select_n3A_929, %reduce_max3A_930 [1] : vector<784x784xf32> to vector<784xf32>
    %broadcast_in_dim3A_932 = vector.shape_cast %reduce_max3A_931 : vector<784xf32> to vector<784x1xf32>
    %sub3A_933 = vector.broadcast %broadcast_in_dim3A_932 : vector<784x1xf32> to vector<784x784xf32>
    %sub3A_934 = arith.subf %select_n3A_929, %sub3A_933 : vector<784x784xf32>
    %exp3A_935 = math.exp %sub3A_934 : vector<784x784xf32>
    %reduce_sum3A_936 = arith.constant dense<0.000000e+00> : vector<784xf32>
    %reduce_sum3A_937 = vector.multi_reduction <add>, %exp3A_935, %reduce_sum3A_936 [1] : vector<784x784xf32> to vector<784xf32>
    %broadcast_in_dim3A_938 = vector.shape_cast %reduce_sum3A_937 : vector<784xf32> to vector<784x1xf32>
    %div3A_939 = vector.broadcast %broadcast_in_dim3A_938 : vector<784x1xf32> to vector<784x784xf32>
    %div3A_940 = arith.divf %exp3A_935, %div3A_939 : vector<784x784xf32>
    %dot_general3A_941 = arith.constant dense<0.000000e+00> : vector<784x64xf32>
    %dot_general3A_942 = tpu.matmul %div3A_940, %dot_general3A_918, %dot_general3A_941 {dimension_numbers = #tpu.dot_dimension_numbers<[1], [0], [0], [1], [0, 0, 1, 1], [], []>, transpose_lhs_hint = false} : vector<784x784xf32>, vector<784x64xf32>, vector<784x64xf32> -> vector<784x64xf32>
    %get3A_943 = arith.constant 2 : index
    %get3A_944 = arith.constant 0 : index
    %get3A_945 = arith.constant 0 : index
    %get3A_946 = vector.load %arg9[%get3A_943, %get3A_944, %get3A_945] : memref<8x64x72xf32, #tpu.memory_space<vmem>>, vector<1x64x72xf32>
    %get3A_947 = vector.shape_cast %get3A_946 : vector<1x64x72xf32> to vector<64x72xf32>
    %dot_general3A_948 = arith.constant dense<0.000000e+00> : vector<784x72xf32>
    %dot_general3A_949 = tpu.matmul %dot_general3A_942, %get3A_947, %dot_general3A_948 {dimension_numbers = #tpu.dot_dimension_numbers<[1], [0], [0], [1], [0, 0, 1, 1], [], []>, transpose_lhs_hint = false} : vector<784x64xf32>, vector<64x72xf32>, vector<784x72xf32> -> vector<784x72xf32>
    %add3A_950 = arith.addf %add3A_897, %dot_general3A_949 : vector<784x72xf32>
    %get3A_951 = arith.constant 3 : index
    %get3A_952 = arith.constant 0 : index
    %get3A_953 = arith.constant 0 : index
    %get3A_954 = vector.load %arg6[%get3A_951, %get3A_952, %get3A_953] : memref<8x72x64xf32, #tpu.memory_space<vmem>>, vector<1x72x64xf32>
    %get3A_955 = vector.shape_cast %get3A_954 : vector<1x72x64xf32> to vector<72x64xf32>
    %dot_general3A_956 = arith.constant dense<0.000000e+00> : vector<784x64xf32>
    %dot_general3A_957 = tpu.matmul %concatenate3A_672, %get3A_955, %dot_general3A_956 {dimension_numbers = #tpu.dot_dimension_numbers<[1], [0], [0], [1], [0, 0, 1, 1], [], []>, transpose_lhs_hint = false} : vector<784x72xf32>, vector<72x64xf32>, vector<784x64xf32> -> vector<784x64xf32>
    %get3A_958 = arith.constant 3 : index
    %get3A_959 = arith.constant 0 : index
    %get3A_960 = arith.constant 0 : index
    %get3A_961 = vector.load %arg7[%get3A_958, %get3A_959, %get3A_960] : memref<8x72x64xf32, #tpu.memory_space<vmem>>, vector<1x72x64xf32>
    %get3A_962 = vector.shape_cast %get3A_961 : vector<1x72x64xf32> to vector<72x64xf32>
    %dot_general3A_963 = arith.constant dense<0.000000e+00> : vector<784x64xf32>
    %dot_general3A_964 = tpu.matmul %concatenate3A_672, %get3A_962, %dot_general3A_963 {dimension_numbers = #tpu.dot_dimension_numbers<[1], [0], [0], [1], [0, 0, 1, 1], [], []>, transpose_lhs_hint = false} : vector<784x72xf32>, vector<72x64xf32>, vector<784x64xf32> -> vector<784x64xf32>
    %get3A_965 = arith.constant 3 : index
    %get3A_966 = arith.constant 0 : index
    %get3A_967 = arith.constant 0 : index
    %get3A_968 = vector.load %arg8[%get3A_965, %get3A_966, %get3A_967] : memref<8x72x64xf32, #tpu.memory_space<vmem>>, vector<1x72x64xf32>
    %get3A_969 = vector.shape_cast %get3A_968 : vector<1x72x64xf32> to vector<72x64xf32>
    %dot_general3A_970 = arith.constant dense<0.000000e+00> : vector<784x64xf32>
    %dot_general3A_971 = tpu.matmul %concatenate3A_672, %get3A_969, %dot_general3A_970 {dimension_numbers = #tpu.dot_dimension_numbers<[1], [0], [0], [1], [0, 0, 1, 1], [], []>, transpose_lhs_hint = false} : vector<784x72xf32>, vector<72x64xf32>, vector<784x64xf32> -> vector<784x64xf32>
    %dot_general3A_972 = arith.constant dense<0.000000e+00> : vector<784x784xf32>
    %dot_general3A_973 = tpu.matmul %dot_general3A_957, %dot_general3A_964, %dot_general3A_972 {dimension_numbers = #tpu.dot_dimension_numbers<[1], [1], [0], [0], [0, 0, 1, 0], [], []>, transpose_lhs_hint = false} : vector<784x64xf32>, vector<784x64xf32>, vector<784x784xf32> -> vector<784x784xf32>
    %mul3A_974 = arith.constant 0.124999985 : f32
    %mul3A_975 = vector.broadcast %mul3A_974 : f32 to vector<784x784xf32>
    %mul3A_976 = arith.mulf %dot_general3A_973, %mul3A_975 : vector<784x784xf32>
    %jit3A_977 = arith.constant -4.2949673E+9 : f32
    %broadcast_in_dim3A_978 = vector.broadcast %jit3A_977 : f32 to vector<784x784xf32>
    %select_n3A_979 = arith.select %or3A_789, %broadcast_in_dim3A_978, %mul3A_976 : vector<784x784xi1>, vector<784x784xf32>
    %jit3A_980 = arith.constant 0xFF800000 : f32
    %broadcast_in_dim3A_981 = vector.broadcast %jit3A_980 : f32 to vector<784x784xf32>
    %select_n3A_982 = arith.select %eq3A_740, %select_n3A_979, %broadcast_in_dim3A_981 : vector<784x784xi1>, vector<784x784xf32>
    %reduce_max3A_983 = arith.constant dense<0xFF800000> : vector<784xf32>
    %reduce_max3A_984 = vector.multi_reduction <maximumf>, %select_n3A_982, %reduce_max3A_983 [1] : vector<784x784xf32> to vector<784xf32>
    %broadcast_in_dim3A_985 = vector.shape_cast %reduce_max3A_984 : vector<784xf32> to vector<784x1xf32>
    %sub3A_986 = vector.broadcast %broadcast_in_dim3A_985 : vector<784x1xf32> to vector<784x784xf32>
    %sub3A_987 = arith.subf %select_n3A_982, %sub3A_986 : vector<784x784xf32>
    %exp3A_988 = math.exp %sub3A_987 : vector<784x784xf32>
    %reduce_sum3A_989 = arith.constant dense<0.000000e+00> : vector<784xf32>
    %reduce_sum3A_990 = vector.multi_reduction <add>, %exp3A_988, %reduce_sum3A_989 [1] : vector<784x784xf32> to vector<784xf32>
    %broadcast_in_dim3A_991 = vector.shape_cast %reduce_sum3A_990 : vector<784xf32> to vector<784x1xf32>
    %div3A_992 = vector.broadcast %broadcast_in_dim3A_991 : vector<784x1xf32> to vector<784x784xf32>
    %div3A_993 = arith.divf %exp3A_988, %div3A_992 : vector<784x784xf32>
    %dot_general3A_994 = arith.constant dense<0.000000e+00> : vector<784x64xf32>
    %dot_general3A_995 = tpu.matmul %div3A_993, %dot_general3A_971, %dot_general3A_994 {dimension_numbers = #tpu.dot_dimension_numbers<[1], [0], [0], [1], [0, 0, 1, 1], [], []>, transpose_lhs_hint = false} : vector<784x784xf32>, vector<784x64xf32>, vector<784x64xf32> -> vector<784x64xf32>
    %get3A_996 = arith.constant 3 : index
    %get3A_997 = arith.constant 0 : index
    %get3A_998 = arith.constant 0 : index
    %get3A_999 = vector.load %arg9[%get3A_996, %get3A_997, %get3A_998] : memref<8x64x72xf32, #tpu.memory_space<vmem>>, vector<1x64x72xf32>
    %get3A_1000 = vector.shape_cast %get3A_999 : vector<1x64x72xf32> to vector<64x72xf32>
    %dot_general3A_1001 = arith.constant dense<0.000000e+00> : vector<784x72xf32>
    %dot_general3A_1002 = tpu.matmul %dot_general3A_995, %get3A_1000, %dot_general3A_1001 {dimension_numbers = #tpu.dot_dimension_numbers<[1], [0], [0], [1], [0, 0, 1, 1], [], []>, transpose_lhs_hint = false} : vector<784x64xf32>, vector<64x72xf32>, vector<784x72xf32> -> vector<784x72xf32>
    %add3A_1003 = arith.addf %add3A_950, %dot_general3A_1002 : vector<784x72xf32>
    %get3A_1004 = arith.constant 4 : index
    %get3A_1005 = arith.constant 0 : index
    %get3A_1006 = arith.constant 0 : index
    %get3A_1007 = vector.load %arg6[%get3A_1004, %get3A_1005, %get3A_1006] : memref<8x72x64xf32, #tpu.memory_space<vmem>>, vector<1x72x64xf32>
    %get3A_1008 = vector.shape_cast %get3A_1007 : vector<1x72x64xf32> to vector<72x64xf32>
    %dot_general3A_1009 = arith.constant dense<0.000000e+00> : vector<784x64xf32>
    %dot_general3A_1010 = tpu.matmul %concatenate3A_672, %get3A_1008, %dot_general3A_1009 {dimension_numbers = #tpu.dot_dimension_numbers<[1], [0], [0], [1], [0, 0, 1, 1], [], []>, transpose_lhs_hint = false} : vector<784x72xf32>, vector<72x64xf32>, vector<784x64xf32> -> vector<784x64xf32>
    %get3A_1011 = arith.constant 4 : index
    %get3A_1012 = arith.constant 0 : index
    %get3A_1013 = arith.constant 0 : index
    %get3A_1014 = vector.load %arg7[%get3A_1011, %get3A_1012, %get3A_1013] : memref<8x72x64xf32, #tpu.memory_space<vmem>>, vector<1x72x64xf32>
    %get3A_1015 = vector.shape_cast %get3A_1014 : vector<1x72x64xf32> to vector<72x64xf32>
    %dot_general3A_1016 = arith.constant dense<0.000000e+00> : vector<784x64xf32>
    %dot_general3A_1017 = tpu.matmul %concatenate3A_672, %get3A_1015, %dot_general3A_1016 {dimension_numbers = #tpu.dot_dimension_numbers<[1], [0], [0], [1], [0, 0, 1, 1], [], []>, transpose_lhs_hint = false} : vector<784x72xf32>, vector<72x64xf32>, vector<784x64xf32> -> vector<784x64xf32>
    %get3A_1018 = arith.constant 4 : index
    %get3A_1019 = arith.constant 0 : index
    %get3A_1020 = arith.constant 0 : index
    %get3A_1021 = vector.load %arg8[%get3A_1018, %get3A_1019, %get3A_1020] : memref<8x72x64xf32, #tpu.memory_space<vmem>>, vector<1x72x64xf32>
    %get3A_1022 = vector.shape_cast %get3A_1021 : vector<1x72x64xf32> to vector<72x64xf32>
    %dot_general3A_1023 = arith.constant dense<0.000000e+00> : vector<784x64xf32>
    %dot_general3A_1024 = tpu.matmul %concatenate3A_672, %get3A_1022, %dot_general3A_1023 {dimension_numbers = #tpu.dot_dimension_numbers<[1], [0], [0], [1], [0, 0, 1, 1], [], []>, transpose_lhs_hint = false} : vector<784x72xf32>, vector<72x64xf32>, vector<784x64xf32> -> vector<784x64xf32>
    %dot_general3A_1025 = arith.constant dense<0.000000e+00> : vector<784x784xf32>
    %dot_general3A_1026 = tpu.matmul %dot_general3A_1010, %dot_general3A_1017, %dot_general3A_1025 {dimension_numbers = #tpu.dot_dimension_numbers<[1], [1], [0], [0], [0, 0, 1, 0], [], []>, transpose_lhs_hint = false} : vector<784x64xf32>, vector<784x64xf32>, vector<784x784xf32> -> vector<784x784xf32>
    %mul3A_1027 = arith.constant 0.124999985 : f32
    %mul3A_1028 = vector.broadcast %mul3A_1027 : f32 to vector<784x784xf32>
    %mul3A_1029 = arith.mulf %dot_general3A_1026, %mul3A_1028 : vector<784x784xf32>
    %jit3A_1030 = arith.constant -4.2949673E+9 : f32
    %broadcast_in_dim3A_1031 = vector.broadcast %jit3A_1030 : f32 to vector<784x784xf32>
    %select_n3A_1032 = arith.select %or3A_789, %broadcast_in_dim3A_1031, %mul3A_1029 : vector<784x784xi1>, vector<784x784xf32>
    %jit3A_1033 = arith.constant 0xFF800000 : f32
    %broadcast_in_dim3A_1034 = vector.broadcast %jit3A_1033 : f32 to vector<784x784xf32>
    %select_n3A_1035 = arith.select %eq3A_740, %select_n3A_1032, %broadcast_in_dim3A_1034 : vector<784x784xi1>, vector<784x784xf32>
    %reduce_max3A_1036 = arith.constant dense<0xFF800000> : vector<784xf32>
    %reduce_max3A_1037 = vector.multi_reduction <maximumf>, %select_n3A_1035, %reduce_max3A_1036 [1] : vector<784x784xf32> to vector<784xf32>
    %broadcast_in_dim3A_1038 = vector.shape_cast %reduce_max3A_1037 : vector<784xf32> to vector<784x1xf32>
    %sub3A_1039 = vector.broadcast %broadcast_in_dim3A_1038 : vector<784x1xf32> to vector<784x784xf32>
    %sub3A_1040 = arith.subf %select_n3A_1035, %sub3A_1039 : vector<784x784xf32>
    %exp3A_1041 = math.exp %sub3A_1040 : vector<784x784xf32>
    %reduce_sum3A_1042 = arith.constant dense<0.000000e+00> : vector<784xf32>
    %reduce_sum3A_1043 = vector.multi_reduction <add>, %exp3A_1041, %reduce_sum3A_1042 [1] : vector<784x784xf32> to vector<784xf32>
    %broadcast_in_dim3A_1044 = vector.shape_cast %reduce_sum3A_1043 : vector<784xf32> to vector<784x1xf32>
    %div3A_1045 = vector.broadcast %broadcast_in_dim3A_1044 : vector<784x1xf32> to vector<784x784xf32>
    %div3A_1046 = arith.divf %exp3A_1041, %div3A_1045 : vector<784x784xf32>
    %dot_general3A_1047 = arith.constant dense<0.000000e+00> : vector<784x64xf32>
    %dot_general3A_1048 = tpu.matmul %div3A_1046, %dot_general3A_1024, %dot_general3A_1047 {dimension_numbers = #tpu.dot_dimension_numbers<[1], [0], [0], [1], [0, 0, 1, 1], [], []>, transpose_lhs_hint = false} : vector<784x784xf32>, vector<784x64xf32>, vector<784x64xf32> -> vector<784x64xf32>
    %get3A_1049 = arith.constant 4 : index
    %get3A_1050 = arith.constant 0 : index
    %get3A_1051 = arith.constant 0 : index
    %get3A_1052 = vector.load %arg9[%get3A_1049, %get3A_1050, %get3A_1051] : memref<8x64x72xf32, #tpu.memory_space<vmem>>, vector<1x64x72xf32>
    %get3A_1053 = vector.shape_cast %get3A_1052 : vector<1x64x72xf32> to vector<64x72xf32>
    %dot_general3A_1054 = arith.constant dense<0.000000e+00> : vector<784x72xf32>
    %dot_general3A_1055 = tpu.matmul %dot_general3A_1048, %get3A_1053, %dot_general3A_1054 {dimension_numbers = #tpu.dot_dimension_numbers<[1], [0], [0], [1], [0, 0, 1, 1], [], []>, transpose_lhs_hint = false} : vector<784x64xf32>, vector<64x72xf32>, vector<784x72xf32> -> vector<784x72xf32>
    %add3A_1056 = arith.addf %add3A_1003, %dot_general3A_1055 : vector<784x72xf32>
    %get3A_1057 = arith.constant 5 : index
    %get3A_1058 = arith.constant 0 : index
    %get3A_1059 = arith.constant 0 : index
    %get3A_1060 = vector.load %arg6[%get3A_1057, %get3A_1058, %get3A_1059] : memref<8x72x64xf32, #tpu.memory_space<vmem>>, vector<1x72x64xf32>
    %get3A_1061 = vector.shape_cast %get3A_1060 : vector<1x72x64xf32> to vector<72x64xf32>
    %dot_general3A_1062 = arith.constant dense<0.000000e+00> : vector<784x64xf32>
    %dot_general3A_1063 = tpu.matmul %concatenate3A_672, %get3A_1061, %dot_general3A_1062 {dimension_numbers = #tpu.dot_dimension_numbers<[1], [0], [0], [1], [0, 0, 1, 1], [], []>, transpose_lhs_hint = false} : vector<784x72xf32>, vector<72x64xf32>, vector<784x64xf32> -> vector<784x64xf32>
    %get3A_1064 = arith.constant 5 : index
    %get3A_1065 = arith.constant 0 : index
    %get3A_1066 = arith.constant 0 : index
    %get3A_1067 = vector.load %arg7[%get3A_1064, %get3A_1065, %get3A_1066] : memref<8x72x64xf32, #tpu.memory_space<vmem>>, vector<1x72x64xf32>
    %get3A_1068 = vector.shape_cast %get3A_1067 : vector<1x72x64xf32> to vector<72x64xf32>
    %dot_general3A_1069 = arith.constant dense<0.000000e+00> : vector<784x64xf32>
    %dot_general3A_1070 = tpu.matmul %concatenate3A_672, %get3A_1068, %dot_general3A_1069 {dimension_numbers = #tpu.dot_dimension_numbers<[1], [0], [0], [1], [0, 0, 1, 1], [], []>, transpose_lhs_hint = false} : vector<784x72xf32>, vector<72x64xf32>, vector<784x64xf32> -> vector<784x64xf32>
    %get3A_1071 = arith.constant 5 : index
    %get3A_1072 = arith.constant 0 : index
    %get3A_1073 = arith.constant 0 : index
    %get3A_1074 = vector.load %arg8[%get3A_1071, %get3A_1072, %get3A_1073] : memref<8x72x64xf32, #tpu.memory_space<vmem>>, vector<1x72x64xf32>
    %get3A_1075 = vector.shape_cast %get3A_1074 : vector<1x72x64xf32> to vector<72x64xf32>
    %dot_general3A_1076 = arith.constant dense<0.000000e+00> : vector<784x64xf32>
    %dot_general3A_1077 = tpu.matmul %concatenate3A_672, %get3A_1075, %dot_general3A_1076 {dimension_numbers = #tpu.dot_dimension_numbers<[1], [0], [0], [1], [0, 0, 1, 1], [], []>, transpose_lhs_hint = false} : vector<784x72xf32>, vector<72x64xf32>, vector<784x64xf32> -> vector<784x64xf32>
    %dot_general3A_1078 = arith.constant dense<0.000000e+00> : vector<784x784xf32>
    %dot_general3A_1079 = tpu.matmul %dot_general3A_1063, %dot_general3A_1070, %dot_general3A_1078 {dimension_numbers = #tpu.dot_dimension_numbers<[1], [1], [0], [0], [0, 0, 1, 0], [], []>, transpose_lhs_hint = false} : vector<784x64xf32>, vector<784x64xf32>, vector<784x784xf32> -> vector<784x784xf32>
    %mul3A_1080 = arith.constant 0.124999985 : f32
    %mul3A_1081 = vector.broadcast %mul3A_1080 : f32 to vector<784x784xf32>
    %mul3A_1082 = arith.mulf %dot_general3A_1079, %mul3A_1081 : vector<784x784xf32>
    %jit3A_1083 = arith.constant -4.2949673E+9 : f32
    %broadcast_in_dim3A_1084 = vector.broadcast %jit3A_1083 : f32 to vector<784x784xf32>
    %select_n3A_1085 = arith.select %or3A_789, %broadcast_in_dim3A_1084, %mul3A_1082 : vector<784x784xi1>, vector<784x784xf32>
    %jit3A_1086 = arith.constant 0xFF800000 : f32
    %broadcast_in_dim3A_1087 = vector.broadcast %jit3A_1086 : f32 to vector<784x784xf32>
    %select_n3A_1088 = arith.select %eq3A_740, %select_n3A_1085, %broadcast_in_dim3A_1087 : vector<784x784xi1>, vector<784x784xf32>
    %reduce_max3A_1089 = arith.constant dense<0xFF800000> : vector<784xf32>
    %reduce_max3A_1090 = vector.multi_reduction <maximumf>, %select_n3A_1088, %reduce_max3A_1089 [1] : vector<784x784xf32> to vector<784xf32>
    %broadcast_in_dim3A_1091 = vector.shape_cast %reduce_max3A_1090 : vector<784xf32> to vector<784x1xf32>
    %sub3A_1092 = vector.broadcast %broadcast_in_dim3A_1091 : vector<784x1xf32> to vector<784x784xf32>
    %sub3A_1093 = arith.subf %select_n3A_1088, %sub3A_1092 : vector<784x784xf32>
    %exp3A_1094 = math.exp %sub3A_1093 : vector<784x784xf32>
    %reduce_sum3A_1095 = arith.constant dense<0.000000e+00> : vector<784xf32>
    %reduce_sum3A_1096 = vector.multi_reduction <add>, %exp3A_1094, %reduce_sum3A_1095 [1] : vector<784x784xf32> to vector<784xf32>
    %broadcast_in_dim3A_1097 = vector.shape_cast %reduce_sum3A_1096 : vector<784xf32> to vector<784x1xf32>
    %div3A_1098 = vector.broadcast %broadcast_in_dim3A_1097 : vector<784x1xf32> to vector<784x784xf32>
    %div3A_1099 = arith.divf %exp3A_1094, %div3A_1098 : vector<784x784xf32>
    %dot_general3A_1100 = arith.constant dense<0.000000e+00> : vector<784x64xf32>
    %dot_general3A_1101 = tpu.matmul %div3A_1099, %dot_general3A_1077, %dot_general3A_1100 {dimension_numbers = #tpu.dot_dimension_numbers<[1], [0], [0], [1], [0, 0, 1, 1], [], []>, transpose_lhs_hint = false} : vector<784x784xf32>, vector<784x64xf32>, vector<784x64xf32> -> vector<784x64xf32>
    %get3A_1102 = arith.constant 5 : index
    %get3A_1103 = arith.constant 0 : index
    %get3A_1104 = arith.constant 0 : index
    %get3A_1105 = vector.load %arg9[%get3A_1102, %get3A_1103, %get3A_1104] : memref<8x64x72xf32, #tpu.memory_space<vmem>>, vector<1x64x72xf32>
    %get3A_1106 = vector.shape_cast %get3A_1105 : vector<1x64x72xf32> to vector<64x72xf32>
    %dot_general3A_1107 = arith.constant dense<0.000000e+00> : vector<784x72xf32>
    %dot_general3A_1108 = tpu.matmul %dot_general3A_1101, %get3A_1106, %dot_general3A_1107 {dimension_numbers = #tpu.dot_dimension_numbers<[1], [0], [0], [1], [0, 0, 1, 1], [], []>, transpose_lhs_hint = false} : vector<784x64xf32>, vector<64x72xf32>, vector<784x72xf32> -> vector<784x72xf32>
    %add3A_1109 = arith.addf %add3A_1056, %dot_general3A_1108 : vector<784x72xf32>
    %get3A_1110 = arith.constant 6 : index
    %get3A_1111 = arith.constant 0 : index
    %get3A_1112 = arith.constant 0 : index
    %get3A_1113 = vector.load %arg6[%get3A_1110, %get3A_1111, %get3A_1112] : memref<8x72x64xf32, #tpu.memory_space<vmem>>, vector<1x72x64xf32>
    %get3A_1114 = vector.shape_cast %get3A_1113 : vector<1x72x64xf32> to vector<72x64xf32>
    %dot_general3A_1115 = arith.constant dense<0.000000e+00> : vector<784x64xf32>
    %dot_general3A_1116 = tpu.matmul %concatenate3A_672, %get3A_1114, %dot_general3A_1115 {dimension_numbers = #tpu.dot_dimension_numbers<[1], [0], [0], [1], [0, 0, 1, 1], [], []>, transpose_lhs_hint = false} : vector<784x72xf32>, vector<72x64xf32>, vector<784x64xf32> -> vector<784x64xf32>
    %get3A_1117 = arith.constant 6 : index
    %get3A_1118 = arith.constant 0 : index
    %get3A_1119 = arith.constant 0 : index
    %get3A_1120 = vector.load %arg7[%get3A_1117, %get3A_1118, %get3A_1119] : memref<8x72x64xf32, #tpu.memory_space<vmem>>, vector<1x72x64xf32>
    %get3A_1121 = vector.shape_cast %get3A_1120 : vector<1x72x64xf32> to vector<72x64xf32>
    %dot_general3A_1122 = arith.constant dense<0.000000e+00> : vector<784x64xf32>
    %dot_general3A_1123 = tpu.matmul %concatenate3A_672, %get3A_1121, %dot_general3A_1122 {dimension_numbers = #tpu.dot_dimension_numbers<[1], [0], [0], [1], [0, 0, 1, 1], [], []>, transpose_lhs_hint = false} : vector<784x72xf32>, vector<72x64xf32>, vector<784x64xf32> -> vector<784x64xf32>
    %get3A_1124 = arith.constant 6 : index
    %get3A_1125 = arith.constant 0 : index
    %get3A_1126 = arith.constant 0 : index
    %get3A_1127 = vector.load %arg8[%get3A_1124, %get3A_1125, %get3A_1126] : memref<8x72x64xf32, #tpu.memory_space<vmem>>, vector<1x72x64xf32>
    %get3A_1128 = vector.shape_cast %get3A_1127 : vector<1x72x64xf32> to vector<72x64xf32>
    %dot_general3A_1129 = arith.constant dense<0.000000e+00> : vector<784x64xf32>
    %dot_general3A_1130 = tpu.matmul %concatenate3A_672, %get3A_1128, %dot_general3A_1129 {dimension_numbers = #tpu.dot_dimension_numbers<[1], [0], [0], [1], [0, 0, 1, 1], [], []>, transpose_lhs_hint = false} : vector<784x72xf32>, vector<72x64xf32>, vector<784x64xf32> -> vector<784x64xf32>
    %dot_general3A_1131 = arith.constant dense<0.000000e+00> : vector<784x784xf32>
    %dot_general3A_1132 = tpu.matmul %dot_general3A_1116, %dot_general3A_1123, %dot_general3A_1131 {dimension_numbers = #tpu.dot_dimension_numbers<[1], [1], [0], [0], [0, 0, 1, 0], [], []>, transpose_lhs_hint = false} : vector<784x64xf32>, vector<784x64xf32>, vector<784x784xf32> -> vector<784x784xf32>
    %mul3A_1133 = arith.constant 0.124999985 : f32
    %mul3A_1134 = vector.broadcast %mul3A_1133 : f32 to vector<784x784xf32>
    %mul3A_1135 = arith.mulf %dot_general3A_1132, %mul3A_1134 : vector<784x784xf32>
    %jit3A_1136 = arith.constant -4.2949673E+9 : f32
    %broadcast_in_dim3A_1137 = vector.broadcast %jit3A_1136 : f32 to vector<784x784xf32>
    %select_n3A_1138 = arith.select %or3A_789, %broadcast_in_dim3A_1137, %mul3A_1135 : vector<784x784xi1>, vector<784x784xf32>
    %jit3A_1139 = arith.constant 0xFF800000 : f32
    %broadcast_in_dim3A_1140 = vector.broadcast %jit3A_1139 : f32 to vector<784x784xf32>
    %select_n3A_1141 = arith.select %eq3A_740, %select_n3A_1138, %broadcast_in_dim3A_1140 : vector<784x784xi1>, vector<784x784xf32>
    %reduce_max3A_1142 = arith.constant dense<0xFF800000> : vector<784xf32>
    %reduce_max3A_1143 = vector.multi_reduction <maximumf>, %select_n3A_1141, %reduce_max3A_1142 [1] : vector<784x784xf32> to vector<784xf32>
    %broadcast_in_dim3A_1144 = vector.shape_cast %reduce_max3A_1143 : vector<784xf32> to vector<784x1xf32>
    %sub3A_1145 = vector.broadcast %broadcast_in_dim3A_1144 : vector<784x1xf32> to vector<784x784xf32>
    %sub3A_1146 = arith.subf %select_n3A_1141, %sub3A_1145 : vector<784x784xf32>
    %exp3A_1147 = math.exp %sub3A_1146 : vector<784x784xf32>
    %reduce_sum3A_1148 = arith.constant dense<0.000000e+00> : vector<784xf32>
    %reduce_sum3A_1149 = vector.multi_reduction <add>, %exp3A_1147, %reduce_sum3A_1148 [1] : vector<784x784xf32> to vector<784xf32>
    %broadcast_in_dim3A_1150 = vector.shape_cast %reduce_sum3A_1149 : vector<784xf32> to vector<784x1xf32>
    %div3A_1151 = vector.broadcast %broadcast_in_dim3A_1150 : vector<784x1xf32> to vector<784x784xf32>
    %div3A_1152 = arith.divf %exp3A_1147, %div3A_1151 : vector<784x784xf32>
    %dot_general3A_1153 = arith.constant dense<0.000000e+00> : vector<784x64xf32>
    %dot_general3A_1154 = tpu.matmul %div3A_1152, %dot_general3A_1130, %dot_general3A_1153 {dimension_numbers = #tpu.dot_dimension_numbers<[1], [0], [0], [1], [0, 0, 1, 1], [], []>, transpose_lhs_hint = false} : vector<784x784xf32>, vector<784x64xf32>, vector<784x64xf32> -> vector<784x64xf32>
    %get3A_1155 = arith.constant 6 : index
    %get3A_1156 = arith.constant 0 : index
    %get3A_1157 = arith.constant 0 : index
    %get3A_1158 = vector.load %arg9[%get3A_1155, %get3A_1156, %get3A_1157] : memref<8x64x72xf32, #tpu.memory_space<vmem>>, vector<1x64x72xf32>
    %get3A_1159 = vector.shape_cast %get3A_1158 : vector<1x64x72xf32> to vector<64x72xf32>
    %dot_general3A_1160 = arith.constant dense<0.000000e+00> : vector<784x72xf32>
    %dot_general3A_1161 = tpu.matmul %dot_general3A_1154, %get3A_1159, %dot_general3A_1160 {dimension_numbers = #tpu.dot_dimension_numbers<[1], [0], [0], [1], [0, 0, 1, 1], [], []>, transpose_lhs_hint = false} : vector<784x64xf32>, vector<64x72xf32>, vector<784x72xf32> -> vector<784x72xf32>
    %add3A_1162 = arith.addf %add3A_1109, %dot_general3A_1161 : vector<784x72xf32>
    %get3A_1163 = arith.constant 7 : index
    %get3A_1164 = arith.constant 0 : index
    %get3A_1165 = arith.constant 0 : index
    %get3A_1166 = vector.load %arg6[%get3A_1163, %get3A_1164, %get3A_1165] : memref<8x72x64xf32, #tpu.memory_space<vmem>>, vector<1x72x64xf32>
    %get3A_1167 = vector.shape_cast %get3A_1166 : vector<1x72x64xf32> to vector<72x64xf32>
    %dot_general3A_1168 = arith.constant dense<0.000000e+00> : vector<784x64xf32>
    %dot_general3A_1169 = tpu.matmul %concatenate3A_672, %get3A_1167, %dot_general3A_1168 {dimension_numbers = #tpu.dot_dimension_numbers<[1], [0], [0], [1], [0, 0, 1, 1], [], []>, transpose_lhs_hint = false} : vector<784x72xf32>, vector<72x64xf32>, vector<784x64xf32> -> vector<784x64xf32>
    %get3A_1170 = arith.constant 7 : index
    %get3A_1171 = arith.constant 0 : index
    %get3A_1172 = arith.constant 0 : index
    %get3A_1173 = vector.load %arg7[%get3A_1170, %get3A_1171, %get3A_1172] : memref<8x72x64xf32, #tpu.memory_space<vmem>>, vector<1x72x64xf32>
    %get3A_1174 = vector.shape_cast %get3A_1173 : vector<1x72x64xf32> to vector<72x64xf32>
    %dot_general3A_1175 = arith.constant dense<0.000000e+00> : vector<784x64xf32>
    %dot_general3A_1176 = tpu.matmul %concatenate3A_672, %get3A_1174, %dot_general3A_1175 {dimension_numbers = #tpu.dot_dimension_numbers<[1], [0], [0], [1], [0, 0, 1, 1], [], []>, transpose_lhs_hint = false} : vector<784x72xf32>, vector<72x64xf32>, vector<784x64xf32> -> vector<784x64xf32>
    %get3A_1177 = arith.constant 7 : index
    %get3A_1178 = arith.constant 0 : index
    %get3A_1179 = arith.constant 0 : index
    %get3A_1180 = vector.load %arg8[%get3A_1177, %get3A_1178, %get3A_1179] : memref<8x72x64xf32, #tpu.memory_space<vmem>>, vector<1x72x64xf32>
    %get3A_1181 = vector.shape_cast %get3A_1180 : vector<1x72x64xf32> to vector<72x64xf32>
    %dot_general3A_1182 = arith.constant dense<0.000000e+00> : vector<784x64xf32>
    %dot_general3A_1183 = tpu.matmul %concatenate3A_672, %get3A_1181, %dot_general3A_1182 {dimension_numbers = #tpu.dot_dimension_numbers<[1], [0], [0], [1], [0, 0, 1, 1], [], []>, transpose_lhs_hint = false} : vector<784x72xf32>, vector<72x64xf32>, vector<784x64xf32> -> vector<784x64xf32>
    %dot_general3A_1184 = arith.constant dense<0.000000e+00> : vector<784x784xf32>
    %dot_general3A_1185 = tpu.matmul %dot_general3A_1169, %dot_general3A_1176, %dot_general3A_1184 {dimension_numbers = #tpu.dot_dimension_numbers<[1], [1], [0], [0], [0, 0, 1, 0], [], []>, transpose_lhs_hint = false} : vector<784x64xf32>, vector<784x64xf32>, vector<784x784xf32> -> vector<784x784xf32>
    %mul3A_1186 = arith.constant 0.124999985 : f32
    %mul3A_1187 = vector.broadcast %mul3A_1186 : f32 to vector<784x784xf32>
    %mul3A_1188 = arith.mulf %dot_general3A_1185, %mul3A_1187 : vector<784x784xf32>
    %jit3A_1189 = arith.constant -4.2949673E+9 : f32
    %broadcast_in_dim3A_1190 = vector.broadcast %jit3A_1189 : f32 to vector<784x784xf32>
    %select_n3A_1191 = arith.select %or3A_789, %broadcast_in_dim3A_1190, %mul3A_1188 : vector<784x784xi1>, vector<784x784xf32>
    %jit3A_1192 = arith.constant 0xFF800000 : f32
    %broadcast_in_dim3A_1193 = vector.broadcast %jit3A_1192 : f32 to vector<784x784xf32>
    %select_n3A_1194 = arith.select %eq3A_740, %select_n3A_1191, %broadcast_in_dim3A_1193 : vector<784x784xi1>, vector<784x784xf32>
    %reduce_max3A_1195 = arith.constant dense<0xFF800000> : vector<784xf32>
    %reduce_max3A_1196 = vector.multi_reduction <maximumf>, %select_n3A_1194, %reduce_max3A_1195 [1] : vector<784x784xf32> to vector<784xf32>
    %broadcast_in_dim3A_1197 = vector.shape_cast %reduce_max3A_1196 : vector<784xf32> to vector<784x1xf32>
    %sub3A_1198 = vector.broadcast %broadcast_in_dim3A_1197 : vector<784x1xf32> to vector<784x784xf32>
    %sub3A_1199 = arith.subf %select_n3A_1194, %sub3A_1198 : vector<784x784xf32>
    %exp3A_1200 = math.exp %sub3A_1199 : vector<784x784xf32>
    %reduce_sum3A_1201 = arith.constant dense<0.000000e+00> : vector<784xf32>
    %reduce_sum3A_1202 = vector.multi_reduction <add>, %exp3A_1200, %reduce_sum3A_1201 [1] : vector<784x784xf32> to vector<784xf32>
    %broadcast_in_dim3A_1203 = vector.shape_cast %reduce_sum3A_1202 : vector<784xf32> to vector<784x1xf32>
    %div3A_1204 = vector.broadcast %broadcast_in_dim3A_1203 : vector<784x1xf32> to vector<784x784xf32>
    %div3A_1205 = arith.divf %exp3A_1200, %div3A_1204 : vector<784x784xf32>
    %dot_general3A_1206 = arith.constant dense<0.000000e+00> : vector<784x64xf32>
    %dot_general3A_1207 = tpu.matmul %div3A_1205, %dot_general3A_1183, %dot_general3A_1206 {dimension_numbers = #tpu.dot_dimension_numbers<[1], [0], [0], [1], [0, 0, 1, 1], [], []>, transpose_lhs_hint = false} : vector<784x784xf32>, vector<784x64xf32>, vector<784x64xf32> -> vector<784x64xf32>
    %get3A_1208 = arith.constant 7 : index
    %get3A_1209 = arith.constant 0 : index
    %get3A_1210 = arith.constant 0 : index
    %get3A_1211 = vector.load %arg9[%get3A_1208, %get3A_1209, %get3A_1210] : memref<8x64x72xf32, #tpu.memory_space<vmem>>, vector<1x64x72xf32>
    %get3A_1212 = vector.shape_cast %get3A_1211 : vector<1x64x72xf32> to vector<64x72xf32>
    %dot_general3A_1213 = arith.constant dense<0.000000e+00> : vector<784x72xf32>
    %dot_general3A_1214 = tpu.matmul %dot_general3A_1207, %get3A_1212, %dot_general3A_1213 {dimension_numbers = #tpu.dot_dimension_numbers<[1], [0], [0], [1], [0, 0, 1, 1], [], []>, transpose_lhs_hint = false} : vector<784x64xf32>, vector<64x72xf32>, vector<784x72xf32> -> vector<784x72xf32>
    %add3A_1215 = arith.addf %add3A_1162, %dot_general3A_1214 : vector<784x72xf32>
    %add3A_1216 = arith.addf %concatenate3A_672, %add3A_1215 : vector<784x72xf32>
    %get3A_1217 = arith.constant 0 : index
    %get3A_1218 = arith.constant 0 : index
    %get3A_1219 = vector.load %arg14[%get3A_1217, %get3A_1218] : memref<1x72xf32, #tpu.memory_space<vmem>>, vector<1x72xf32>
    %get3A_1220 = arith.constant 0 : index
    %get3A_1221 = arith.constant 0 : index
    %get3A_1222 = vector.load %arg15[%get3A_1220, %get3A_1221] : memref<1x72xf32, #tpu.memory_space<vmem>>, vector<1x72xf32>
    %reduce_sum3A_1223 = arith.constant dense<0.000000e+00> : vector<784xf32>
    %reduce_sum3A_1224 = vector.multi_reduction <add>, %add3A_1216, %reduce_sum3A_1223 [1] : vector<784x72xf32> to vector<784xf32>
    %broadcast_in_dim3A_1225 = vector.shape_cast %reduce_sum3A_1224 : vector<784xf32> to vector<784x1xf32>
    %div3A_1226 = arith.constant 7.200000e+01 : f32
    %div3A_1227 = vector.broadcast %div3A_1226 : f32 to vector<784x1xf32>
    %div3A_1228 = arith.divf %broadcast_in_dim3A_1225, %div3A_1227 : vector<784x1xf32>
    %sub3A_1229 = vector.broadcast %div3A_1228 : vector<784x1xf32> to vector<784x72xf32>
    %sub3A_1230 = arith.subf %add3A_1216, %sub3A_1229 : vector<784x72xf32>
    %integer_pow3A = arith.mulf %sub3A_1230, %sub3A_1230 : vector<784x72xf32>
    %reduce_sum3A_1231 = arith.constant dense<0.000000e+00> : vector<784xf32>
    %reduce_sum3A_1232 = vector.multi_reduction <add>, %integer_pow3A, %reduce_sum3A_1231 [1] : vector<784x72xf32> to vector<784xf32>
    %broadcast_in_dim3A_1233 = vector.shape_cast %reduce_sum3A_1232 : vector<784xf32> to vector<784x1xf32>
    %div3A_1234 = arith.constant 7.200000e+01 : f32
    %div3A_1235 = vector.broadcast %div3A_1234 : f32 to vector<784x1xf32>
    %div3A_1236 = arith.divf %broadcast_in_dim3A_1233, %div3A_1235 : vector<784x1xf32>
    %sub3A_1237 = vector.broadcast %div3A_1228 : vector<784x1xf32> to vector<784x72xf32>
    %sub3A_1238 = arith.subf %add3A_1216, %sub3A_1237 : vector<784x72xf32>
    %add3A_1239 = arith.constant 9.99999974E-6 : f32
    %add3A_1240 = vector.broadcast %add3A_1239 : f32 to vector<784x1xf32>
    %add3A_1241 = arith.addf %div3A_1236, %add3A_1240 : vector<784x1xf32>
    %sqrt3A = math.sqrt %add3A_1241 : vector<784x1xf32>
    %div3A_1242 = vector.broadcast %sqrt3A : vector<784x1xf32> to vector<784x72xf32>
    %div3A_1243 = arith.divf %sub3A_1238, %div3A_1242 : vector<784x72xf32>
    %mul3A_1244 = vector.broadcast %get3A_1219 : vector<1x72xf32> to vector<784x72xf32>
    %mul3A_1245 = arith.mulf %div3A_1243, %mul3A_1244 : vector<784x72xf32>
    %add3A_1246 = vector.broadcast %get3A_1222 : vector<1x72xf32> to vector<784x72xf32>
    %add3A_1247 = arith.addf %mul3A_1245, %add3A_1246 : vector<784x72xf32>
    %get3A_1248 = arith.constant 0 : index
    %get3A_1249 = arith.constant 0 : index
    %get3A_1250 = vector.load %arg10[%get3A_1248, %get3A_1249] : memref<72x72xf32, #tpu.memory_space<vmem>>, vector<72x72xf32>
    %dot_general3A_1251 = arith.constant dense<0.000000e+00> : vector<784x72xf32>
    %dot_general3A_1252 = tpu.matmul %add3A_1247, %get3A_1250, %dot_general3A_1251 {dimension_numbers = #tpu.dot_dimension_numbers<[1], [1], [0], [0], [0, 0, 1, 0], [], []>, transpose_lhs_hint = false} : vector<784x72xf32>, vector<72x72xf32>, vector<784x72xf32> -> vector<784x72xf32>
    %get3A_1253 = arith.constant 0 : index
    %get3A_1254 = arith.constant 0 : index
    %get3A_1255 = vector.load %arg11[%get3A_1253, %get3A_1254] : memref<1x72xf32, #tpu.memory_space<vmem>>, vector<1x72xf32>
    %add3A_1256 = vector.broadcast %get3A_1255 : vector<1x72xf32> to vector<784x72xf32>
    %add3A_1257 = arith.addf %dot_general3A_1252, %add3A_1256 : vector<784x72xf32>
    %max3A = arith.constant 0.000000e+00 : f32
    %max3A_1258 = vector.broadcast %max3A : f32 to vector<784x72xf32>
    %max3A_1259 = arith.maximumf %add3A_1257, %max3A_1258 : vector<784x72xf32>
    %get3A_1260 = arith.constant 0 : index
    %get3A_1261 = arith.constant 0 : index
    %get3A_1262 = vector.load %arg12[%get3A_1260, %get3A_1261] : memref<72x72xf32, #tpu.memory_space<vmem>>, vector<72x72xf32>
    %dot_general3A_1263 = arith.constant dense<0.000000e+00> : vector<784x72xf32>
    %dot_general3A_1264 = tpu.matmul %max3A_1259, %get3A_1262, %dot_general3A_1263 {dimension_numbers = #tpu.dot_dimension_numbers<[1], [1], [0], [0], [0, 0, 1, 0], [], []>, transpose_lhs_hint = false} : vector<784x72xf32>, vector<72x72xf32>, vector<784x72xf32> -> vector<784x72xf32>
    %get3A_1265 = arith.constant 0 : index
    %get3A_1266 = arith.constant 0 : index
    %get3A_1267 = vector.load %arg13[%get3A_1265, %get3A_1266] : memref<1x72xf32, #tpu.memory_space<vmem>>, vector<1x72xf32>
    %add3A_1268 = vector.broadcast %get3A_1267 : vector<1x72xf32> to vector<784x72xf32>
    %add3A_1269 = arith.addf %dot_general3A_1264, %add3A_1268 : vector<784x72xf32>
    %add3A_1270 = arith.addf %add3A_1247, %add3A_1269 : vector<784x72xf32>
    %get3A_1271 = arith.constant 0 : index
    %get3A_1272 = arith.constant 0 : index
    %get3A_1273 = vector.load %arg16[%get3A_1271, %get3A_1272] : memref<1x72xf32, #tpu.memory_space<vmem>>, vector<1x72xf32>
    %get3A_1274 = arith.constant 0 : index
    %get3A_1275 = arith.constant 0 : index
    %get3A_1276 = vector.load %arg17[%get3A_1274, %get3A_1275] : memref<1x72xf32, #tpu.memory_space<vmem>>, vector<1x72xf32>
    %reduce_sum3A_1277 = arith.constant dense<0.000000e+00> : vector<784xf32>
    %reduce_sum3A_1278 = vector.multi_reduction <add>, %add3A_1270, %reduce_sum3A_1277 [1] : vector<784x72xf32> to vector<784xf32>
    %broadcast_in_dim3A_1279 = vector.shape_cast %reduce_sum3A_1278 : vector<784xf32> to vector<784x1xf32>
    %div3A_1280 = arith.constant 7.200000e+01 : f32
    %div3A_1281 = vector.broadcast %div3A_1280 : f32 to vector<784x1xf32>
    %div3A_1282 = arith.divf %broadcast_in_dim3A_1279, %div3A_1281 : vector<784x1xf32>
    %sub3A_1283 = vector.broadcast %div3A_1282 : vector<784x1xf32> to vector<784x72xf32>
    %sub3A_1284 = arith.subf %add3A_1270, %sub3A_1283 : vector<784x72xf32>
    %integer_pow3A_1285 = arith.mulf %sub3A_1284, %sub3A_1284 : vector<784x72xf32>
    %reduce_sum3A_1286 = arith.constant dense<0.000000e+00> : vector<784xf32>
    %reduce_sum3A_1287 = vector.multi_reduction <add>, %integer_pow3A_1285, %reduce_sum3A_1286 [1] : vector<784x72xf32> to vector<784xf32>
    %broadcast_in_dim3A_1288 = vector.shape_cast %reduce_sum3A_1287 : vector<784xf32> to vector<784x1xf32>
    %div3A_1289 = arith.constant 7.200000e+01 : f32
    %div3A_1290 = vector.broadcast %div3A_1289 : f32 to vector<784x1xf32>
    %div3A_1291 = arith.divf %broadcast_in_dim3A_1288, %div3A_1290 : vector<784x1xf32>
    %sub3A_1292 = vector.broadcast %div3A_1282 : vector<784x1xf32> to vector<784x72xf32>
    %sub3A_1293 = arith.subf %add3A_1270, %sub3A_1292 : vector<784x72xf32>
    %add3A_1294 = arith.constant 9.99999974E-6 : f32
    %add3A_1295 = vector.broadcast %add3A_1294 : f32 to vector<784x1xf32>
    %add3A_1296 = arith.addf %div3A_1291, %add3A_1295 : vector<784x1xf32>
    %sqrt3A_1297 = math.sqrt %add3A_1296 : vector<784x1xf32>
    %div3A_1298 = vector.broadcast %sqrt3A_1297 : vector<784x1xf32> to vector<784x72xf32>
    %div3A_1299 = arith.divf %sub3A_1293, %div3A_1298 : vector<784x72xf32>
    %mul3A_1300 = vector.broadcast %get3A_1273 : vector<1x72xf32> to vector<784x72xf32>
    %mul3A_1301 = arith.mulf %div3A_1299, %mul3A_1300 : vector<784x72xf32>
    %add3A_1302 = vector.broadcast %get3A_1276 : vector<1x72xf32> to vector<784x72xf32>
    %add3A_1303 = arith.addf %mul3A_1301, %add3A_1302 : vector<784x72xf32>
    %convert_element_type3A_1304 = arith.truncf %add3A_1303 : vector<784x72xf32> to vector<784x72xbf16>
    %swap3A = arith.constant 0 : index
    %swap3A_1305 = arith.constant 0 : index
    %swap3A_1306 = vector.load %arg18[%swap3A, %swap3A_1305] : memref<784x72xbf16, #tpu.memory_space<vmem>>, vector<784x72xbf16>
    tpu.vector_store %arg18[%swap3A, %swap3A_1305], %convert_element_type3A_1304 {strides = array<i32>} : memref<784x72xbf16, #tpu.memory_space<vmem>>, vector<784x72xbf16>,
    return
  }
}

module attributes {stable_mosaic.version = 14 : i64} {
  func.func @_proj_body(%arg0: i32, %arg1: i32, %arg2: memref<392x72xbf16, #tpu.memory_space<vmem>>, %arg3: memref<72x8192xf32, #tpu.memory_space<vmem>>, %arg4: memref<1x8192xf32, #tpu.memory_space<vmem>>, %arg5: memref<392x1xi32, #tpu.memory_space<vmem>>, %arg6: memref<392x8192xf32, #tpu.memory_space<vmem>>) attributes {dimension_semantics = [#tpu.dimension_semantics<parallel>, #tpu.dimension_semantics<parallel>], iteration_bounds = array<i64: 13, 2>, scalar_prefetch = 0 : i64, scratch_operands = 0 : i64, tpu.core_type = #tpu.core_type<tc>, window_params = [{transform_indices = @transform_0, window_bounds = array<i64: 392, 72>}, {transform_indices = @transform_1, window_bounds = array<i64: 72, 8192>}, {transform_indices = @transform_2, window_bounds = array<i64: 1, 8192>}, {transform_indices = @transform_3, window_bounds = array<i64: 392, 1>}, {transform_indices = @transform_4, window_bounds = array<i64: 392, 8192>}]} {
    %iota3A = tpu.iota {dimensions = array<i32: 0>} : vector<49x49xi32>
    %iota3A_0 = tpu.iota {dimensions = array<i32: 1>} : vector<49x49xi32>
    %le3A = arith.cmpi sle, %iota3A_0, %iota3A : vector<49x49xi32>
    %convert_element_type3A = arith.extui %le3A : vector<49x49xi1> to vector<49x49xi32>
    %convert_element_type3A_1 = arith.sitofp %convert_element_type3A : vector<49x49xi32> to vector<49x49xf32>
    %convert_element_type3A_2 = arith.truncf %convert_element_type3A_1 : vector<49x49xf32> to vector<49x49xbf16>
    %iota3A_3 = tpu.iota {dimensions = array<i32: 1>} : vector<49x8192xi32>
    %mul3A = arith.constant 8192 : i32
    %mul3A_4 = arith.muli %arg0, %mul3A : i32
    %add3A = vector.broadcast %mul3A_4 : i32 to vector<49x8192xi32>
    %add3A_5 = arith.addi %iota3A_3, %add3A : vector<49x8192xi32>
    %get3A = arith.constant 0 : index
    %get3A_6 = arith.constant 0 : index
    %get3A_7 = vector.load %arg2[%get3A, %get3A_6] : memref<392x72xbf16, #tpu.memory_space<vmem>>, vector<49x72xbf16>
    %get3A_8 = arith.constant 0 : index
    %get3A_9 = arith.constant 0 : index
    %get3A_10 = vector.load %arg3[%get3A_8, %get3A_9] : memref<72x8192xf32, #tpu.memory_space<vmem>>, vector<72x8192xf32>
    %convert_element_type3A_11 = arith.truncf %get3A_10 : vector<72x8192xf32> to vector<72x8192xbf16>
    %dot_general3A = arith.constant dense<0.000000e+00> : vector<49x8192xf32>
    %dot_general3A_12 = tpu.matmul %get3A_7, %convert_element_type3A_11, %dot_general3A {dimension_numbers = #tpu.dot_dimension_numbers<[1], [0], [0], [1], [0, 0, 1, 1], [], []>, transpose_lhs_hint = false} : vector<49x72xbf16>, vector<72x8192xbf16>, vector<49x8192xf32> -> vector<49x8192xf32>
    %get3A_13 = arith.constant 0 : index
    %get3A_14 = arith.constant 0 : index
    %get3A_15 = vector.load %arg4[%get3A_13, %get3A_14] : memref<1x8192xf32, #tpu.memory_space<vmem>>, vector<1x8192xf32>
    %add3A_16 = vector.broadcast %get3A_15 : vector<1x8192xf32> to vector<49x8192xf32>
    %add3A_17 = arith.addf %dot_general3A_12, %add3A_16 : vector<49x8192xf32>
    %get3A_18 = arith.constant 0 : index
    %get3A_19 = arith.constant 0 : index
    %get3A_20 = vector.load %arg5[%get3A_18, %get3A_19] : memref<392x1xi32, #tpu.memory_space<vmem>>, vector<49x1xi32>
    %eq3A = vector.broadcast %get3A_20 : vector<49x1xi32> to vector<49x8192xi32>
    %eq3A_21 = arith.cmpi eq, %add3A_5, %eq3A : vector<49x8192xi32>
    %convert_element_type3A_22 = arith.extui %eq3A_21 : vector<49x8192xi1> to vector<49x8192xi32>
    %convert_element_type3A_23 = arith.sitofp %convert_element_type3A_22 : vector<49x8192xi32> to vector<49x8192xf32>
    %convert_element_type3A_24 = arith.truncf %convert_element_type3A_23 : vector<49x8192xf32> to vector<49x8192xbf16>
    %dot_general3A_25 = arith.constant dense<0.000000e+00> : vector<49x8192xf32>
    %dot_general3A_26 = tpu.matmul %convert_element_type3A_2, %convert_element_type3A_24, %dot_general3A_25 {dimension_numbers = #tpu.dot_dimension_numbers<[1], [0], [0], [1], [0, 0, 1, 1], [], []>, transpose_lhs_hint = false} : vector<49x49xbf16>, vector<49x8192xbf16>, vector<49x8192xf32> -> vector<49x8192xf32>
    %gt3A = arith.constant 5.000000e-01 : f32
    %gt3A_27 = vector.broadcast %gt3A : f32 to vector<49x8192xf32>
    %gt3A_28 = arith.cmpf ogt, %dot_general3A_26, %gt3A_27 : vector<49x8192xf32>
    %eq3A_29 = arith.constant 0 : i32
    %eq3A_30 = vector.broadcast %eq3A_29 : i32 to vector<49x8192xi32>
    %eq3A_31 = arith.cmpi eq, %add3A_5, %eq3A_30 : vector<49x8192xi32>
    %or3A = arith.ori %gt3A_28, %eq3A_31 : vector<49x8192xi1>
    %jit3A = arith.constant -1.000000e+03 : f32
    %jit3A_32 = arith.constant 0.000000e+00 : f32
    %broadcast_in_dim3A = vector.broadcast %jit3A : f32 to vector<49x8192xf32>
    %broadcast_in_dim3A_33 = vector.broadcast %jit3A_32 : f32 to vector<49x8192xf32>
    %select_n3A = arith.select %or3A, %broadcast_in_dim3A, %broadcast_in_dim3A_33 : vector<49x8192xi1>, vector<49x8192xf32>
    %add3A_34 = arith.addf %add3A_17, %select_n3A : vector<49x8192xf32>
    %swap3A = arith.constant 0 : index
    %swap3A_35 = arith.constant 0 : index
    %swap3A_36 = vector.load %arg6[%swap3A, %swap3A_35] : memref<392x8192xf32, #tpu.memory_space<vmem>>, vector<49x8192xf32>
    tpu.vector_store %arg6[%swap3A, %swap3A_35], %add3A_34 {strides = array<i32>} : memref<392x8192xf32, #tpu.memory_space<vmem>>, vector<49x8192xf32>,
    %get3A_37 = arith.constant 49 : index
    %get3A_38 = arith.constant 0 : index
    %get3A_39 = vector.load %arg2[%get3A_37, %get3A_38] : memref<392x72xbf16, #tpu.memory_space<vmem>>, vector<49x72xbf16>
    %get3A_40 = arith.constant 0 : index
    %get3A_41 = arith.constant 0 : index
    %get3A_42 = vector.load %arg3[%get3A_40, %get3A_41] : memref<72x8192xf32, #tpu.memory_space<vmem>>, vector<72x8192xf32>
    %convert_element_type3A_43 = arith.truncf %get3A_42 : vector<72x8192xf32> to vector<72x8192xbf16>
    %dot_general3A_44 = arith.constant dense<0.000000e+00> : vector<49x8192xf32>
    %dot_general3A_45 = tpu.matmul %get3A_39, %convert_element_type3A_43, %dot_general3A_44 {dimension_numbers = #tpu.dot_dimension_numbers<[1], [0], [0], [1], [0, 0, 1, 1], [], []>, transpose_lhs_hint = false} : vector<49x72xbf16>, vector<72x8192xbf16>, vector<49x8192xf32> -> vector<49x8192xf32>
    %get3A_46 = arith.constant 0 : index
    %get3A_47 = arith.constant 0 : index
    %get3A_48 = vector.load %arg4[%get3A_46, %get3A_47] : memref<1x8192xf32, #tpu.memory_space<vmem>>, vector<1x8192xf32>
    %add3A_49 = vector.broadcast %get3A_48 : vector<1x8192xf32> to vector<49x8192xf32>
    %add3A_50 = arith.addf %dot_general3A_45, %add3A_49 : vector<49x8192xf32>
    %get3A_51 = arith.constant 49 : index
    %get3A_52 = arith.constant 0 : index
    %get3A_53 = vector.load %arg5[%get3A_51, %get3A_52] : memref<392x1xi32, #tpu.memory_space<vmem>>, vector<49x1xi32>
    %eq3A_54 = vector.broadcast %get3A_53 : vector<49x1xi32> to vector<49x8192xi32>
    %eq3A_55 = arith.cmpi eq, %add3A_5, %eq3A_54 : vector<49x8192xi32>
    %convert_element_type3A_56 = arith.extui %eq3A_55 : vector<49x8192xi1> to vector<49x8192xi32>
    %convert_element_type3A_57 = arith.sitofp %convert_element_type3A_56 : vector<49x8192xi32> to vector<49x8192xf32>
    %convert_element_type3A_58 = arith.truncf %convert_element_type3A_57 : vector<49x8192xf32> to vector<49x8192xbf16>
    %dot_general3A_59 = arith.constant dense<0.000000e+00> : vector<49x8192xf32>
    %dot_general3A_60 = tpu.matmul %convert_element_type3A_2, %convert_element_type3A_58, %dot_general3A_59 {dimension_numbers = #tpu.dot_dimension_numbers<[1], [0], [0], [1], [0, 0, 1, 1], [], []>, transpose_lhs_hint = false} : vector<49x49xbf16>, vector<49x8192xbf16>, vector<49x8192xf32> -> vector<49x8192xf32>
    %gt3A_61 = arith.constant 5.000000e-01 : f32
    %gt3A_62 = vector.broadcast %gt3A_61 : f32 to vector<49x8192xf32>
    %gt3A_63 = arith.cmpf ogt, %dot_general3A_60, %gt3A_62 : vector<49x8192xf32>
    %eq3A_64 = arith.constant 0 : i32
    %eq3A_65 = vector.broadcast %eq3A_64 : i32 to vector<49x8192xi32>
    %eq3A_66 = arith.cmpi eq, %add3A_5, %eq3A_65 : vector<49x8192xi32>
    %or3A_67 = arith.ori %gt3A_63, %eq3A_66 : vector<49x8192xi1>
    %jit3A_68 = arith.constant -1.000000e+03 : f32
    %jit3A_69 = arith.constant 0.000000e+00 : f32
    %broadcast_in_dim3A_70 = vector.broadcast %jit3A_68 : f32 to vector<49x8192xf32>
    %broadcast_in_dim3A_71 = vector.broadcast %jit3A_69 : f32 to vector<49x8192xf32>
    %select_n3A_72 = arith.select %or3A_67, %broadcast_in_dim3A_70, %broadcast_in_dim3A_71 : vector<49x8192xi1>, vector<49x8192xf32>
    %add3A_73 = arith.addf %add3A_50, %select_n3A_72 : vector<49x8192xf32>
    %swap3A_74 = arith.constant 49 : index
    %swap3A_75 = arith.constant 0 : index
    %swap3A_76 = vector.load %arg6[%swap3A_74, %swap3A_75] : memref<392x8192xf32, #tpu.memory_space<vmem>>, vector<49x8192xf32>
    tpu.vector_store %arg6[%swap3A_74, %swap3A_75], %add3A_73 {strides = array<i32>} : memref<392x8192xf32, #tpu.memory_space<vmem>>, vector<49x8192xf32>,
    %get3A_77 = arith.constant 98 : index
    %get3A_78 = arith.constant 0 : index
    %get3A_79 = vector.load %arg2[%get3A_77, %get3A_78] : memref<392x72xbf16, #tpu.memory_space<vmem>>, vector<49x72xbf16>
    %get3A_80 = arith.constant 0 : index
    %get3A_81 = arith.constant 0 : index
    %get3A_82 = vector.load %arg3[%get3A_80, %get3A_81] : memref<72x8192xf32, #tpu.memory_space<vmem>>, vector<72x8192xf32>
    %convert_element_type3A_83 = arith.truncf %get3A_82 : vector<72x8192xf32> to vector<72x8192xbf16>
    %dot_general3A_84 = arith.constant dense<0.000000e+00> : vector<49x8192xf32>
    %dot_general3A_85 = tpu.matmul %get3A_79, %convert_element_type3A_83, %dot_general3A_84 {dimension_numbers = #tpu.dot_dimension_numbers<[1], [0], [0], [1], [0, 0, 1, 1], [], []>, transpose_lhs_hint = false} : vector<49x72xbf16>, vector<72x8192xbf16>, vector<49x8192xf32> -> vector<49x8192xf32>
    %get3A_86 = arith.constant 0 : index
    %get3A_87 = arith.constant 0 : index
    %get3A_88 = vector.load %arg4[%get3A_86, %get3A_87] : memref<1x8192xf32, #tpu.memory_space<vmem>>, vector<1x8192xf32>
    %add3A_89 = vector.broadcast %get3A_88 : vector<1x8192xf32> to vector<49x8192xf32>
    %add3A_90 = arith.addf %dot_general3A_85, %add3A_89 : vector<49x8192xf32>
    %get3A_91 = arith.constant 98 : index
    %get3A_92 = arith.constant 0 : index
    %get3A_93 = vector.load %arg5[%get3A_91, %get3A_92] : memref<392x1xi32, #tpu.memory_space<vmem>>, vector<49x1xi32>
    %eq3A_94 = vector.broadcast %get3A_93 : vector<49x1xi32> to vector<49x8192xi32>
    %eq3A_95 = arith.cmpi eq, %add3A_5, %eq3A_94 : vector<49x8192xi32>
    %convert_element_type3A_96 = arith.extui %eq3A_95 : vector<49x8192xi1> to vector<49x8192xi32>
    %convert_element_type3A_97 = arith.sitofp %convert_element_type3A_96 : vector<49x8192xi32> to vector<49x8192xf32>
    %convert_element_type3A_98 = arith.truncf %convert_element_type3A_97 : vector<49x8192xf32> to vector<49x8192xbf16>
    %dot_general3A_99 = arith.constant dense<0.000000e+00> : vector<49x8192xf32>
    %dot_general3A_100 = tpu.matmul %convert_element_type3A_2, %convert_element_type3A_98, %dot_general3A_99 {dimension_numbers = #tpu.dot_dimension_numbers<[1], [0], [0], [1], [0, 0, 1, 1], [], []>, transpose_lhs_hint = false} : vector<49x49xbf16>, vector<49x8192xbf16>, vector<49x8192xf32> -> vector<49x8192xf32>
    %gt3A_101 = arith.constant 5.000000e-01 : f32
    %gt3A_102 = vector.broadcast %gt3A_101 : f32 to vector<49x8192xf32>
    %gt3A_103 = arith.cmpf ogt, %dot_general3A_100, %gt3A_102 : vector<49x8192xf32>
    %eq3A_104 = arith.constant 0 : i32
    %eq3A_105 = vector.broadcast %eq3A_104 : i32 to vector<49x8192xi32>
    %eq3A_106 = arith.cmpi eq, %add3A_5, %eq3A_105 : vector<49x8192xi32>
    %or3A_107 = arith.ori %gt3A_103, %eq3A_106 : vector<49x8192xi1>
    %jit3A_108 = arith.constant -1.000000e+03 : f32
    %jit3A_109 = arith.constant 0.000000e+00 : f32
    %broadcast_in_dim3A_110 = vector.broadcast %jit3A_108 : f32 to vector<49x8192xf32>
    %broadcast_in_dim3A_111 = vector.broadcast %jit3A_109 : f32 to vector<49x8192xf32>
    %select_n3A_112 = arith.select %or3A_107, %broadcast_in_dim3A_110, %broadcast_in_dim3A_111 : vector<49x8192xi1>, vector<49x8192xf32>
    %add3A_113 = arith.addf %add3A_90, %select_n3A_112 : vector<49x8192xf32>
    %swap3A_114 = arith.constant 98 : index
    %swap3A_115 = arith.constant 0 : index
    %swap3A_116 = vector.load %arg6[%swap3A_114, %swap3A_115] : memref<392x8192xf32, #tpu.memory_space<vmem>>, vector<49x8192xf32>
    tpu.vector_store %arg6[%swap3A_114, %swap3A_115], %add3A_113 {strides = array<i32>} : memref<392x8192xf32, #tpu.memory_space<vmem>>, vector<49x8192xf32>,
    %get3A_117 = arith.constant 147 : index
    %get3A_118 = arith.constant 0 : index
    %get3A_119 = vector.load %arg2[%get3A_117, %get3A_118] : memref<392x72xbf16, #tpu.memory_space<vmem>>, vector<49x72xbf16>
    %get3A_120 = arith.constant 0 : index
    %get3A_121 = arith.constant 0 : index
    %get3A_122 = vector.load %arg3[%get3A_120, %get3A_121] : memref<72x8192xf32, #tpu.memory_space<vmem>>, vector<72x8192xf32>
    %convert_element_type3A_123 = arith.truncf %get3A_122 : vector<72x8192xf32> to vector<72x8192xbf16>
    %dot_general3A_124 = arith.constant dense<0.000000e+00> : vector<49x8192xf32>
    %dot_general3A_125 = tpu.matmul %get3A_119, %convert_element_type3A_123, %dot_general3A_124 {dimension_numbers = #tpu.dot_dimension_numbers<[1], [0], [0], [1], [0, 0, 1, 1], [], []>, transpose_lhs_hint = false} : vector<49x72xbf16>, vector<72x8192xbf16>, vector<49x8192xf32> -> vector<49x8192xf32>
    %get3A_126 = arith.constant 0 : index
    %get3A_127 = arith.constant 0 : index
    %get3A_128 = vector.load %arg4[%get3A_126, %get3A_127] : memref<1x8192xf32, #tpu.memory_space<vmem>>, vector<1x8192xf32>
    %add3A_129 = vector.broadcast %get3A_128 : vector<1x8192xf32> to vector<49x8192xf32>
    %add3A_130 = arith.addf %dot_general3A_125, %add3A_129 : vector<49x8192xf32>
    %get3A_131 = arith.constant 147 : index
    %get3A_132 = arith.constant 0 : index
    %get3A_133 = vector.load %arg5[%get3A_131, %get3A_132] : memref<392x1xi32, #tpu.memory_space<vmem>>, vector<49x1xi32>
    %eq3A_134 = vector.broadcast %get3A_133 : vector<49x1xi32> to vector<49x8192xi32>
    %eq3A_135 = arith.cmpi eq, %add3A_5, %eq3A_134 : vector<49x8192xi32>
    %convert_element_type3A_136 = arith.extui %eq3A_135 : vector<49x8192xi1> to vector<49x8192xi32>
    %convert_element_type3A_137 = arith.sitofp %convert_element_type3A_136 : vector<49x8192xi32> to vector<49x8192xf32>
    %convert_element_type3A_138 = arith.truncf %convert_element_type3A_137 : vector<49x8192xf32> to vector<49x8192xbf16>
    %dot_general3A_139 = arith.constant dense<0.000000e+00> : vector<49x8192xf32>
    %dot_general3A_140 = tpu.matmul %convert_element_type3A_2, %convert_element_type3A_138, %dot_general3A_139 {dimension_numbers = #tpu.dot_dimension_numbers<[1], [0], [0], [1], [0, 0, 1, 1], [], []>, transpose_lhs_hint = false} : vector<49x49xbf16>, vector<49x8192xbf16>, vector<49x8192xf32> -> vector<49x8192xf32>
    %gt3A_141 = arith.constant 5.000000e-01 : f32
    %gt3A_142 = vector.broadcast %gt3A_141 : f32 to vector<49x8192xf32>
    %gt3A_143 = arith.cmpf ogt, %dot_general3A_140, %gt3A_142 : vector<49x8192xf32>
    %eq3A_144 = arith.constant 0 : i32
    %eq3A_145 = vector.broadcast %eq3A_144 : i32 to vector<49x8192xi32>
    %eq3A_146 = arith.cmpi eq, %add3A_5, %eq3A_145 : vector<49x8192xi32>
    %or3A_147 = arith.ori %gt3A_143, %eq3A_146 : vector<49x8192xi1>
    %jit3A_148 = arith.constant -1.000000e+03 : f32
    %jit3A_149 = arith.constant 0.000000e+00 : f32
    %broadcast_in_dim3A_150 = vector.broadcast %jit3A_148 : f32 to vector<49x8192xf32>
    %broadcast_in_dim3A_151 = vector.broadcast %jit3A_149 : f32 to vector<49x8192xf32>
    %select_n3A_152 = arith.select %or3A_147, %broadcast_in_dim3A_150, %broadcast_in_dim3A_151 : vector<49x8192xi1>, vector<49x8192xf32>
    %add3A_153 = arith.addf %add3A_130, %select_n3A_152 : vector<49x8192xf32>
    %swap3A_154 = arith.constant 147 : index
    %swap3A_155 = arith.constant 0 : index
    %swap3A_156 = vector.load %arg6[%swap3A_154, %swap3A_155] : memref<392x8192xf32, #tpu.memory_space<vmem>>, vector<49x8192xf32>
    tpu.vector_store %arg6[%swap3A_154, %swap3A_155], %add3A_153 {strides = array<i32>} : memref<392x8192xf32, #tpu.memory_space<vmem>>, vector<49x8192xf32>,
    %get3A_157 = arith.constant 196 : index
    %get3A_158 = arith.constant 0 : index
    %get3A_159 = vector.load %arg2[%get3A_157, %get3A_158] : memref<392x72xbf16, #tpu.memory_space<vmem>>, vector<49x72xbf16>
    %get3A_160 = arith.constant 0 : index
    %get3A_161 = arith.constant 0 : index
    %get3A_162 = vector.load %arg3[%get3A_160, %get3A_161] : memref<72x8192xf32, #tpu.memory_space<vmem>>, vector<72x8192xf32>
    %convert_element_type3A_163 = arith.truncf %get3A_162 : vector<72x8192xf32> to vector<72x8192xbf16>
    %dot_general3A_164 = arith.constant dense<0.000000e+00> : vector<49x8192xf32>
    %dot_general3A_165 = tpu.matmul %get3A_159, %convert_element_type3A_163, %dot_general3A_164 {dimension_numbers = #tpu.dot_dimension_numbers<[1], [0], [0], [1], [0, 0, 1, 1], [], []>, transpose_lhs_hint = false} : vector<49x72xbf16>, vector<72x8192xbf16>, vector<49x8192xf32> -> vector<49x8192xf32>
    %get3A_166 = arith.constant 0 : index
    %get3A_167 = arith.constant 0 : index
    %get3A_168 = vector.load %arg4[%get3A_166, %get3A_167] : memref<1x8192xf32, #tpu.memory_space<vmem>>, vector<1x8192xf32>
    %add3A_169 = vector.broadcast %get3A_168 : vector<1x8192xf32> to vector<49x8192xf32>
    %add3A_170 = arith.addf %dot_general3A_165, %add3A_169 : vector<49x8192xf32>
    %get3A_171 = arith.constant 196 : index
    %get3A_172 = arith.constant 0 : index
    %get3A_173 = vector.load %arg5[%get3A_171, %get3A_172] : memref<392x1xi32, #tpu.memory_space<vmem>>, vector<49x1xi32>
    %eq3A_174 = vector.broadcast %get3A_173 : vector<49x1xi32> to vector<49x8192xi32>
    %eq3A_175 = arith.cmpi eq, %add3A_5, %eq3A_174 : vector<49x8192xi32>
    %convert_element_type3A_176 = arith.extui %eq3A_175 : vector<49x8192xi1> to vector<49x8192xi32>
    %convert_element_type3A_177 = arith.sitofp %convert_element_type3A_176 : vector<49x8192xi32> to vector<49x8192xf32>
    %convert_element_type3A_178 = arith.truncf %convert_element_type3A_177 : vector<49x8192xf32> to vector<49x8192xbf16>
    %dot_general3A_179 = arith.constant dense<0.000000e+00> : vector<49x8192xf32>
    %dot_general3A_180 = tpu.matmul %convert_element_type3A_2, %convert_element_type3A_178, %dot_general3A_179 {dimension_numbers = #tpu.dot_dimension_numbers<[1], [0], [0], [1], [0, 0, 1, 1], [], []>, transpose_lhs_hint = false} : vector<49x49xbf16>, vector<49x8192xbf16>, vector<49x8192xf32> -> vector<49x8192xf32>
    %gt3A_181 = arith.constant 5.000000e-01 : f32
    %gt3A_182 = vector.broadcast %gt3A_181 : f32 to vector<49x8192xf32>
    %gt3A_183 = arith.cmpf ogt, %dot_general3A_180, %gt3A_182 : vector<49x8192xf32>
    %eq3A_184 = arith.constant 0 : i32
    %eq3A_185 = vector.broadcast %eq3A_184 : i32 to vector<49x8192xi32>
    %eq3A_186 = arith.cmpi eq, %add3A_5, %eq3A_185 : vector<49x8192xi32>
    %or3A_187 = arith.ori %gt3A_183, %eq3A_186 : vector<49x8192xi1>
    %jit3A_188 = arith.constant -1.000000e+03 : f32
    %jit3A_189 = arith.constant 0.000000e+00 : f32
    %broadcast_in_dim3A_190 = vector.broadcast %jit3A_188 : f32 to vector<49x8192xf32>
    %broadcast_in_dim3A_191 = vector.broadcast %jit3A_189 : f32 to vector<49x8192xf32>
    %select_n3A_192 = arith.select %or3A_187, %broadcast_in_dim3A_190, %broadcast_in_dim3A_191 : vector<49x8192xi1>, vector<49x8192xf32>
    %add3A_193 = arith.addf %add3A_170, %select_n3A_192 : vector<49x8192xf32>
    %swap3A_194 = arith.constant 196 : index
    %swap3A_195 = arith.constant 0 : index
    %swap3A_196 = vector.load %arg6[%swap3A_194, %swap3A_195] : memref<392x8192xf32, #tpu.memory_space<vmem>>, vector<49x8192xf32>
    tpu.vector_store %arg6[%swap3A_194, %swap3A_195], %add3A_193 {strides = array<i32>} : memref<392x8192xf32, #tpu.memory_space<vmem>>, vector<49x8192xf32>,
    %get3A_197 = arith.constant 245 : index
    %get3A_198 = arith.constant 0 : index
    %get3A_199 = vector.load %arg2[%get3A_197, %get3A_198] : memref<392x72xbf16, #tpu.memory_space<vmem>>, vector<49x72xbf16>
    %get3A_200 = arith.constant 0 : index
    %get3A_201 = arith.constant 0 : index
    %get3A_202 = vector.load %arg3[%get3A_200, %get3A_201] : memref<72x8192xf32, #tpu.memory_space<vmem>>, vector<72x8192xf32>
    %convert_element_type3A_203 = arith.truncf %get3A_202 : vector<72x8192xf32> to vector<72x8192xbf16>
    %dot_general3A_204 = arith.constant dense<0.000000e+00> : vector<49x8192xf32>
    %dot_general3A_205 = tpu.matmul %get3A_199, %convert_element_type3A_203, %dot_general3A_204 {dimension_numbers = #tpu.dot_dimension_numbers<[1], [0], [0], [1], [0, 0, 1, 1], [], []>, transpose_lhs_hint = false} : vector<49x72xbf16>, vector<72x8192xbf16>, vector<49x8192xf32> -> vector<49x8192xf32>
    %get3A_206 = arith.constant 0 : index
    %get3A_207 = arith.constant 0 : index
    %get3A_208 = vector.load %arg4[%get3A_206, %get3A_207] : memref<1x8192xf32, #tpu.memory_space<vmem>>, vector<1x8192xf32>
    %add3A_209 = vector.broadcast %get3A_208 : vector<1x8192xf32> to vector<49x8192xf32>
    %add3A_210 = arith.addf %dot_general3A_205, %add3A_209 : vector<49x8192xf32>
    %get3A_211 = arith.constant 245 : index
    %get3A_212 = arith.constant 0 : index
    %get3A_213 = vector.load %arg5[%get3A_211, %get3A_212] : memref<392x1xi32, #tpu.memory_space<vmem>>, vector<49x1xi32>
    %eq3A_214 = vector.broadcast %get3A_213 : vector<49x1xi32> to vector<49x8192xi32>
    %eq3A_215 = arith.cmpi eq, %add3A_5, %eq3A_214 : vector<49x8192xi32>
    %convert_element_type3A_216 = arith.extui %eq3A_215 : vector<49x8192xi1> to vector<49x8192xi32>
    %convert_element_type3A_217 = arith.sitofp %convert_element_type3A_216 : vector<49x8192xi32> to vector<49x8192xf32>
    %convert_element_type3A_218 = arith.truncf %convert_element_type3A_217 : vector<49x8192xf32> to vector<49x8192xbf16>
    %dot_general3A_219 = arith.constant dense<0.000000e+00> : vector<49x8192xf32>
    %dot_general3A_220 = tpu.matmul %convert_element_type3A_2, %convert_element_type3A_218, %dot_general3A_219 {dimension_numbers = #tpu.dot_dimension_numbers<[1], [0], [0], [1], [0, 0, 1, 1], [], []>, transpose_lhs_hint = false} : vector<49x49xbf16>, vector<49x8192xbf16>, vector<49x8192xf32> -> vector<49x8192xf32>
    %gt3A_221 = arith.constant 5.000000e-01 : f32
    %gt3A_222 = vector.broadcast %gt3A_221 : f32 to vector<49x8192xf32>
    %gt3A_223 = arith.cmpf ogt, %dot_general3A_220, %gt3A_222 : vector<49x8192xf32>
    %eq3A_224 = arith.constant 0 : i32
    %eq3A_225 = vector.broadcast %eq3A_224 : i32 to vector<49x8192xi32>
    %eq3A_226 = arith.cmpi eq, %add3A_5, %eq3A_225 : vector<49x8192xi32>
    %or3A_227 = arith.ori %gt3A_223, %eq3A_226 : vector<49x8192xi1>
    %jit3A_228 = arith.constant -1.000000e+03 : f32
    %jit3A_229 = arith.constant 0.000000e+00 : f32
    %broadcast_in_dim3A_230 = vector.broadcast %jit3A_228 : f32 to vector<49x8192xf32>
    %broadcast_in_dim3A_231 = vector.broadcast %jit3A_229 : f32 to vector<49x8192xf32>
    %select_n3A_232 = arith.select %or3A_227, %broadcast_in_dim3A_230, %broadcast_in_dim3A_231 : vector<49x8192xi1>, vector<49x8192xf32>
    %add3A_233 = arith.addf %add3A_210, %select_n3A_232 : vector<49x8192xf32>
    %swap3A_234 = arith.constant 245 : index
    %swap3A_235 = arith.constant 0 : index
    %swap3A_236 = vector.load %arg6[%swap3A_234, %swap3A_235] : memref<392x8192xf32, #tpu.memory_space<vmem>>, vector<49x8192xf32>
    tpu.vector_store %arg6[%swap3A_234, %swap3A_235], %add3A_233 {strides = array<i32>} : memref<392x8192xf32, #tpu.memory_space<vmem>>, vector<49x8192xf32>,
    %get3A_237 = arith.constant 294 : index
    %get3A_238 = arith.constant 0 : index
    %get3A_239 = vector.load %arg2[%get3A_237, %get3A_238] : memref<392x72xbf16, #tpu.memory_space<vmem>>, vector<49x72xbf16>
    %get3A_240 = arith.constant 0 : index
    %get3A_241 = arith.constant 0 : index
    %get3A_242 = vector.load %arg3[%get3A_240, %get3A_241] : memref<72x8192xf32, #tpu.memory_space<vmem>>, vector<72x8192xf32>
    %convert_element_type3A_243 = arith.truncf %get3A_242 : vector<72x8192xf32> to vector<72x8192xbf16>
    %dot_general3A_244 = arith.constant dense<0.000000e+00> : vector<49x8192xf32>
    %dot_general3A_245 = tpu.matmul %get3A_239, %convert_element_type3A_243, %dot_general3A_244 {dimension_numbers = #tpu.dot_dimension_numbers<[1], [0], [0], [1], [0, 0, 1, 1], [], []>, transpose_lhs_hint = false} : vector<49x72xbf16>, vector<72x8192xbf16>, vector<49x8192xf32> -> vector<49x8192xf32>
    %get3A_246 = arith.constant 0 : index
    %get3A_247 = arith.constant 0 : index
    %get3A_248 = vector.load %arg4[%get3A_246, %get3A_247] : memref<1x8192xf32, #tpu.memory_space<vmem>>, vector<1x8192xf32>
    %add3A_249 = vector.broadcast %get3A_248 : vector<1x8192xf32> to vector<49x8192xf32>
    %add3A_250 = arith.addf %dot_general3A_245, %add3A_249 : vector<49x8192xf32>
    %get3A_251 = arith.constant 294 : index
    %get3A_252 = arith.constant 0 : index
    %get3A_253 = vector.load %arg5[%get3A_251, %get3A_252] : memref<392x1xi32, #tpu.memory_space<vmem>>, vector<49x1xi32>
    %eq3A_254 = vector.broadcast %get3A_253 : vector<49x1xi32> to vector<49x8192xi32>
    %eq3A_255 = arith.cmpi eq, %add3A_5, %eq3A_254 : vector<49x8192xi32>
    %convert_element_type3A_256 = arith.extui %eq3A_255 : vector<49x8192xi1> to vector<49x8192xi32>
    %convert_element_type3A_257 = arith.sitofp %convert_element_type3A_256 : vector<49x8192xi32> to vector<49x8192xf32>
    %convert_element_type3A_258 = arith.truncf %convert_element_type3A_257 : vector<49x8192xf32> to vector<49x8192xbf16>
    %dot_general3A_259 = arith.constant dense<0.000000e+00> : vector<49x8192xf32>
    %dot_general3A_260 = tpu.matmul %convert_element_type3A_2, %convert_element_type3A_258, %dot_general3A_259 {dimension_numbers = #tpu.dot_dimension_numbers<[1], [0], [0], [1], [0, 0, 1, 1], [], []>, transpose_lhs_hint = false} : vector<49x49xbf16>, vector<49x8192xbf16>, vector<49x8192xf32> -> vector<49x8192xf32>
    %gt3A_261 = arith.constant 5.000000e-01 : f32
    %gt3A_262 = vector.broadcast %gt3A_261 : f32 to vector<49x8192xf32>
    %gt3A_263 = arith.cmpf ogt, %dot_general3A_260, %gt3A_262 : vector<49x8192xf32>
    %eq3A_264 = arith.constant 0 : i32
    %eq3A_265 = vector.broadcast %eq3A_264 : i32 to vector<49x8192xi32>
    %eq3A_266 = arith.cmpi eq, %add3A_5, %eq3A_265 : vector<49x8192xi32>
    %or3A_267 = arith.ori %gt3A_263, %eq3A_266 : vector<49x8192xi1>
    %jit3A_268 = arith.constant -1.000000e+03 : f32
    %jit3A_269 = arith.constant 0.000000e+00 : f32
    %broadcast_in_dim3A_270 = vector.broadcast %jit3A_268 : f32 to vector<49x8192xf32>
    %broadcast_in_dim3A_271 = vector.broadcast %jit3A_269 : f32 to vector<49x8192xf32>
    %select_n3A_272 = arith.select %or3A_267, %broadcast_in_dim3A_270, %broadcast_in_dim3A_271 : vector<49x8192xi1>, vector<49x8192xf32>
    %add3A_273 = arith.addf %add3A_250, %select_n3A_272 : vector<49x8192xf32>
    %swap3A_274 = arith.constant 294 : index
    %swap3A_275 = arith.constant 0 : index
    %swap3A_276 = vector.load %arg6[%swap3A_274, %swap3A_275] : memref<392x8192xf32, #tpu.memory_space<vmem>>, vector<49x8192xf32>
    tpu.vector_store %arg6[%swap3A_274, %swap3A_275], %add3A_273 {strides = array<i32>} : memref<392x8192xf32, #tpu.memory_space<vmem>>, vector<49x8192xf32>,
    %get3A_277 = arith.constant 343 : index
    %get3A_278 = arith.constant 0 : index
    %get3A_279 = vector.load %arg2[%get3A_277, %get3A_278] : memref<392x72xbf16, #tpu.memory_space<vmem>>, vector<49x72xbf16>
    %get3A_280 = arith.constant 0 : index
    %get3A_281 = arith.constant 0 : index
    %get3A_282 = vector.load %arg3[%get3A_280, %get3A_281] : memref<72x8192xf32, #tpu.memory_space<vmem>>, vector<72x8192xf32>
    %convert_element_type3A_283 = arith.truncf %get3A_282 : vector<72x8192xf32> to vector<72x8192xbf16>
    %dot_general3A_284 = arith.constant dense<0.000000e+00> : vector<49x8192xf32>
    %dot_general3A_285 = tpu.matmul %get3A_279, %convert_element_type3A_283, %dot_general3A_284 {dimension_numbers = #tpu.dot_dimension_numbers<[1], [0], [0], [1], [0, 0, 1, 1], [], []>, transpose_lhs_hint = false} : vector<49x72xbf16>, vector<72x8192xbf16>, vector<49x8192xf32> -> vector<49x8192xf32>
    %get3A_286 = arith.constant 0 : index
    %get3A_287 = arith.constant 0 : index
    %get3A_288 = vector.load %arg4[%get3A_286, %get3A_287] : memref<1x8192xf32, #tpu.memory_space<vmem>>, vector<1x8192xf32>
    %add3A_289 = vector.broadcast %get3A_288 : vector<1x8192xf32> to vector<49x8192xf32>
    %add3A_290 = arith.addf %dot_general3A_285, %add3A_289 : vector<49x8192xf32>
    %get3A_291 = arith.constant 343 : index
    %get3A_292 = arith.constant 0 : index
    %get3A_293 = vector.load %arg5[%get3A_291, %get3A_292] : memref<392x1xi32, #tpu.memory_space<vmem>>, vector<49x1xi32>
    %eq3A_294 = vector.broadcast %get3A_293 : vector<49x1xi32> to vector<49x8192xi32>
    %eq3A_295 = arith.cmpi eq, %add3A_5, %eq3A_294 : vector<49x8192xi32>
    %convert_element_type3A_296 = arith.extui %eq3A_295 : vector<49x8192xi1> to vector<49x8192xi32>
    %convert_element_type3A_297 = arith.sitofp %convert_element_type3A_296 : vector<49x8192xi32> to vector<49x8192xf32>
    %convert_element_type3A_298 = arith.truncf %convert_element_type3A_297 : vector<49x8192xf32> to vector<49x8192xbf16>
    %dot_general3A_299 = arith.constant dense<0.000000e+00> : vector<49x8192xf32>
    %dot_general3A_300 = tpu.matmul %convert_element_type3A_2, %convert_element_type3A_298, %dot_general3A_299 {dimension_numbers = #tpu.dot_dimension_numbers<[1], [0], [0], [1], [0, 0, 1, 1], [], []>, transpose_lhs_hint = false} : vector<49x49xbf16>, vector<49x8192xbf16>, vector<49x8192xf32> -> vector<49x8192xf32>
    %gt3A_301 = arith.constant 5.000000e-01 : f32
    %gt3A_302 = vector.broadcast %gt3A_301 : f32 to vector<49x8192xf32>
    %gt3A_303 = arith.cmpf ogt, %dot_general3A_300, %gt3A_302 : vector<49x8192xf32>
    %eq3A_304 = arith.constant 0 : i32
    %eq3A_305 = vector.broadcast %eq3A_304 : i32 to vector<49x8192xi32>
    %eq3A_306 = arith.cmpi eq, %add3A_5, %eq3A_305 : vector<49x8192xi32>
    %or3A_307 = arith.ori %gt3A_303, %eq3A_306 : vector<49x8192xi1>
    %jit3A_308 = arith.constant -1.000000e+03 : f32
    %jit3A_309 = arith.constant 0.000000e+00 : f32
    %broadcast_in_dim3A_310 = vector.broadcast %jit3A_308 : f32 to vector<49x8192xf32>
    %broadcast_in_dim3A_311 = vector.broadcast %jit3A_309 : f32 to vector<49x8192xf32>
    %select_n3A_312 = arith.select %or3A_307, %broadcast_in_dim3A_310, %broadcast_in_dim3A_311 : vector<49x8192xi1>, vector<49x8192xf32>
    %add3A_313 = arith.addf %add3A_290, %select_n3A_312 : vector<49x8192xf32>
    %swap3A_314 = arith.constant 343 : index
    %swap3A_315 = arith.constant 0 : index
    %swap3A_316 = vector.load %arg6[%swap3A_314, %swap3A_315] : memref<392x8192xf32, #tpu.memory_space<vmem>>, vector<49x8192xf32>
    tpu.vector_store %arg6[%swap3A_314, %swap3A_315], %add3A_313 {strides = array<i32>} : memref<392x8192xf32, #tpu.memory_space<vmem>>, vector<49x8192xf32>,
    return
  }
  func.func @transform_0(%arg0: i32, %arg1: i32) -> (i32, i32) {
    %c0_i32 = arith.constant 0 : i32
    %c0_i32_0 = arith.constant 0 : i32
    return %arg1, %c0_i32 : i32, i32
  }
  func.func @transform_1(%arg0: i32, %arg1: i32) -> (i32, i32) {
    %c0_i32 = arith.constant 0 : i32
    %c0_i32_0 = arith.constant 0 : i32
    return %c0_i32, %arg0 : i32, i32
  }
  func.func @transform_2(%arg0: i32, %arg1: i32) -> (i32, i32) {
    %c0_i32 = arith.constant 0 : i32
    %c0_i32_0 = arith.constant 0 : i32
    return %c0_i32, %arg0 : i32, i32
  }
  func.func @transform_3(%arg0: i32, %arg1: i32) -> (i32, i32) {
    %c0_i32 = arith.constant 0 : i32
    %c0_i32_0 = arith.constant 0 : i32
    return %arg1, %c0_i32 : i32, i32
  }
  func.func @transform_4(%arg0: i32, %arg1: i32) -> (i32, i32) {
    %c0_i32 = arith.constant 0 : i32
    return %arg1, %arg0 : i32, i32
  }
}

</mosaic_0001>

<sc_bundles>
// kernel: kernel.5.cloned.1.call-start
scs
__scs_entry_jumppad:
0x0: {  	(pc) =	sbr.rel $0x88, $3  }
0x1: {  	(tag) =	ssettag $0x0;
	lr =	simm.s32 $0x1  }
0x2: {  	[smem:$0x3F8D] =	sst lr;
	_ =	strace $0xD0000000  }
0x3: {  	_ = 	snop  }
0x4: {  	_ = 	snop  }
0x5: {  	_ = 	snop  }
0x6: {  	_ = 	snop  }
0x7: {  	_ = 	snop  }
__scs_overlays_trampoline_lowered:
0x8: {  	[smem:$0x3F9C] =	sst s0  }
0x9: {  	[smem:$0x3F9D] =	sst s1  }
0xa: {  	[smem:$0x3F9E] =	sst s2  }
0xb: {  	[smem:$0x3F9F] =	sst s3  }
0xc: {  	[smem:$0x3FA0] =	sst s4  }
0xd: {  	[smem:$0x3FA1] =	sst s5  }
0xe: {  	[smem:$0x3FA2] =	sst s6  }
0xf: {  	[smem:$0x3FA3] =	sst s7  }
0x10: {  	[smem:$0x3FA4] =	sst s8  }
0x11: {  	[smem:$0x3FA5] =	sst s9;
	s0 =	simm.s32 @!p0 $0x0  }
0x12: {  	s1 =	sld [smem:$0x3F8B];
	s0 =	simm.s32 @p0 $0x1  }
0x13: {  	[smem:$0x3FA6] =	sst s0;
	s0 =	simm.s32 @!p1 $0x0  }
0x14: {  	s2 =	sld [smem:$0x3F8A];
	s0 =	simm.s32 @p1 $0x1  }
0x15: {  	[smem:$0x3FA7] =	sst s0;
	s0 =	simm.s32 @!p2 $0x0  }
0x16: {  	s3 =	sld [smem:$0x3FDB];
	s0 =	simm.s32 @p2 $0x1  }
0x17: {  	s4 =	simm.s32 $0x1BF5;
	[smem:$0x3FA9] =	sst s0  }
0x18: {  	s0 =	sld [smem:$0x3F8C];
	_ =	swait.ge [sflag:s4], $0x0  }
0x19: {  	s7 =	sld [smem:$0x3F8D]  }
0x1a: {  	s8 =	sadd.s32 $0xFFFFE003, lr  }
0x1b: {  	s9 =	sadd.s32 $0xFFFFFEF7, lr;
	s5 =	simm.s32 $0xFFFFFFFF;
	p2 =	slt.u32 s8, $0xFFFFF086  }
0x1c: {  	p1 =	slt.u32 s9, $0xF7A;
	s5 =	simm.s32 @!p2 $0x0  }
0x1d: {  	s5 =	simm.s32 @p1 $0x1;
	p0 =	seq.s32 s7, s2  }
0x1e: {  	s7 =	smul.u32 @!p0 $0xF7A, s2;
	p2 =	seq.s32 @!p0 s5, $0x0  }
0x1f: {  	s9 =	smul.u32 $0xF7A, s1;
	s8 =	simm.s32 @!p0 $0x1BF5;
	p2 =	por !p2, p0  }
0x20: {  	[sflag:s8] =	ssyncset.s32 @!p0 $0xFFFFF086;
	s6 =	sadd.s32 @!p0 s3, s7;
	s7 =	simm.s32 @!p0 $0x108  }
0x21: {  	s3 =	sadd.s32 s3, s9;
	s6 =	sadd.s32 @!p0 $0x88, s6;
	s7 =	simm.s32 @p2 $0x1082  }
0x22: {  	[simem:s7], [sflag:s8] =	dma.local @!p0 [hbm:s6], $0xF7A  }
0x23: {  	s9 =	sor.u32 $0xD0000000, s2;
	s6 =	simm.s32 $0x108;
	_ =	swait.ge @!p0 [sflag:s8], $0x0  }
0x24: {  	s3 =	sadd.s32 $0x88, s3;
	s6 =	simm.s32 @!p1 $0x1082;
	[sflag:s4] =	ssyncset.s32 $0xFFFFF086  }
0x25: {  	[simem:s6], [sflag:s4] =	dma.local [hbm:s3], $0xF7A  }
0x26: {  	[smem:$0x3F8D] =	sst s1;
	(tag) =	ssettag s2;
	_ =	strace s9  }
0x27: {  	s1 =	sld [smem:$0x3F9D]  }
0x28: {  	s2 =	sld [smem:$0x3F9E]  }
0x29: {  	s4 =	sld [smem:$0x3FA0]  }
0x2a: {  	p0 =	seq.s32 s5, $0x0;
	s5 =	sld [smem:$0x3FA1]  }
0x2b: {  	s6 =	sld [smem:$0x3FA2]  }
0x2c: {  	s7 =	sld [smem:$0x3FA3]  }
0x2d: {  	s3 =	simm.s32 $0x108;
	s8 =	sld [smem:$0x3FA4]  }
0x2e: {  	s3 =	simm.s32 @!p0 $0x1082;
	s9 =	sld [smem:$0x3FA5]  }
0x2f: {  	lr =	sadd.s32 s0, s3;
	s0 =	sld [smem:$0x3F9C]  }
0x30: {  	s3 =	sld [smem:$0x3F9F]  }
0x31: {  	[smem:$0x3FA8] =	sst s10  }
0x32: {  	s10 =	sld [smem:$0x3FA6];
	_ =	sdelay $0x3  }
0x33: {  	p0 =	seq.s32 s10, $0x1;
	s10 =	sld [smem:$0x3FA8];
	_ =	sdelay $0x3  }
0x34: {  	[smem:$0x3FA8] =	sst s10  }
0x35: {  	s10 =	sld [smem:$0x3FA7];
	_ =	sdelay $0x3  }
0x36: {  	p1 =	seq.s32 s10, $0x1;
	s10 =	sld [smem:$0x3FA8];
	_ =	sdelay $0x3  }
0x37: {  	[smem:$0x3FA8] =	sst s10  }
0x38: {  	s10 =	sld [smem:$0x3FA9]  }
0x39: {  	_ = 	snop;
	(pc) =	sbr.ind lr, $3  }
0x3a: {  	_ = 	snop  }
0x3b: {  	_ = 	snop  }
0x3c: {  	p2 =	seq.s32 s10, $0x1;
	s10 =	sld [smem:$0x3FA8]  }
0x3d: {  	_ =	shalt  }
0x3e: {  	_ =	shalt  }
0x3f: {  	_ =	shalt  }
0x40: {  	_ =	shalt  }
0x41: {  	_ =	shalt  }
0x42: {  	_ =	shalt  }
0x43: {  	_ =	shalt  }
0x44: {  	_ =	shalt  }
0x45: {  	_ =	shalt  }
0x46: {  	_ =	shalt  }
0x47: {  	_ =	shalt  }
0x48: {  	_ =	shalt  }
0x49: {  	_ =	shalt  }
0x4a: {  	_ =	shalt  }
0x4b: {  	_ =	shalt  }
0x4c: {  	_ =	shalt  }
0x4d: {  	_ =	shalt  }
0x4e: {  	_ =	shalt  }
0x4f: {  	_ =	shalt  }
0x50: {  	_ =	shalt  }
0x51: {  	_ =	shalt  }
0x52: {  	_ =	shalt  }
0x53: {  	_ =	shalt  }
0x54: {  	_ =	shalt  }
0x55: {  	_ =	shalt  }
0x56: {  	_ =	shalt  }
0x57: {  	_ =	shalt  }
0x58: {  	_ =	shalt  }
0x59: {  	_ =	shalt  }
0x5a: {  	_ =	shalt  }
0x5b: {  	_ =	shalt  }
0x5c: {  	_ =	shalt  }
0x5d: {  	_ =	shalt  }
0x5e: {  	_ =	shalt  }
0x5f: {  	_ =	shalt  }
0x60: {  	_ =	shalt  }
0x61: {  	_ =	shalt  }
0x62: {  	_ =	shalt  }
0x63: {  	_ =	shalt  }
0x64: {  	_ =	shalt  }
0x65: {  	_ =	shalt  }
0x66: {  	_ =	shalt  }
0x67: {  	_ =	shalt  }
0x68: {  	_ =	shalt  }
0x69: {  	_ =	shalt  }
0x6a: {  	_ =	shalt  }
0x6b: {  	_ =	shalt  }
0x6c: {  	_ =	shalt  }
0x6d: {  	_ =	shalt  }
0x6e: {  	_ =	shalt  }
0x6f: {  	_ =	shalt  }
0x70: {  	_ =	shalt  }
0x71: {  	_ =	shalt  }
0x72: {  	_ =	shalt  }
0x73: {  	_ =	shalt  }
0x74: {  	_ =	shalt  }
0x75: {  	_ =	shalt  }
0x76: {  	_ =	shalt  }
0x77: {  	_ =	shalt  }
0x78: {  	_ =	shalt  }
0x79: {  	_ =	shalt  }
0x7a: {  	_ =	shalt  }
0x7b: {  	_ =	shalt  }
0x7c: {  	_ =	shalt  }
0x7d: {  	_ =	shalt  }
0x7e: {  	_ =	shalt  }
0x7f: {  	_ =	shalt  }
0x80: {  	_ =	shalt  }
0x81: {  	_ =	shalt  }
0x82: {  	_ =	shalt  }
0x83: {  	_ =	shalt  }
0x84: {  	_ =	shalt  }
0x85: {  	_ =	shalt  }
0x86: {  	_ =	shalt  }
0x87: {  	_ =	shalt  }
.Lfunc_end0:
.L_simem_size_0:
called_computation_lowered:
.L_overlay_start_0:
0x88: {  	s2 =	sld [smem:$0x3FD9]  }
0x89: {  	s3 =	sld [smem:$0x3FFE];
	_ =	sdelay $0x1  }
0x8a: {  	s1 =	srdreg.scid  }
0x8b: {  	s0 =	sand.u32 $0x1, s1  }
0x8c: {  	s17 =	sshll.u32 s0, $0xA;
	s2 =	sadd.s32 s3, s2  }
0x8d: {  	s2 =	sadd.s32 s2, s17  }
0x8e: {  	[smem:$0x3FB4] =	sst s2  }
0x8f: {  	_ = 	snop  }
0x90: {  	s2 =	sld [smem:$0x3FD0];
	(tm) =	ssettm $0x1  }
0x91: {  	s18 =	sld [smem:$0x3FFB];
	_ =	sdelay $0x3  }
0x92: {  	_ =	strace s18  }
0x93: {  	s3 =	sld [smem:$0x3FFC];
	_ =	sdelay $0x3  }
0x94: {  	_ =	strace s3  }
0x95: {  	s3 =	sld [smem:$0x3FFD];
	_ =	sdelay $0x3  }
0x96: {  	_ =	strace s3  }
0x97: {  	_ =	strace $0x8FFFFFFF  }
0x98: {  	s19 =	sld [smem:$0x3FDB];
	_ =	sdelay $0x1  }
0x99: {  	s4 =	simm.s32 $_scs_section_size  }
0x9a: {  	s5 =	simm.s32 $_size__tile_overlayer_lowered;
	s6 =	simm.s32 $_tile_overlayer_lowered  }
0x9b: {  	s22 =	simm.s32 $0x1BFF;
	s21 =	sshll.u32 s6, $0x1;
	s3 =	sadd.s32 s4, s19  }
0x9c: {  	s7 =	simm.s32 $0x0;
	s20 =	sshll.u32 s5, $0x1;
	s5 =	sadd.s32 s21, s3  }
0x9d: {  	[timem:s7], [sflag:s22] =	dma.local [hbm:s5], s20  }
0x9e: {  	_ =	swait.ge [sflag:s22], s20  }
0x9f: {  	s4 =	ssub.s32 $0x0, s20;
	[sflag:s22] =	ssyncset.done $0x0  }
0xa0: {  	[sflag:s22] =	ssyncadd.s32 s4;
	_ =	sdelay $0x1  }
0xa1: {  	s23 =	simm.s32 $0x1B8B  }
0xa2: {  	_ =	swait.ge [sflag:s23], $0x1  }
0xa3: {  	[sflag:s23] =	ssyncset.done $0x0  }
0xa4: {  	s25 =	simm.s32 $0x1B8E;
	s24 =	sld [smem:$0x3FFE];
	[sflag:s23] =	ssyncadd.s32 $0xFFFFFFFF  }
0xa5: {  	s26 =	simm.s32 $execute0_lowered;
	[smem:$0x3FD2] =	sst s25  }
0xa6: {  	s5 =	sshll.u32 s26, $0x1;
	_ =	strace $0x80000046;
	[dreg:$0x1] =	wrdreg $0xFFFFFFFF  }
0xa7: {  	s28 =	simm.s32 $_size_execute0_lowered;
	s3 =	sadd.s32 s3, s5;
	[dreg:$0x0] =	wrdreg $0x0  }
0xa8: {  	s5 =	sshll.u32 s28, $0x1;
	[dreg:$0x2] =	wrdreg s3  }
0xa9: {  	[dreg:$0x3] =	wrdreg s5  }
0xaa: {  	[dreg:$0x4] =	wrdreg $0xC0  }
0xab: {  	_ =	task [dreg:s7], $0x5FFFF  }
0xac: {  	[dreg:$0x1] =	wrdreg $0xFFFFFFFF  }
0xad: {  	[dreg:$0x0] =	wrdreg $0x60  }
0xae: {  	[dreg:$0x2] =	wrdreg s2  }
0xaf: {  	[dreg:$0x3] =	wrdreg s24  }
0xb0: {  	[dreg:$0x4] =	wrdreg $0x9  }
0xb1: {  	_ =	task.clear_ibuf [dreg:s7], $0x5FFFF;
	_ =	strace $0x90000046  }
0xb2: {  	s29 =	simm.s32 $0x9;
	_ =	strace $0x80000048  }
0xb3: {  	_ =	swait.ge [sflag:s29], $0x1  }
0xb4: {  	[sflag:s29] =	ssyncadd.s32 $0xFFFFFFFF  }
0xb5: {  	_ =	strace $0x90000048  }
0xb6: {  	_ =	sfence  }
0xb7: {  	s30 =	sld [smem:$0x0];
	_ =	sdelay $0x2  }
0xb8: {  	s31 =	sshll.u32 s1, $0xD;
	s1 =	sshrl.u32 s1, $0x2  }
0xb9: {  	s3 =	sand.u32 $0x4000, s31;
	s1 =	sadd.s32 s1, s30  }
0xba: {  	s0 =	sor.u32 s3, s0;
	s1 =	sshll.u32 s1, $0x11  }
0xbb: {  	s0 =	sor.u32 s1, s0  }
0xbc: {  	s0 =	sadd.s32 $0x8F2B, s0  }
0xbd: {  	[sflag:s0] =	ssyncadd.remote.s32 $0x1  }
0xbe: {  	_ =	sfence.sel $0xFFFF  }
0xbf: {  	[dreg:$0x0] =	wrdreg $0xFFFFFFFF;
	(pc) =	sbr.abs _section_cstart, $3  }
0xc0: {  	[dreg:$0x1] =	wrdreg $0xFFFFFFFF  }
0xc1: {  	_ =	task.clear_ibuf [dreg:s7], $0x2FFFF;
	_ =	strace $0x9FFFFFFF  }
0xc2: {  	(tm) =	ssettm $0x7FFFFFFF  }
0xc3: {  	_ =	shalt  }
tec
execute0_lowered:
.L_overlay_start_1:
0x0: {  	(tag) =	ssettag $0x1  }
0x1: {  	s1 =	srdreg.scid  }
0x2: {  	s0 =	stileid.u32;
	s21 =	sand.u32 $0x1, s1  }
0x3: {  	s2 =	rddreg [dreg:$0x0];
	s31 =	sshll.u32 s0, $0x6;
	s3 =	sshll.u32 s21, $0x5  }
0x4: {  	s22 =	rddreg [dreg:$0x1];
	s8 =	sor.u32 s3, s31  }
0x5: {  	s1 =	rddreg [dreg:$0x2];
	s3 =	simm.s32 $0x0;
	s4 =	sshrl.u32 s8, $0x3  }
0x6: {  	[smem:$0x7FF] =	sst s3;
	s4 =	sadd.s32 s4, s22  }
0x7: {  	_ =	strace $0x80000047;
	s5 =	sadd.s32 $0x2E00, s4;
	s4 =	simm.s32 $0x2  }
0x8: {  	[tilespmem:s3], [sflag:$0x2] =	stream.linear.gather [hbm4b:s5+s3], $0x20, $0x38;
	[tilespmem:$0x820] =	vst v63  }
0x9: {  	_ =	swait.ge [sflag:s4], $0x20  }
0xa: {  	[sflag:s4] =	ssyncset.done $0x0  }
0xb: {  	s6 =	simm.s32 $0x20;
	s7 =	simm.s32 $0x1;
	[sflag:s4] =	ssyncadd.s32 $0xFFFFFFE0  }
0xc: {  	[tilespmem:s6], [sflag:$0x1] =	stream.indirect.gather [hbm4b:s2+s6], $0x40, s3, s6, $0xb8;
	[tilespmem:$0x820] =	vst v63  }
0xd: {  	s23 =	sshll.u32 s8, $0x3;
	_ =	swait.ge [sflag:s7], $0x800  }
0xe: {  	s8 =	sadd.s32 s23, s22;
	[sflag:s7] =	ssyncset.done $0x0  }
0xf: {  	s8 =	sadd.s32 $0x3000, s8;
	[sflag:s7] =	ssyncadd.s32 $0xFFFFF800  }
0x10: {  	[hbm4b:s8+s3] =	stream.linear.scatter [tilespmem:s6], [sflag:$0x2], $0x800, $0x38;
	[tilespmem:$0x820] =	vst v63  }
0x11: {  	_ =	swait.ge [sflag:s4], $0x800  }
0x12: {  	[sflag:s4] =	ssyncset.done $0x0  }
0x13: {  	s9 =	sadd.s32 $0xC3500, s2;
	[sflag:s4] =	ssyncadd.s32 $0xFFFFF800  }
0x14: {  	[tilespmem:s6], [sflag:$0x1] =	stream.indirect.gather [hbm4b:s9+s6], $0x40, s3, s6, $0xb8;
	[tilespmem:$0x820] =	vst v63  }
0x15: {  	_ =	swait.ge [sflag:s7], $0x800  }
0x16: {  	s10 =	sadd.s32 $0x5000, s22;
	[sflag:s7] =	ssyncset.done $0x0  }
0x17: {  	s10 =	sadd.s32 s23, s10;
	[sflag:s7] =	ssyncadd.s32 $0xFFFFF800  }
0x18: {  	[hbm4b:s10+s3] =	stream.linear.scatter [tilespmem:s6], [sflag:$0x2], $0x800, $0x38;
	[tilespmem:$0x820] =	vst v63  }
0x19: {  	_ =	swait.ge [sflag:s4], $0x800  }
0x1a: {  	[sflag:s4] =	ssyncset.done $0x0  }
0x1b: {  	s11 =	sadd.s32 $0x186A00, s2;
	[sflag:s4] =	ssyncadd.s32 $0xFFFFF800  }
0x1c: {  	[tilespmem:s6], [sflag:$0x1] =	stream.indirect.gather [hbm4b:s11+s6], $0x40, s3, s6, $0xb8;
	[tilespmem:$0x820] =	vst v63  }
0x1d: {  	_ =	swait.ge [sflag:s7], $0x800  }
0x1e: {  	s12 =	sadd.s32 $0x7000, s22;
	[sflag:s7] =	ssyncset.done $0x0  }
0x1f: {  	s12 =	sadd.s32 s23, s12;
	[sflag:s7] =	ssyncadd.s32 $0xFFFFF800  }
0x20: {  	[hbm4b:s12+s3] =	stream.linear.scatter [tilespmem:s6], [sflag:$0x2], $0x800, $0x38;
	[tilespmem:$0x820] =	vst v63  }
0x21: {  	_ =	swait.ge [sflag:s4], $0x800  }
0x22: {  	[sflag:s4] =	ssyncset.done $0x0  }
0x23: {  	s13 =	sadd.s32 $0x249F00, s2;
	[sflag:s4] =	ssyncadd.s32 $0xFFFFF800  }
0x24: {  	[tilespmem:s6], [sflag:$0x1] =	stream.indirect.gather [hbm4b:s13+s6], $0x40, s3, s6, $0xb8;
	[tilespmem:$0x820] =	vst v63  }
0x25: {  	_ =	swait.ge [sflag:s7], $0x800  }
0x26: {  	s14 =	sadd.s32 $0x9000, s22;
	[sflag:s7] =	ssyncset.done $0x0  }
0x27: {  	s14 =	sadd.s32 s23, s14;
	[sflag:s7] =	ssyncadd.s32 $0xFFFFF800  }
0x28: {  	[hbm4b:s14+s3] =	stream.linear.scatter [tilespmem:s6], [sflag:$0x2], $0x800, $0x38;
	[tilespmem:$0x820] =	vst v63  }
0x29: {  	_ =	swait.ge [sflag:s4], $0x800  }
0x2a: {  	[sflag:s4] =	ssyncset.done $0x0  }
0x2b: {  	s15 =	sadd.s32 $0x30D400, s2;
	[sflag:s4] =	ssyncadd.s32 $0xFFFFF800  }
0x2c: {  	[tilespmem:s6], [sflag:$0x1] =	stream.indirect.gather [hbm4b:s15+s6], $0x40, s3, s6, $0xb8;
	[tilespmem:$0x820] =	vst v63  }
0x2d: {  	_ =	swait.ge [sflag:s7], $0x800  }
0x2e: {  	s16 =	sadd.s32 $0xB000, s22;
	[sflag:s7] =	ssyncset.done $0x0  }
0x2f: {  	s16 =	sadd.s32 s23, s16;
	[sflag:s7] =	ssyncadd.s32 $0xFFFFF800  }
0x30: {  	[hbm4b:s16+s3] =	stream.linear.scatter [tilespmem:s6], [sflag:$0x2], $0x800, $0x38;
	[tilespmem:$0x820] =	vst v63  }
0x31: {  	_ =	swait.ge [sflag:s4], $0x800  }
0x32: {  	[sflag:s4] =	ssyncset.done $0x0  }
0x33: {  	s17 =	sadd.s32 $0x3D0900, s2;
	[sflag:s4] =	ssyncadd.s32 $0xFFFFF800  }
0x34: {  	[tilespmem:s6], [sflag:$0x1] =	stream.indirect.gather [hbm4b:s17+s6], $0x40, s3, s6, $0xb8;
	[tilespmem:$0x820] =	vst v63  }
0x35: {  	_ =	swait.ge [sflag:s7], $0x800  }
0x36: {  	s18 =	sadd.s32 $0xD000, s22;
	[sflag:s7] =	ssyncset.done $0x0  }
0x37: {  	s18 =	sadd.s32 s23, s18;
	[sflag:s7] =	ssyncadd.s32 $0xFFFFF800  }
0x38: {  	[hbm4b:s18+s3] =	stream.linear.scatter [tilespmem:s6], [sflag:$0x2], $0x800, $0x38;
	[tilespmem:$0x820] =	vst v63  }
0x39: {  	_ =	swait.ge [sflag:s4], $0x800  }
0x3a: {  	[sflag:s4] =	ssyncset.done $0x0  }
0x3b: {  	s19 =	sadd.s32 $0x493E00, s2;
	[sflag:s4] =	ssyncadd.s32 $0xFFFFF800  }
0x3c: {  	[tilespmem:s6], [sflag:$0x1] =	stream.indirect.gather [hbm4b:s19+s6], $0x40, s3, s6, $0xb8;
	[tilespmem:$0x820] =	vst v63  }
0x3d: {  	_ =	swait.ge [sflag:s7], $0x800  }
0x3e: {  	s20 =	sadd.s32 $0xF000, s22;
	[sflag:s7] =	ssyncset.done $0x0  }
0x3f: {  	s24 =	ssub.s32 $0x2, s21;
	s20 =	sadd.s32 s23, s20;
	[sflag:s7] =	ssyncadd.s32 $0xFFFFF800  }
0x40: {  	[hbm4b:s20+s3] =	stream.linear.scatter [tilespmem:s6], [sflag:$0x2], $0x800, $0x38;
	[tilespmem:$0x820] =	vst v63  }
0x41: {  	s25 =	sshrl.u32 s24, $0x1;
	_ =	swait.ge [sflag:s4], $0x800  }
0x42: {  	s24 =	ssub.s32 s24, s25;
	[sflag:s4] =	ssyncset.done $0x0  }
0x43: {  	s21 =	sadd.s32 $0x557300, s2;
	s24 =	smax.u32 s24, $0x1;
	[sflag:s4] =	ssyncadd.s32 $0xFFFFF800  }
0x44: {  	[tilespmem:s6], [sflag:$0x1] =	stream.indirect.gather [hbm4b:s21+s6], $0x40, s3, s6, $0xb8;
	[tilespmem:$0x820] =	vst v63  }
0x45: {  	p0 =	sne.s32 s24, $0x1;
	_ =	swait.ge [sflag:s7], $0x800  }
.Ltmp0:
0x46: {  	s22 =	sadd.s32 $0x11000, s22;
	[sflag:s7] =	ssyncset.done $0x0;
	(pc) =	sbr.rel @!p0 .LBB2_2-.Ltmp0, $4  }
0x47: {  	s22 =	sadd.s32 s23, s22;
	[sflag:s7] =	ssyncadd.s32 $0xFFFFF800  }
0x48: {  	[hbm4b:s22+s3] =	stream.linear.scatter [tilespmem:s6], [sflag:$0x2], $0x800, $0x38;
	[tilespmem:$0x820] =	vst v63  }
0x49: {  	_ =	swait.ge [sflag:s4], $0x800  }
0x4a: {  	s23 =	sadd.s32 $0xFFFFFFFF, s24;
	[sflag:s4] =	ssyncset.done $0x0  }
.LBB2_1:
0x4b: {  	p0 =	sne.s32 s23, $0x1;
	s23 =	sadd.s32 $0xFFFFFFFF, s23;
	[sflag:s4] =	ssyncadd.s32 $0xFFFFF800  }
0x4c: {  	[tilespmem:s3], [sflag:$0x2] =	stream.linear.gather [hbm4b:s5+s3], $0x20, $0x38;
	[tilespmem:$0x820] =	vst v63  }
0x4d: {  	_ =	swait.ge [sflag:s4], $0x20  }
0x4e: {  	[sflag:s4] =	ssyncset.done $0x0  }
0x4f: {  	[sflag:s4] =	ssyncadd.s32 $0xFFFFFFE0  }
0x50: {  	[tilespmem:s6], [sflag:$0x1] =	stream.indirect.gather [hbm4b:s2+s6], $0x40, s3, s6, $0xb8;
	[tilespmem:$0x820] =	vst v63  }
0x51: {  	_ =	swait.ge [sflag:s7], $0x800  }
0x52: {  	[sflag:s7] =	ssyncset.done $0x0  }
0x53: {  	[sflag:s7] =	ssyncadd.s32 $0xFFFFF800  }
0x54: {  	[hbm4b:s8+s3] =	stream.linear.scatter [tilespmem:s6], [sflag:$0x2], $0x800, $0x38;
	[tilespmem:$0x820] =	vst v63  }
0x55: {  	_ =	swait.ge [sflag:s4], $0x800  }
0x56: {  	[sflag:s4] =	ssyncset.done $0x0  }
0x57: {  	[sflag:s4] =	ssyncadd.s32 $0xFFFFF800  }
0x58: {  	[tilespmem:s6], [sflag:$0x1] =	stream.indirect.gather [hbm4b:s9+s6], $0x40, s3, s6, $0xb8;
	[tilespmem:$0x820] =	vst v63  }
0x59: {  	_ =	swait.ge [sflag:s7], $0x800  }
0x5a: {  	[sflag:s7] =	ssyncset.done $0x0  }
0x5b: {  	[sflag:s7] =	ssyncadd.s32 $0xFFFFF800  }
0x5c: {  	[hbm4b:s10+s3] =	stream.linear.scatter [tilespmem:s6], [sflag:$0x2], $0x800, $0x38;
	[tilespmem:$0x820] =	vst v63  }
0x5d: {  	_ =	swait.ge [sflag:s4], $0x800  }
0x5e: {  	[sflag:s4] =	ssyncset.done $0x0  }
0x5f: {  	[sflag:s4] =	ssyncadd.s32 $0xFFFFF800  }
0x60: {  	[tilespmem:s6], [sflag:$0x1] =	stream.indirect.gather [hbm4b:s11+s6], $0x40, s3, s6, $0xb8;
	[tilespmem:$0x820] =	vst v63  }
0x61: {  	_ =	swait.ge [sflag:s7], $0x800  }
0x62: {  	[sflag:s7] =	ssyncset.done $0x0  }
0x63: {  	[sflag:s7] =	ssyncadd.s32 $0xFFFFF800  }
0x64: {  	[hbm4b:s12+s3] =	stream.linear.scatter [tilespmem:s6], [sflag:$0x2], $0x800, $0x38;
	[tilespmem:$0x820] =	vst v63  }
0x65: {  	_ =	swait.ge [sflag:s4], $0x800  }
0x66: {  	[sflag:s4] =	ssyncset.done $0x0  }
0x67: {  	[sflag:s4] =	ssyncadd.s32 $0xFFFFF800  }
0x68: {  	[tilespmem:s6], [sflag:$0x1] =	stream.indirect.gather [hbm4b:s13+s6], $0x40, s3, s6, $0xb8;
	[tilespmem:$0x820] =	vst v63  }
0x69: {  	_ =	swait.ge [sflag:s7], $0x800  }
0x6a: {  	[sflag:s7] =	ssyncset.done $0x0  }
0x6b: {  	[sflag:s7] =	ssyncadd.s32 $0xFFFFF800  }
0x6c: {  	[hbm4b:s14+s3] =	stream.linear.scatter [tilespmem:s6], [sflag:$0x2], $0x800, $0x38;
	[tilespmem:$0x820] =	vst v63  }
0x6d: {  	_ =	swait.ge [sflag:s4], $0x800  }
0x6e: {  	[sflag:s4] =	ssyncset.done $0x0  }
0x6f: {  	[sflag:s4] =	ssyncadd.s32 $0xFFFFF800  }
0x70: {  	[tilespmem:s6], [sflag:$0x1] =	stream.indirect.gather [hbm4b:s15+s6], $0x40, s3, s6, $0xb8;
	[tilespmem:$0x820] =	vst v63  }
0x71: {  	_ =	swait.ge [sflag:s7], $0x800  }
0x72: {  	[sflag:s7] =	ssyncset.done $0x0  }
0x73: {  	[sflag:s7] =	ssyncadd.s32 $0xFFFFF800  }
0x74: {  	[hbm4b:s16+s3] =	stream.linear.scatter [tilespmem:s6], [sflag:$0x2], $0x800, $0x38;
	[tilespmem:$0x820] =	vst v63  }
0x75: {  	_ =	swait.ge [sflag:s4], $0x800  }
0x76: {  	[sflag:s4] =	ssyncset.done $0x0  }
0x77: {  	[sflag:s4] =	ssyncadd.s32 $0xFFFFF800  }
0x78: {  	[tilespmem:s6], [sflag:$0x1] =	stream.indirect.gather [hbm4b:s17+s6], $0x40, s3, s6, $0xb8;
	[tilespmem:$0x820] =	vst v63  }
0x79: {  	_ =	swait.ge [sflag:s7], $0x800  }
0x7a: {  	[sflag:s7] =	ssyncset.done $0x0  }
0x7b: {  	[sflag:s7] =	ssyncadd.s32 $0xFFFFF800  }
0x7c: {  	[hbm4b:s18+s3] =	stream.linear.scatter [tilespmem:s6], [sflag:$0x2], $0x800, $0x38;
	[tilespmem:$0x820] =	vst v63  }
0x7d: {  	_ =	swait.ge [sflag:s4], $0x800  }
0x7e: {  	[sflag:s4] =	ssyncset.done $0x0  }
0x7f: {  	[sflag:s4] =	ssyncadd.s32 $0xFFFFF800  }
0x80: {  	[tilespmem:s6], [sflag:$0x1] =	stream.indirect.gather [hbm4b:s19+s6], $0x40, s3, s6, $0xb8;
	[tilespmem:$0x820] =	vst v63  }
0x81: {  	_ =	swait.ge [sflag:s7], $0x800  }
0x82: {  	[sflag:s7] =	ssyncset.done $0x0  }
0x83: {  	[sflag:s7] =	ssyncadd.s32 $0xFFFFF800  }
0x84: {  	[hbm4b:s20+s3] =	stream.linear.scatter [tilespmem:s6], [sflag:$0x2], $0x800, $0x38;
	[tilespmem:$0x820] =	vst v63  }
0x85: {  	_ =	swait.ge [sflag:s4], $0x800  }
0x86: {  	[sflag:s4] =	ssyncset.done $0x0  }
0x87: {  	[sflag:s4] =	ssyncadd.s32 $0xFFFFF800  }
0x88: {  	[tilespmem:s6], [sflag:$0x1] =	stream.indirect.gather [hbm4b:s21+s6], $0x40, s3, s6, $0xb8;
	[tilespmem:$0x820] =	vst v63  }
0x89: {  	_ =	swait.ge [sflag:s7], $0x800  }
.Ltmp1:
0x8a: {  	[sflag:s7] =	ssyncset.done $0x0;
	(pc) =	sbr.rel @p0 .LBB2_1-.Ltmp1, $4  }
0x8b: {  	[sflag:s7] =	ssyncadd.s32 $0xFFFFF800  }
0x8c: {  	[hbm4b:s22+s3] =	stream.linear.scatter [tilespmem:s6], [sflag:$0x2], $0x800, $0x38;
	[tilespmem:$0x820] =	vst v63  }
0x8d: {  	_ =	swait.ge [sflag:s4], $0x800  }
0x8e: {  	[sflag:s4] =	ssyncset.done $0x0  }
.LBB2_2:
0x8f: {  	[sflag:s4] =	ssyncadd.s32 $0xFFFFF800  }
0x90: {  	_ =	sfence.sel $0x180000  }
0x91: {  	[bflag:$0x0] =	sbarrier.arrive $0xFFFF  }
0x92: {  	p0 =	sne.s32 s0, $0x0;
	_ =	strace $0x90000047  }
0x93: {  	s0 =	sadd.s32 @!p0 $0x100000, s1;
	[bflag:$0x2] =	sbarrier.arrive $0xFFFF  }
0x94: {  	[sflag:s0] =	ssyncadd.tile.s32 @!p0 $0x1;
	_ =	shalt  }
.Lfunc_end2:
_tile_overlayer_lowered:
.L_overlay_start_2:
0x95: {  	(tag) =	ssettag $0x2  }
0x96: {  	s0 =	rddreg [dreg:$0x0];
	s2 =	stileid.u32  }
0x97: {  	s1 =	rddreg [dreg:$0x1];
	p0 =	sne.s32 s2, $0x0  }
0x98: {  	s3 =	rddreg [dreg:$0x2];
	[bflag:$0x3] =	sbarrier.arrive $0xFFFF;
	s2 =	simm.s32 @!p0 $0x1C02  }
0x99: {  	[timem:s3], [sflag:s2] =	dma.local @!p0 [hbm:s0], s1  }
0x9a: {  	s0 =	simm.s32 @!p0 $0x2  }
0x9b: {  	_ =	swait.ge @!p0 [sflag:s0], s1  }
0x9c: {  	s1 =	ssub.s32 @!p0 $0x0, s1;
	[sflag:s0] =	ssyncset.done @!p0 $0x0  }
0x9d: {  	[sflag:s0] =	ssyncadd.s32 @!p0 s1  }
0x9e: {  	[bflag:$0x3] =	sbarrier.arrive $0xFFFF  }
0x9f: {  	_ =	shalt  }

</sc_bundles>
